<compile_context>
chip_gen: v7x
topology: tpu7x:2x2x1
jax: 0.10.2.dev20260603
libtpu: 0.0.44.dev20260713+nightly
codegen_flags: <defaults>
</compile_context>

<pallas_src>
import jax
import jax.numpy as jnp
from jax import lax
from jax.experimental import pallas as pl
from jax.experimental.pallas import tpu as pltpu
from jax.experimental.pallas import tpu_sc as plsc

N = 3276800
V = 1000000
NC = 2
NS = 16
NW = NC * NS
PER_W = N // NW
CHUNK = 4096
NCHUNK = PER_W // CHUNK
EPS = 1e-8
STAGE_PIECE = 10000
NPIECES = V // STAGE_PIECE
VPAD = 1000448

BLK = 327680


def _sc_gather_body(idx_hbm, table_hbm, c_hbm,
                    idx_v, c_v, stage_v, tab_sh, semI, semG, semS):
    sid = lax.axis_index("s")
    wid = sid * NC + lax.axis_index("c")
    base = wid * PER_W

    for r in range((NPIECES + NS - 1) // NS):
        p = sid + r * NS

        @pl.when(p < NPIECES)
        def _():
            off = p * STAGE_PIECE
            pltpu.sync_copy(table_hbm.at[pl.ds(off, STAGE_PIECE)], stage_v)
            pltpu.sync_copy(stage_v, tab_sh.at[pl.ds(off, STAGE_PIECE)])

    plsc.subcore_barrier()

    loads = {}
    gathers = {}
    stores = {}

    def fire_idx(g):
        b = g % 2
        off = base + g * CHUNK
        loads[g] = pltpu.async_copy(
            idx_hbm.at[pl.ds(off, CHUNK)], idx_v[b], semI[b])

    fire_idx(0)
    if NCHUNK > 1:
        fire_idx(1)

    for g in range(NCHUNK):
        b = g % 2
        off = base + g * CHUNK
        if g >= 2:
            stores[g - 2].wait()
        loads[g].wait()
        gathers[g] = pltpu.async_copy(tab_sh.at[idx_v[b]], c_v[b], semG[b])
        gathers[g].wait()
        if g + 2 < NCHUNK:
            fire_idx(g + 2)
        stores[g] = pltpu.async_copy(
            c_v[b], c_hbm.at[pl.ds(off, CHUNK)], semS[b])

    for g in (NCHUNK - 2, NCHUNK - 1):
        if g >= 0:
            stores[g].wait()


def _tc_solve_body(consts_ref, hg_ref, hb_ref, dx_ref, c_ref, og_ref, ob_ref):
    a = consts_ref[0]
    b = consts_ref[1]
    lamR = consts_ref[2]
    lamb = consts_ref[3]
    lamd = consts_ref[4]
    dx = jnp.maximum(dx_ref[...], 1e-6)
    beta = b / (dx + EPS)
    alpha = a - beta
    c = c_ref[...]
    A = lamb + lamR * (alpha * alpha)
    B = lamR * (alpha * beta)
    C = lamd + lamR * (beta * beta)
    rhs1 = lamb * hg_ref[...] + lamR * alpha * c
    rhs2 = lamd * hb_ref[...] + lamR * beta * c
    denom = A * C - B * B + EPS
    og_ref[...] = (C * rhs1 - B * rhs2) / denom
    ob_ref[...] = (-B * rhs1 + A * rhs2) / denom


def kernel(hg_hat, hb_hat, dx, ghost_local_idx, a, b, lamR_raw, lamb_raw,
           lamd_raw, c_table):
    f32 = jnp.float32
    lamR = jax.nn.softplus(lamR_raw) + EPS
    lamb = jax.nn.softplus(lamb_raw) + EPS
    lamd = jax.nn.softplus(lamd_raw) + EPS
    consts = jnp.stack([a, b, lamR, lamb, lamd]).astype(f32)

    sc_gather = pl.kernel(
        _sc_gather_body,
        out_type=jax.ShapeDtypeStruct((N,), f32),
        mesh=plsc.VectorSubcoreMesh(core_axis_name="c", subcore_axis_name="s"),
        scratch_types=(
            (pltpu.VMEM((CHUNK,), jnp.int32),) * 2,
            (pltpu.VMEM((CHUNK,), f32),) * 2,
            pltpu.VMEM((STAGE_PIECE,), f32),
            pltpu.VMEM_SHARED((V,), f32),
            (pltpu.SemaphoreType.DMA,) * 2,
            (pltpu.SemaphoreType.DMA,) * 2,
            (pltpu.SemaphoreType.DMA,) * 2,
        ),
    )
    table_padded = jnp.pad(c_table.astype(f32), ((0, VPAD - V), (0, 0)))
    c_flat = sc_gather(
        ghost_local_idx.astype(jnp.int32),
        table_padded.reshape(VPAD),
    )

    blk = pl.BlockSpec((BLK,), lambda i: (i,))
    outg, outb = pl.pallas_call(
        _tc_solve_body,
        grid=(N // BLK,),
        in_specs=[
            pl.BlockSpec(memory_space=pltpu.SMEM),
            blk, blk, blk, blk,
        ],
        out_specs=[blk, blk],
        out_shape=(
            jax.ShapeDtypeStruct((N,), f32),
            jax.ShapeDtypeStruct((N,), f32),
        ),
    )(
        consts,
        hg_hat.reshape(N),
        hb_hat.reshape(N),
        dx.reshape(N),
        c_flat,
    )
    return (outg.reshape(N, 1), outb.reshape(N, 1))

# --- scband reference (transcript-rebuilt; emitter-appended) ---
"""Pipeline reference for scband-robin-boundary-refiner-closed-form-87471303950929 (READ-ONLY COPY).

The authoritative reference and input builder live on the scoring server;
editing this copy changes nothing except your own understanding.
"""

import jax, jax.numpy as jnp
import numpy as np

N = 3276800
V = 1000000

def setup_inputs(seed: int = 0) -> dict:
    key = jax.random.key(seed)
    k1, k2, k3, k4 = jax.random.split(key, 4)
    hg_hat = jax.random.normal(k1, (N, 1), dtype=jnp.float32)
    hb_hat = jax.random.normal(k2, (N, 1), dtype=jnp.float32)
    dx = jax.random.uniform(k3, (N, 1), dtype=jnp.float32)
    ghost_local_idx = jax.random.randint(k4, (N,), 0, V)
    inv_sp = float(np.log(np.exp(1.0) - 1.0 + 1e-08))
    return {
        "hg_hat": hg_hat,
        "hb_hat": hb_hat,
        "dx": dx,
        "ghost_local_idx": ghost_local_idx,
        "a": jnp.float32(1.0),
        "b": jnp.float32(1.0),
        "lamR_raw": jnp.float32(inv_sp),
        "lamb_raw": jnp.float32(inv_sp),
        "lamd_raw": jnp.float32(inv_sp),
        "c_table": jnp.zeros((V, 1), dtype=jnp.float32),
    }

def reference(hg_hat, hb_hat, dx, ghost_local_idx, a, b, lamR_raw, lamb_raw, lamd_raw, c_table):
    eps = 1e-08
    dx = jnp.maximum(dx, 1e-06)
    beta = b / (dx + eps)
    alpha = a - beta
    c = jnp.take(c_table, ghost_local_idx, axis=0).astype(hg_hat.dtype)
    lamR = jax.nn.softplus(lamR_raw) + eps
    lamb = jax.nn.softplus(lamb_raw) + eps
    lamd = jax.nn.softplus(lamd_raw) + eps
    A = lamb + lamR * (alpha * alpha)
    B = lamR * (alpha * beta)
    C = lamd + lamR * (beta * beta)
    rhs1 = lamb * hg_hat + lamR * alpha * c
    rhs2 = lamd * hb_hat + lamR * beta * c
    denom = A * C - B * B + eps
    hg_star = (C * rhs1 - B * rhs2) / denom
    hb_star = (-B * rhs1 + A * rhs2) / denom
    return (hg_star, hb_star)

if __name__ == "__main__":
    import jax
    _d = setup_inputs()
    print(jax.jit(kernel)(*tuple(_d.values())))

</pallas_src>

<mosaic_0001>
#map = affine_map<(d0, d1) -> (0)>
module attributes {stable_mosaic.version = 14 : i64} {
  func.func @_sc_gather_body(%arg0: i32, %arg1: i32, %arg2: memref<3276800xi32, #tpu.memory_space<hbm>>, %arg3: memref<1000448xf32, #tpu.memory_space<hbm>>, %arg4: memref<3276800xf32, #tpu.memory_space<hbm>>, %arg5: memref<4096xi32, #tpu.memory_space<vmem>>, %arg6: memref<4096xi32, #tpu.memory_space<vmem>>, %arg7: memref<4096xf32, #tpu.memory_space<vmem>>, %arg8: memref<4096xf32, #tpu.memory_space<vmem>>, %arg9: memref<10000xf32, #tpu.memory_space<vmem>>, %arg10: memref<1000000xf32, #tpu.memory_space<vmem_shared>>, %arg11: memref<!tpu.dma_semaphore, #tpu.memory_space<semaphore_mem>>, %arg12: memref<!tpu.dma_semaphore, #tpu.memory_space<semaphore_mem>>, %arg13: memref<!tpu.dma_semaphore, #tpu.memory_space<semaphore_mem>>, %arg14: memref<!tpu.dma_semaphore, #tpu.memory_space<semaphore_mem>>, %arg15: memref<!tpu.dma_semaphore, #tpu.memory_space<semaphore_mem>>, %arg16: memref<!tpu.dma_semaphore, #tpu.memory_space<semaphore_mem>>) attributes {dimension_semantics = [#tpu.dimension_semantics<core_parallel>, #tpu.dimension_semantics<subcore_parallel>], iteration_bounds = array<i64: 2, 16>, scalar_prefetch = 0 : i64, scratch_operands = 12 : i64, tpu.core_type = #tpu.core_type<sc_vector_subcore>, window_params = [{transform_indices = #map}, {transform_indices = #map}, {transform_indices = #map}]} {
    %mul3A = arith.constant 2 : i32
    %mul3A_0 = arith.muli %arg1, %mul3A : i32
    %add3A = arith.addi %mul3A_0, %arg0 : i32
    %mul3A_1 = arith.constant 102400 : i32
    %mul3A_2 = arith.muli %add3A, %mul3A_1 : i32
    %add3A_3 = arith.constant 0 : i32
    %add3A_4 = arith.addi %arg1, %add3A_3 : i32
    %lt3A = arith.constant 100 : i32
    %lt3A_5 = arith.cmpi slt, %add3A_4, %lt3A : i32
    %convert_element_type3A = arith.extui %lt3A_5 : i1 to i32
    %cond3A = arith.constant 0 : i32
    %cond3A_6 = arith.cmpi ne, %convert_element_type3A, %cond3A : i32
    scf.if %cond3A_6 {
      %mul3A_447 = arith.constant 10000 : i32
      %mul3A_448 = arith.muli %add3A_4, %mul3A_447 : i32
      "tpu.region"() ({
        %run_scoped3A = tpu.sem_alloc : memref<!tpu.dma_semaphore, #tpu.memory_space<semaphore_mem>>
        %dma_start3A_449 = tpu.memref_slice %arg3[%mul3A_448] : memref<1000448xf32, #tpu.memory_space<hbm>> -> memref<10000xf32, #tpu.memory_space<hbm>>
        %dma_start3A_450 = tpu.memref_slice %arg3[%mul3A_448] : memref<1000448xf32, #tpu.memory_space<hbm>> -> memref<10000xf32, #tpu.memory_space<hbm>>
        tpu.enqueue_dma source(%dma_start3A_450 : memref<10000xf32, #tpu.memory_space<hbm>>) target(%arg9 : memref<10000xf32, #tpu.memory_space<vmem>>) target_semaphore(%run_scoped3A : memref<!tpu.dma_semaphore, #tpu.memory_space<semaphore_mem>>)
        %dma_wait3A_451 = tpu.memref_slice %arg3[%mul3A_448] : memref<1000448xf32, #tpu.memory_space<hbm>> -> memref<10000xf32, #tpu.memory_space<hbm>>
        %dma_wait3A_452 = tpu.memref_slice %arg3[%mul3A_448] : memref<1000448xf32, #tpu.memory_space<hbm>> -> memref<10000xf32, #tpu.memory_space<hbm>>
        tpu.wait_dma2 semaphore(%run_scoped3A : memref<!tpu.dma_semaphore, #tpu.memory_space<semaphore_mem>>) src(%dma_wait3A_452 : memref<10000xf32, #tpu.memory_space<hbm>>) dst(%arg9 : memref<10000xf32, #tpu.memory_space<vmem>>)
        tpu.yield
      }) : () -> ()
      "tpu.region"() ({
        %run_scoped3A = tpu.sem_alloc : memref<!tpu.dma_semaphore, #tpu.memory_space<semaphore_mem>>
        %dma_start3A_449 = tpu.memref_slice %arg10[%mul3A_448] : memref<1000000xf32, #tpu.memory_space<vmem_shared>> -> memref<10000xf32, #tpu.memory_space<vmem_shared>>
        %dma_start3A_450 = tpu.memref_slice %arg10[%mul3A_448] : memref<1000000xf32, #tpu.memory_space<vmem_shared>> -> memref<10000xf32, #tpu.memory_space<vmem_shared>>
        tpu.enqueue_dma source(%arg9 : memref<10000xf32, #tpu.memory_space<vmem>>) target(%dma_start3A_450 : memref<10000xf32, #tpu.memory_space<vmem_shared>>) target_semaphore(%run_scoped3A : memref<!tpu.dma_semaphore, #tpu.memory_space<semaphore_mem>>)
        %dma_wait3A_451 = tpu.memref_slice %arg10[%mul3A_448] : memref<1000000xf32, #tpu.memory_space<vmem_shared>> -> memref<10000xf32, #tpu.memory_space<vmem_shared>>
        %dma_wait3A_452 = tpu.memref_slice %arg10[%mul3A_448] : memref<1000000xf32, #tpu.memory_space<vmem_shared>> -> memref<10000xf32, #tpu.memory_space<vmem_shared>>
        tpu.wait_dma2 semaphore(%run_scoped3A : memref<!tpu.dma_semaphore, #tpu.memory_space<semaphore_mem>>) src(%arg9 : memref<10000xf32, #tpu.memory_space<vmem>>) dst(%dma_wait3A_452 : memref<10000xf32, #tpu.memory_space<vmem_shared>>)
        tpu.yield
      }) : () -> ()
    } else {
    }
    %add3A_7 = arith.constant 16 : i32
    %add3A_8 = arith.addi %arg1, %add3A_7 : i32
    %lt3A_9 = arith.constant 100 : i32
    %lt3A_10 = arith.cmpi slt, %add3A_8, %lt3A_9 : i32
    %convert_element_type3A_11 = arith.extui %lt3A_10 : i1 to i32
    %cond3A_12 = arith.constant 0 : i32
    %cond3A_13 = arith.cmpi ne, %convert_element_type3A_11, %cond3A_12 : i32
    scf.if %cond3A_13 {
      %mul3A_447 = arith.constant 10000 : i32
      %mul3A_448 = arith.muli %add3A_8, %mul3A_447 : i32
      "tpu.region"() ({
        %run_scoped3A = tpu.sem_alloc : memref<!tpu.dma_semaphore, #tpu.memory_space<semaphore_mem>>
        %dma_start3A_449 = tpu.memref_slice %arg3[%mul3A_448] : memref<1000448xf32, #tpu.memory_space<hbm>> -> memref<10000xf32, #tpu.memory_space<hbm>>
        %dma_start3A_450 = tpu.memref_slice %arg3[%mul3A_448] : memref<1000448xf32, #tpu.memory_space<hbm>> -> memref<10000xf32, #tpu.memory_space<hbm>>
        tpu.enqueue_dma source(%dma_start3A_450 : memref<10000xf32, #tpu.memory_space<hbm>>) target(%arg9 : memref<10000xf32, #tpu.memory_space<vmem>>) target_semaphore(%run_scoped3A : memref<!tpu.dma_semaphore, #tpu.memory_space<semaphore_mem>>)
        %dma_wait3A_451 = tpu.memref_slice %arg3[%mul3A_448] : memref<1000448xf32, #tpu.memory_space<hbm>> -> memref<10000xf32, #tpu.memory_space<hbm>>
        %dma_wait3A_452 = tpu.memref_slice %arg3[%mul3A_448] : memref<1000448xf32, #tpu.memory_space<hbm>> -> memref<10000xf32, #tpu.memory_space<hbm>>
        tpu.wait_dma2 semaphore(%run_scoped3A : memref<!tpu.dma_semaphore, #tpu.memory_space<semaphore_mem>>) src(%dma_wait3A_452 : memref<10000xf32, #tpu.memory_space<hbm>>) dst(%arg9 : memref<10000xf32, #tpu.memory_space<vmem>>)
        tpu.yield
      }) : () -> ()
      "tpu.region"() ({
        %run_scoped3A = tpu.sem_alloc : memref<!tpu.dma_semaphore, #tpu.memory_space<semaphore_mem>>
        %dma_start3A_449 = tpu.memref_slice %arg10[%mul3A_448] : memref<1000000xf32, #tpu.memory_space<vmem_shared>> -> memref<10000xf32, #tpu.memory_space<vmem_shared>>
        %dma_start3A_450 = tpu.memref_slice %arg10[%mul3A_448] : memref<1000000xf32, #tpu.memory_space<vmem_shared>> -> memref<10000xf32, #tpu.memory_space<vmem_shared>>
        tpu.enqueue_dma source(%arg9 : memref<10000xf32, #tpu.memory_space<vmem>>) target(%dma_start3A_450 : memref<10000xf32, #tpu.memory_space<vmem_shared>>) target_semaphore(%run_scoped3A : memref<!tpu.dma_semaphore, #tpu.memory_space<semaphore_mem>>)
        %dma_wait3A_451 = tpu.memref_slice %arg10[%mul3A_448] : memref<1000000xf32, #tpu.memory_space<vmem_shared>> -> memref<10000xf32, #tpu.memory_space<vmem_shared>>
        %dma_wait3A_452 = tpu.memref_slice %arg10[%mul3A_448] : memref<1000000xf32, #tpu.memory_space<vmem_shared>> -> memref<10000xf32, #tpu.memory_space<vmem_shared>>
        tpu.wait_dma2 semaphore(%run_scoped3A : memref<!tpu.dma_semaphore, #tpu.memory_space<semaphore_mem>>) src(%arg9 : memref<10000xf32, #tpu.memory_space<vmem>>) dst(%dma_wait3A_452 : memref<10000xf32, #tpu.memory_space<vmem_shared>>)
        tpu.yield
      }) : () -> ()
    } else {
    }
    %add3A_14 = arith.constant 32 : i32
    %add3A_15 = arith.addi %arg1, %add3A_14 : i32
    %lt3A_16 = arith.constant 100 : i32
    %lt3A_17 = arith.cmpi slt, %add3A_15, %lt3A_16 : i32
    %convert_element_type3A_18 = arith.extui %lt3A_17 : i1 to i32
    %cond3A_19 = arith.constant 0 : i32
    %cond3A_20 = arith.cmpi ne, %convert_element_type3A_18, %cond3A_19 : i32
    scf.if %cond3A_20 {
      %mul3A_447 = arith.constant 10000 : i32
      %mul3A_448 = arith.muli %add3A_15, %mul3A_447 : i32
      "tpu.region"() ({
        %run_scoped3A = tpu.sem_alloc : memref<!tpu.dma_semaphore, #tpu.memory_space<semaphore_mem>>
        %dma_start3A_449 = tpu.memref_slice %arg3[%mul3A_448] : memref<1000448xf32, #tpu.memory_space<hbm>> -> memref<10000xf32, #tpu.memory_space<hbm>>
        %dma_start3A_450 = tpu.memref_slice %arg3[%mul3A_448] : memref<1000448xf32, #tpu.memory_space<hbm>> -> memref<10000xf32, #tpu.memory_space<hbm>>
        tpu.enqueue_dma source(%dma_start3A_450 : memref<10000xf32, #tpu.memory_space<hbm>>) target(%arg9 : memref<10000xf32, #tpu.memory_space<vmem>>) target_semaphore(%run_scoped3A : memref<!tpu.dma_semaphore, #tpu.memory_space<semaphore_mem>>)
        %dma_wait3A_451 = tpu.memref_slice %arg3[%mul3A_448] : memref<1000448xf32, #tpu.memory_space<hbm>> -> memref<10000xf32, #tpu.memory_space<hbm>>
        %dma_wait3A_452 = tpu.memref_slice %arg3[%mul3A_448] : memref<1000448xf32, #tpu.memory_space<hbm>> -> memref<10000xf32, #tpu.memory_space<hbm>>
        tpu.wait_dma2 semaphore(%run_scoped3A : memref<!tpu.dma_semaphore, #tpu.memory_space<semaphore_mem>>) src(%dma_wait3A_452 : memref<10000xf32, #tpu.memory_space<hbm>>) dst(%arg9 : memref<10000xf32, #tpu.memory_space<vmem>>)
        tpu.yield
      }) : () -> ()
      "tpu.region"() ({
        %run_scoped3A = tpu.sem_alloc : memref<!tpu.dma_semaphore, #tpu.memory_space<semaphore_mem>>
        %dma_start3A_449 = tpu.memref_slice %arg10[%mul3A_448] : memref<1000000xf32, #tpu.memory_space<vmem_shared>> -> memref<10000xf32, #tpu.memory_space<vmem_shared>>
        %dma_start3A_450 = tpu.memref_slice %arg10[%mul3A_448] : memref<1000000xf32, #tpu.memory_space<vmem_shared>> -> memref<10000xf32, #tpu.memory_space<vmem_shared>>
        tpu.enqueue_dma source(%arg9 : memref<10000xf32, #tpu.memory_space<vmem>>) target(%dma_start3A_450 : memref<10000xf32, #tpu.memory_space<vmem_shared>>) target_semaphore(%run_scoped3A : memref<!tpu.dma_semaphore, #tpu.memory_space<semaphore_mem>>)
        %dma_wait3A_451 = tpu.memref_slice %arg10[%mul3A_448] : memref<1000000xf32, #tpu.memory_space<vmem_shared>> -> memref<10000xf32, #tpu.memory_space<vmem_shared>>
        %dma_wait3A_452 = tpu.memref_slice %arg10[%mul3A_448] : memref<1000000xf32, #tpu.memory_space<vmem_shared>> -> memref<10000xf32, #tpu.memory_space<vmem_shared>>
        tpu.wait_dma2 semaphore(%run_scoped3A : memref<!tpu.dma_semaphore, #tpu.memory_space<semaphore_mem>>) src(%arg9 : memref<10000xf32, #tpu.memory_space<vmem>>) dst(%dma_wait3A_452 : memref<10000xf32, #tpu.memory_space<vmem_shared>>)
        tpu.yield
      }) : () -> ()
    } else {
    }
    %add3A_21 = arith.constant 48 : i32
    %add3A_22 = arith.addi %arg1, %add3A_21 : i32
    %lt3A_23 = arith.constant 100 : i32
    %lt3A_24 = arith.cmpi slt, %add3A_22, %lt3A_23 : i32
    %convert_element_type3A_25 = arith.extui %lt3A_24 : i1 to i32
    %cond3A_26 = arith.constant 0 : i32
    %cond3A_27 = arith.cmpi ne, %convert_element_type3A_25, %cond3A_26 : i32
    scf.if %cond3A_27 {
      %mul3A_447 = arith.constant 10000 : i32
      %mul3A_448 = arith.muli %add3A_22, %mul3A_447 : i32
      "tpu.region"() ({
        %run_scoped3A = tpu.sem_alloc : memref<!tpu.dma_semaphore, #tpu.memory_space<semaphore_mem>>
        %dma_start3A_449 = tpu.memref_slice %arg3[%mul3A_448] : memref<1000448xf32, #tpu.memory_space<hbm>> -> memref<10000xf32, #tpu.memory_space<hbm>>
        %dma_start3A_450 = tpu.memref_slice %arg3[%mul3A_448] : memref<1000448xf32, #tpu.memory_space<hbm>> -> memref<10000xf32, #tpu.memory_space<hbm>>
        tpu.enqueue_dma source(%dma_start3A_450 : memref<10000xf32, #tpu.memory_space<hbm>>) target(%arg9 : memref<10000xf32, #tpu.memory_space<vmem>>) target_semaphore(%run_scoped3A : memref<!tpu.dma_semaphore, #tpu.memory_space<semaphore_mem>>)
        %dma_wait3A_451 = tpu.memref_slice %arg3[%mul3A_448] : memref<1000448xf32, #tpu.memory_space<hbm>> -> memref<10000xf32, #tpu.memory_space<hbm>>
        %dma_wait3A_452 = tpu.memref_slice %arg3[%mul3A_448] : memref<1000448xf32, #tpu.memory_space<hbm>> -> memref<10000xf32, #tpu.memory_space<hbm>>
        tpu.wait_dma2 semaphore(%run_scoped3A : memref<!tpu.dma_semaphore, #tpu.memory_space<semaphore_mem>>) src(%dma_wait3A_452 : memref<10000xf32, #tpu.memory_space<hbm>>) dst(%arg9 : memref<10000xf32, #tpu.memory_space<vmem>>)
        tpu.yield
      }) : () -> ()
      "tpu.region"() ({
        %run_scoped3A = tpu.sem_alloc : memref<!tpu.dma_semaphore, #tpu.memory_space<semaphore_mem>>
        %dma_start3A_449 = tpu.memref_slice %arg10[%mul3A_448] : memref<1000000xf32, #tpu.memory_space<vmem_shared>> -> memref<10000xf32, #tpu.memory_space<vmem_shared>>
        %dma_start3A_450 = tpu.memref_slice %arg10[%mul3A_448] : memref<1000000xf32, #tpu.memory_space<vmem_shared>> -> memref<10000xf32, #tpu.memory_space<vmem_shared>>
        tpu.enqueue_dma source(%arg9 : memref<10000xf32, #tpu.memory_space<vmem>>) target(%dma_start3A_450 : memref<10000xf32, #tpu.memory_space<vmem_shared>>) target_semaphore(%run_scoped3A : memref<!tpu.dma_semaphore, #tpu.memory_space<semaphore_mem>>)
        %dma_wait3A_451 = tpu.memref_slice %arg10[%mul3A_448] : memref<1000000xf32, #tpu.memory_space<vmem_shared>> -> memref<10000xf32, #tpu.memory_space<vmem_shared>>
        %dma_wait3A_452 = tpu.memref_slice %arg10[%mul3A_448] : memref<1000000xf32, #tpu.memory_space<vmem_shared>> -> memref<10000xf32, #tpu.memory_space<vmem_shared>>
        tpu.wait_dma2 semaphore(%run_scoped3A : memref<!tpu.dma_semaphore, #tpu.memory_space<semaphore_mem>>) src(%arg9 : memref<10000xf32, #tpu.memory_space<vmem>>) dst(%dma_wait3A_452 : memref<10000xf32, #tpu.memory_space<vmem_shared>>)
        tpu.yield
      }) : () -> ()
    } else {
    }
    %add3A_28 = arith.constant 64 : i32
    %add3A_29 = arith.addi %arg1, %add3A_28 : i32
    %lt3A_30 = arith.constant 100 : i32
    %lt3A_31 = arith.cmpi slt, %add3A_29, %lt3A_30 : i32
    %convert_element_type3A_32 = arith.extui %lt3A_31 : i1 to i32
    %cond3A_33 = arith.constant 0 : i32
    %cond3A_34 = arith.cmpi ne, %convert_element_type3A_32, %cond3A_33 : i32
    scf.if %cond3A_34 {
      %mul3A_447 = arith.constant 10000 : i32
      %mul3A_448 = arith.muli %add3A_29, %mul3A_447 : i32
      "tpu.region"() ({
        %run_scoped3A = tpu.sem_alloc : memref<!tpu.dma_semaphore, #tpu.memory_space<semaphore_mem>>
        %dma_start3A_449 = tpu.memref_slice %arg3[%mul3A_448] : memref<1000448xf32, #tpu.memory_space<hbm>> -> memref<10000xf32, #tpu.memory_space<hbm>>
        %dma_start3A_450 = tpu.memref_slice %arg3[%mul3A_448] : memref<1000448xf32, #tpu.memory_space<hbm>> -> memref<10000xf32, #tpu.memory_space<hbm>>
        tpu.enqueue_dma source(%dma_start3A_450 : memref<10000xf32, #tpu.memory_space<hbm>>) target(%arg9 : memref<10000xf32, #tpu.memory_space<vmem>>) target_semaphore(%run_scoped3A : memref<!tpu.dma_semaphore, #tpu.memory_space<semaphore_mem>>)
        %dma_wait3A_451 = tpu.memref_slice %arg3[%mul3A_448] : memref<1000448xf32, #tpu.memory_space<hbm>> -> memref<10000xf32, #tpu.memory_space<hbm>>
        %dma_wait3A_452 = tpu.memref_slice %arg3[%mul3A_448] : memref<1000448xf32, #tpu.memory_space<hbm>> -> memref<10000xf32, #tpu.memory_space<hbm>>
        tpu.wait_dma2 semaphore(%run_scoped3A : memref<!tpu.dma_semaphore, #tpu.memory_space<semaphore_mem>>) src(%dma_wait3A_452 : memref<10000xf32, #tpu.memory_space<hbm>>) dst(%arg9 : memref<10000xf32, #tpu.memory_space<vmem>>)
        tpu.yield
      }) : () -> ()
      "tpu.region"() ({
        %run_scoped3A = tpu.sem_alloc : memref<!tpu.dma_semaphore, #tpu.memory_space<semaphore_mem>>
        %dma_start3A_449 = tpu.memref_slice %arg10[%mul3A_448] : memref<1000000xf32, #tpu.memory_space<vmem_shared>> -> memref<10000xf32, #tpu.memory_space<vmem_shared>>
        %dma_start3A_450 = tpu.memref_slice %arg10[%mul3A_448] : memref<1000000xf32, #tpu.memory_space<vmem_shared>> -> memref<10000xf32, #tpu.memory_space<vmem_shared>>
        tpu.enqueue_dma source(%arg9 : memref<10000xf32, #tpu.memory_space<vmem>>) target(%dma_start3A_450 : memref<10000xf32, #tpu.memory_space<vmem_shared>>) target_semaphore(%run_scoped3A : memref<!tpu.dma_semaphore, #tpu.memory_space<semaphore_mem>>)
        %dma_wait3A_451 = tpu.memref_slice %arg10[%mul3A_448] : memref<1000000xf32, #tpu.memory_space<vmem_shared>> -> memref<10000xf32, #tpu.memory_space<vmem_shared>>
        %dma_wait3A_452 = tpu.memref_slice %arg10[%mul3A_448] : memref<1000000xf32, #tpu.memory_space<vmem_shared>> -> memref<10000xf32, #tpu.memory_space<vmem_shared>>
        tpu.wait_dma2 semaphore(%run_scoped3A : memref<!tpu.dma_semaphore, #tpu.memory_space<semaphore_mem>>) src(%arg9 : memref<10000xf32, #tpu.memory_space<vmem>>) dst(%dma_wait3A_452 : memref<10000xf32, #tpu.memory_space<vmem_shared>>)
        tpu.yield
      }) : () -> ()
    } else {
    }
    %add3A_35 = arith.constant 80 : i32
    %add3A_36 = arith.addi %arg1, %add3A_35 : i32
    %lt3A_37 = arith.constant 100 : i32
    %lt3A_38 = arith.cmpi slt, %add3A_36, %lt3A_37 : i32
    %convert_element_type3A_39 = arith.extui %lt3A_38 : i1 to i32
    %cond3A_40 = arith.constant 0 : i32
    %cond3A_41 = arith.cmpi ne, %convert_element_type3A_39, %cond3A_40 : i32
    scf.if %cond3A_41 {
      %mul3A_447 = arith.constant 10000 : i32
      %mul3A_448 = arith.muli %add3A_36, %mul3A_447 : i32
      "tpu.region"() ({
        %run_scoped3A = tpu.sem_alloc : memref<!tpu.dma_semaphore, #tpu.memory_space<semaphore_mem>>
        %dma_start3A_449 = tpu.memref_slice %arg3[%mul3A_448] : memref<1000448xf32, #tpu.memory_space<hbm>> -> memref<10000xf32, #tpu.memory_space<hbm>>
        %dma_start3A_450 = tpu.memref_slice %arg3[%mul3A_448] : memref<1000448xf32, #tpu.memory_space<hbm>> -> memref<10000xf32, #tpu.memory_space<hbm>>
        tpu.enqueue_dma source(%dma_start3A_450 : memref<10000xf32, #tpu.memory_space<hbm>>) target(%arg9 : memref<10000xf32, #tpu.memory_space<vmem>>) target_semaphore(%run_scoped3A : memref<!tpu.dma_semaphore, #tpu.memory_space<semaphore_mem>>)
        %dma_wait3A_451 = tpu.memref_slice %arg3[%mul3A_448] : memref<1000448xf32, #tpu.memory_space<hbm>> -> memref<10000xf32, #tpu.memory_space<hbm>>
        %dma_wait3A_452 = tpu.memref_slice %arg3[%mul3A_448] : memref<1000448xf32, #tpu.memory_space<hbm>> -> memref<10000xf32, #tpu.memory_space<hbm>>
        tpu.wait_dma2 semaphore(%run_scoped3A : memref<!tpu.dma_semaphore, #tpu.memory_space<semaphore_mem>>) src(%dma_wait3A_452 : memref<10000xf32, #tpu.memory_space<hbm>>) dst(%arg9 : memref<10000xf32, #tpu.memory_space<vmem>>)
        tpu.yield
      }) : () -> ()
      "tpu.region"() ({
        %run_scoped3A = tpu.sem_alloc : memref<!tpu.dma_semaphore, #tpu.memory_space<semaphore_mem>>
        %dma_start3A_449 = tpu.memref_slice %arg10[%mul3A_448] : memref<1000000xf32, #tpu.memory_space<vmem_shared>> -> memref<10000xf32, #tpu.memory_space<vmem_shared>>
        %dma_start3A_450 = tpu.memref_slice %arg10[%mul3A_448] : memref<1000000xf32, #tpu.memory_space<vmem_shared>> -> memref<10000xf32, #tpu.memory_space<vmem_shared>>
        tpu.enqueue_dma source(%arg9 : memref<10000xf32, #tpu.memory_space<vmem>>) target(%dma_start3A_450 : memref<10000xf32, #tpu.memory_space<vmem_shared>>) target_semaphore(%run_scoped3A : memref<!tpu.dma_semaphore, #tpu.memory_space<semaphore_mem>>)
        %dma_wait3A_451 = tpu.memref_slice %arg10[%mul3A_448] : memref<1000000xf32, #tpu.memory_space<vmem_shared>> -> memref<10000xf32, #tpu.memory_space<vmem_shared>>
        %dma_wait3A_452 = tpu.memref_slice %arg10[%mul3A_448] : memref<1000000xf32, #tpu.memory_space<vmem_shared>> -> memref<10000xf32, #tpu.memory_space<vmem_shared>>
        tpu.wait_dma2 semaphore(%run_scoped3A : memref<!tpu.dma_semaphore, #tpu.memory_space<semaphore_mem>>) src(%arg9 : memref<10000xf32, #tpu.memory_space<vmem>>) dst(%dma_wait3A_452 : memref<10000xf32, #tpu.memory_space<vmem_shared>>)
        tpu.yield
      }) : () -> ()
    } else {
    }
    %add3A_42 = arith.constant 96 : i32
    %add3A_43 = arith.addi %arg1, %add3A_42 : i32
    %lt3A_44 = arith.constant 100 : i32
    %lt3A_45 = arith.cmpi slt, %add3A_43, %lt3A_44 : i32
    %convert_element_type3A_46 = arith.extui %lt3A_45 : i1 to i32
    %cond3A_47 = arith.constant 0 : i32
    %cond3A_48 = arith.cmpi ne, %convert_element_type3A_46, %cond3A_47 : i32
    scf.if %cond3A_48 {
      %mul3A_447 = arith.constant 10000 : i32
      %mul3A_448 = arith.muli %add3A_43, %mul3A_447 : i32
      "tpu.region"() ({
        %run_scoped3A = tpu.sem_alloc : memref<!tpu.dma_semaphore, #tpu.memory_space<semaphore_mem>>
        %dma_start3A_449 = tpu.memref_slice %arg3[%mul3A_448] : memref<1000448xf32, #tpu.memory_space<hbm>> -> memref<10000xf32, #tpu.memory_space<hbm>>
        %dma_start3A_450 = tpu.memref_slice %arg3[%mul3A_448] : memref<1000448xf32, #tpu.memory_space<hbm>> -> memref<10000xf32, #tpu.memory_space<hbm>>
        tpu.enqueue_dma source(%dma_start3A_450 : memref<10000xf32, #tpu.memory_space<hbm>>) target(%arg9 : memref<10000xf32, #tpu.memory_space<vmem>>) target_semaphore(%run_scoped3A : memref<!tpu.dma_semaphore, #tpu.memory_space<semaphore_mem>>)
        %dma_wait3A_451 = tpu.memref_slice %arg3[%mul3A_448] : memref<1000448xf32, #tpu.memory_space<hbm>> -> memref<10000xf32, #tpu.memory_space<hbm>>
        %dma_wait3A_452 = tpu.memref_slice %arg3[%mul3A_448] : memref<1000448xf32, #tpu.memory_space<hbm>> -> memref<10000xf32, #tpu.memory_space<hbm>>
        tpu.wait_dma2 semaphore(%run_scoped3A : memref<!tpu.dma_semaphore, #tpu.memory_space<semaphore_mem>>) src(%dma_wait3A_452 : memref<10000xf32, #tpu.memory_space<hbm>>) dst(%arg9 : memref<10000xf32, #tpu.memory_space<vmem>>)
        tpu.yield
      }) : () -> ()
      "tpu.region"() ({
        %run_scoped3A = tpu.sem_alloc : memref<!tpu.dma_semaphore, #tpu.memory_space<semaphore_mem>>
        %dma_start3A_449 = tpu.memref_slice %arg10[%mul3A_448] : memref<1000000xf32, #tpu.memory_space<vmem_shared>> -> memref<10000xf32, #tpu.memory_space<vmem_shared>>
        %dma_start3A_450 = tpu.memref_slice %arg10[%mul3A_448] : memref<1000000xf32, #tpu.memory_space<vmem_shared>> -> memref<10000xf32, #tpu.memory_space<vmem_shared>>
        tpu.enqueue_dma source(%arg9 : memref<10000xf32, #tpu.memory_space<vmem>>) target(%dma_start3A_450 : memref<10000xf32, #tpu.memory_space<vmem_shared>>) target_semaphore(%run_scoped3A : memref<!tpu.dma_semaphore, #tpu.memory_space<semaphore_mem>>)
        %dma_wait3A_451 = tpu.memref_slice %arg10[%mul3A_448] : memref<1000000xf32, #tpu.memory_space<vmem_shared>> -> memref<10000xf32, #tpu.memory_space<vmem_shared>>
        %dma_wait3A_452 = tpu.memref_slice %arg10[%mul3A_448] : memref<1000000xf32, #tpu.memory_space<vmem_shared>> -> memref<10000xf32, #tpu.memory_space<vmem_shared>>
        tpu.wait_dma2 semaphore(%run_scoped3A : memref<!tpu.dma_semaphore, #tpu.memory_space<semaphore_mem>>) src(%arg9 : memref<10000xf32, #tpu.memory_space<vmem>>) dst(%dma_wait3A_452 : memref<10000xf32, #tpu.memory_space<vmem_shared>>)
        tpu.yield
      }) : () -> ()
    } else {
    }
    %barrier3A = arith.constant 0 : index
    tpu.barrier barrier_id(%barrier3A)
    %add3A_49 = arith.constant 0 : i32
    %add3A_50 = arith.addi %mul3A_2, %add3A_49 : i32
    %dma_start3A = tpu.memref_slice %arg2[%add3A_50] : memref<3276800xi32, #tpu.memory_space<hbm>> -> memref<4096xi32, #tpu.memory_space<hbm>>
    %dma_start3A_51 = tpu.memref_slice %arg2[%add3A_50] : memref<3276800xi32, #tpu.memory_space<hbm>> -> memref<4096xi32, #tpu.memory_space<hbm>>
    tpu.enqueue_dma source(%dma_start3A_51 : memref<4096xi32, #tpu.memory_space<hbm>>) target(%arg5 : memref<4096xi32, #tpu.memory_space<vmem>>) target_semaphore(%arg11 : memref<!tpu.dma_semaphore, #tpu.memory_space<semaphore_mem>>)
    %add3A_52 = arith.constant 4096 : i32
    %add3A_53 = arith.addi %mul3A_2, %add3A_52 : i32
    %dma_start3A_54 = tpu.memref_slice %arg2[%add3A_53] : memref<3276800xi32, #tpu.memory_space<hbm>> -> memref<4096xi32, #tpu.memory_space<hbm>>
    %dma_start3A_55 = tpu.memref_slice %arg2[%add3A_53] : memref<3276800xi32, #tpu.memory_space<hbm>> -> memref<4096xi32, #tpu.memory_space<hbm>>
    tpu.enqueue_dma source(%dma_start3A_55 : memref<4096xi32, #tpu.memory_space<hbm>>) target(%arg6 : memref<4096xi32, #tpu.memory_space<vmem>>) target_semaphore(%arg12 : memref<!tpu.dma_semaphore, #tpu.memory_space<semaphore_mem>>)
    %add3A_56 = arith.constant 0 : i32
    %add3A_57 = arith.addi %mul3A_2, %add3A_56 : i32
    %dma_wait3A = tpu.memref_slice %arg2[%add3A_50] : memref<3276800xi32, #tpu.memory_space<hbm>> -> memref<4096xi32, #tpu.memory_space<hbm>>
    %dma_wait3A_58 = tpu.memref_slice %arg2[%add3A_50] : memref<3276800xi32, #tpu.memory_space<hbm>> -> memref<4096xi32, #tpu.memory_space<hbm>>
    tpu.wait_dma2 semaphore(%arg11 : memref<!tpu.dma_semaphore, #tpu.memory_space<semaphore_mem>>) src(%dma_wait3A_58 : memref<4096xi32, #tpu.memory_space<hbm>>) dst(%arg5 : memref<4096xi32, #tpu.memory_space<vmem>>)
    %dma_start3A_59 = arith.constant 0 : i32
    %dma_start3A_60 = tpu.memref_slice %arg10[%dma_start3A_59] : memref<1000000xf32, #tpu.memory_space<vmem_shared>> -> memref<1000000xf32, #tpu.memory_space<vmem_shared>>
    tpu.enqueue_indirect_dma source(%dma_start3A_60 : memref<1000000xf32, #tpu.memory_space<vmem_shared>>) target(%arg7 : memref<4096xf32, #tpu.memory_space<vmem>>) offsets(%arg5 : memref<4096xi32, #tpu.memory_space<vmem>>) semaphore(%arg13 : memref<!tpu.dma_semaphore, #tpu.memory_space<semaphore_mem>>)
    %dma_wait3A_61 = arith.constant 0 : i32
    %dma_wait3A_62 = tpu.memref_slice %arg10[%dma_wait3A_61] : memref<1000000xf32, #tpu.memory_space<vmem_shared>> -> memref<1000000xf32, #tpu.memory_space<vmem_shared>>
    tpu.wait_indirect_dma semaphore(%arg13 : memref<!tpu.dma_semaphore, #tpu.memory_space<semaphore_mem>>) src(%dma_wait3A_62 : memref<1000000xf32, #tpu.memory_space<vmem_shared>>) dst(%arg7 : memref<4096xf32, #tpu.memory_space<vmem>>)
    %add3A_63 = arith.constant 8192 : i32
    %add3A_64 = arith.addi %mul3A_2, %add3A_63 : i32
    %dma_start3A_65 = tpu.memref_slice %arg2[%add3A_64] : memref<3276800xi32, #tpu.memory_space<hbm>> -> memref<4096xi32, #tpu.memory_space<hbm>>
    %dma_start3A_66 = tpu.memref_slice %arg2[%add3A_64] : memref<3276800xi32, #tpu.memory_space<hbm>> -> memref<4096xi32, #tpu.memory_space<hbm>>
    tpu.enqueue_dma source(%dma_start3A_66 : memref<4096xi32, #tpu.memory_space<hbm>>) target(%arg5 : memref<4096xi32, #tpu.memory_space<vmem>>) target_semaphore(%arg11 : memref<!tpu.dma_semaphore, #tpu.memory_space<semaphore_mem>>)
    %dma_start3A_67 = tpu.memref_slice %arg4[%add3A_57] : memref<3276800xf32, #tpu.memory_space<hbm>> -> memref<4096xf32, #tpu.memory_space<hbm>>
    %dma_start3A_68 = tpu.memref_slice %arg4[%add3A_57] : memref<3276800xf32, #tpu.memory_space<hbm>> -> memref<4096xf32, #tpu.memory_space<hbm>>
    tpu.enqueue_dma source(%arg7 : memref<4096xf32, #tpu.memory_space<vmem>>) target(%dma_start3A_68 : memref<4096xf32, #tpu.memory_space<hbm>>) target_semaphore(%arg15 : memref<!tpu.dma_semaphore, #tpu.memory_space<semaphore_mem>>)
    %add3A_69 = arith.constant 4096 : i32
    %add3A_70 = arith.addi %mul3A_2, %add3A_69 : i32
    %dma_wait3A_71 = tpu.memref_slice %arg2[%add3A_53] : memref<3276800xi32, #tpu.memory_space<hbm>> -> memref<4096xi32, #tpu.memory_space<hbm>>
    %dma_wait3A_72 = tpu.memref_slice %arg2[%add3A_53] : memref<3276800xi32, #tpu.memory_space<hbm>> -> memref<4096xi32, #tpu.memory_space<hbm>>
    tpu.wait_dma2 semaphore(%arg12 : memref<!tpu.dma_semaphore, #tpu.memory_space<semaphore_mem>>) src(%dma_wait3A_72 : memref<4096xi32, #tpu.memory_space<hbm>>) dst(%arg6 : memref<4096xi32, #tpu.memory_space<vmem>>)
    %dma_start3A_73 = arith.constant 0 : i32
    %dma_start3A_74 = tpu.memref_slice %arg10[%dma_start3A_73] : memref<1000000xf32, #tpu.memory_space<vmem_shared>> -> memref<1000000xf32, #tpu.memory_space<vmem_shared>>
    tpu.enqueue_indirect_dma source(%dma_start3A_74 : memref<1000000xf32, #tpu.memory_space<vmem_shared>>) target(%arg8 : memref<4096xf32, #tpu.memory_space<vmem>>) offsets(%arg6 : memref<4096xi32, #tpu.memory_space<vmem>>) semaphore(%arg14 : memref<!tpu.dma_semaphore, #tpu.memory_space<semaphore_mem>>)
    %dma_wait3A_75 = arith.constant 0 : i32
    %dma_wait3A_76 = tpu.memref_slice %arg10[%dma_wait3A_75] : memref<1000000xf32, #tpu.memory_space<vmem_shared>> -> memref<1000000xf32, #tpu.memory_space<vmem_shared>>
    tpu.wait_indirect_dma semaphore(%arg14 : memref<!tpu.dma_semaphore, #tpu.memory_space<semaphore_mem>>) src(%dma_wait3A_76 : memref<1000000xf32, #tpu.memory_space<vmem_shared>>) dst(%arg8 : memref<4096xf32, #tpu.memory_space<vmem>>)
    %add3A_77 = arith.constant 12288 : i32
    %add3A_78 = arith.addi %mul3A_2, %add3A_77 : i32
    %dma_start3A_79 = tpu.memref_slice %arg2[%add3A_78] : memref<3276800xi32, #tpu.memory_space<hbm>> -> memref<4096xi32, #tpu.memory_space<hbm>>
    %dma_start3A_80 = tpu.memref_slice %arg2[%add3A_78] : memref<3276800xi32, #tpu.memory_space<hbm>> -> memref<4096xi32, #tpu.memory_space<hbm>>
    tpu.enqueue_dma source(%dma_start3A_80 : memref<4096xi32, #tpu.memory_space<hbm>>) target(%arg6 : memref<4096xi32, #tpu.memory_space<vmem>>) target_semaphore(%arg12 : memref<!tpu.dma_semaphore, #tpu.memory_space<semaphore_mem>>)
    %dma_start3A_81 = tpu.memref_slice %arg4[%add3A_70] : memref<3276800xf32, #tpu.memory_space<hbm>> -> memref<4096xf32, #tpu.memory_space<hbm>>
    %dma_start3A_82 = tpu.memref_slice %arg4[%add3A_70] : memref<3276800xf32, #tpu.memory_space<hbm>> -> memref<4096xf32, #tpu.memory_space<hbm>>
    tpu.enqueue_dma source(%arg8 : memref<4096xf32, #tpu.memory_space<vmem>>) target(%dma_start3A_82 : memref<4096xf32, #tpu.memory_space<hbm>>) target_semaphore(%arg16 : memref<!tpu.dma_semaphore, #tpu.memory_space<semaphore_mem>>)
    %add3A_83 = arith.constant 8192 : i32
    %add3A_84 = arith.addi %mul3A_2, %add3A_83 : i32
    %dma_wait3A_85 = tpu.memref_slice %arg4[%add3A_57] : memref<3276800xf32, #tpu.memory_space<hbm>> -> memref<4096xf32, #tpu.memory_space<hbm>>
    %dma_wait3A_86 = tpu.memref_slice %arg4[%add3A_57] : memref<3276800xf32, #tpu.memory_space<hbm>> -> memref<4096xf32, #tpu.memory_space<hbm>>
    tpu.wait_dma2 semaphore(%arg15 : memref<!tpu.dma_semaphore, #tpu.memory_space<semaphore_mem>>) src(%arg7 : memref<4096xf32, #tpu.memory_space<vmem>>) dst(%dma_wait3A_86 : memref<4096xf32, #tpu.memory_space<hbm>>)
    %dma_wait3A_87 = tpu.memref_slice %arg2[%add3A_64] : memref<3276800xi32, #tpu.memory_space<hbm>> -> memref<4096xi32, #tpu.memory_space<hbm>>
    %dma_wait3A_88 = tpu.memref_slice %arg2[%add3A_64] : memref<3276800xi32, #tpu.memory_space<hbm>> -> memref<4096xi32, #tpu.memory_space<hbm>>
    tpu.wait_dma2 semaphore(%arg11 : memref<!tpu.dma_semaphore, #tpu.memory_space<semaphore_mem>>) src(%dma_wait3A_88 : memref<4096xi32, #tpu.memory_space<hbm>>) dst(%arg5 : memref<4096xi32, #tpu.memory_space<vmem>>)
    %dma_start3A_89 = arith.constant 0 : i32
    %dma_start3A_90 = tpu.memref_slice %arg10[%dma_start3A_89] : memref<1000000xf32, #tpu.memory_space<vmem_shared>> -> memref<1000000xf32, #tpu.memory_space<vmem_shared>>
    tpu.enqueue_indirect_dma source(%dma_start3A_90 : memref<1000000xf32, #tpu.memory_space<vmem_shared>>) target(%arg7 : memref<4096xf32, #tpu.memory_space<vmem>>) offsets(%arg5 : memref<4096xi32, #tpu.memory_space<vmem>>) semaphore(%arg13 : memref<!tpu.dma_semaphore, #tpu.memory_space<semaphore_mem>>)
    %dma_wait3A_91 = arith.constant 0 : i32
    %dma_wait3A_92 = tpu.memref_slice %arg10[%dma_wait3A_91] : memref<1000000xf32, #tpu.memory_space<vmem_shared>> -> memref<1000000xf32, #tpu.memory_space<vmem_shared>>
    tpu.wait_indirect_dma semaphore(%arg13 : memref<!tpu.dma_semaphore, #tpu.memory_space<semaphore_mem>>) src(%dma_wait3A_92 : memref<1000000xf32, #tpu.memory_space<vmem_shared>>) dst(%arg7 : memref<4096xf32, #tpu.memory_space<vmem>>)
    %add3A_93 = arith.constant 16384 : i32
    %add3A_94 = arith.addi %mul3A_2, %add3A_93 : i32
    %dma_start3A_95 = tpu.memref_slice %arg2[%add3A_94] : memref<3276800xi32, #tpu.memory_space<hbm>> -> memref<4096xi32, #tpu.memory_space<hbm>>
    %dma_start3A_96 = tpu.memref_slice %arg2[%add3A_94] : memref<3276800xi32, #tpu.memory_space<hbm>> -> memref<4096xi32, #tpu.memory_space<hbm>>
    tpu.enqueue_dma source(%dma_start3A_96 : memref<4096xi32, #tpu.memory_space<hbm>>) target(%arg5 : memref<4096xi32, #tpu.memory_space<vmem>>) target_semaphore(%arg11 : memref<!tpu.dma_semaphore, #tpu.memory_space<semaphore_mem>>)
    %dma_start3A_97 = tpu.memref_slice %arg4[%add3A_84] : memref<3276800xf32, #tpu.memory_space<hbm>> -> memref<4096xf32, #tpu.memory_space<hbm>>
    %dma_start3A_98 = tpu.memref_slice %arg4[%add3A_84] : memref<3276800xf32, #tpu.memory_space<hbm>> -> memref<4096xf32, #tpu.memory_space<hbm>>
    tpu.enqueue_dma source(%arg7 : memref<4096xf32, #tpu.memory_space<vmem>>) target(%dma_start3A_98 : memref<4096xf32, #tpu.memory_space<hbm>>) target_semaphore(%arg15 : memref<!tpu.dma_semaphore, #tpu.memory_space<semaphore_mem>>)
    %add3A_99 = arith.constant 12288 : i32
    %add3A_100 = arith.addi %mul3A_2, %add3A_99 : i32
    %dma_wait3A_101 = tpu.memref_slice %arg4[%add3A_70] : memref<3276800xf32, #tpu.memory_space<hbm>> -> memref<4096xf32, #tpu.memory_space<hbm>>
    %dma_wait3A_102 = tpu.memref_slice %arg4[%add3A_70] : memref<3276800xf32, #tpu.memory_space<hbm>> -> memref<4096xf32, #tpu.memory_space<hbm>>
    tpu.wait_dma2 semaphore(%arg16 : memref<!tpu.dma_semaphore, #tpu.memory_space<semaphore_mem>>) src(%arg8 : memref<4096xf32, #tpu.memory_space<vmem>>) dst(%dma_wait3A_102 : memref<4096xf32, #tpu.memory_space<hbm>>)
    %dma_wait3A_103 = tpu.memref_slice %arg2[%add3A_78] : memref<3276800xi32, #tpu.memory_space<hbm>> -> memref<4096xi32, #tpu.memory_space<hbm>>
    %dma_wait3A_104 = tpu.memref_slice %arg2[%add3A_78] : memref<3276800xi32, #tpu.memory_space<hbm>> -> memref<4096xi32, #tpu.memory_space<hbm>>
    tpu.wait_dma2 semaphore(%arg12 : memref<!tpu.dma_semaphore, #tpu.memory_space<semaphore_mem>>) src(%dma_wait3A_104 : memref<4096xi32, #tpu.memory_space<hbm>>) dst(%arg6 : memref<4096xi32, #tpu.memory_space<vmem>>)
    %dma_start3A_105 = arith.constant 0 : i32
    %dma_start3A_106 = tpu.memref_slice %arg10[%dma_start3A_105] : memref<1000000xf32, #tpu.memory_space<vmem_shared>> -> memref<1000000xf32, #tpu.memory_space<vmem_shared>>
    tpu.enqueue_indirect_dma source(%dma_start3A_106 : memref<1000000xf32, #tpu.memory_space<vmem_shared>>) target(%arg8 : memref<4096xf32, #tpu.memory_space<vmem>>) offsets(%arg6 : memref<4096xi32, #tpu.memory_space<vmem>>) semaphore(%arg14 : memref<!tpu.dma_semaphore, #tpu.memory_space<semaphore_mem>>)
    %dma_wait3A_107 = arith.constant 0 : i32
    %dma_wait3A_108 = tpu.memref_slice %arg10[%dma_wait3A_107] : memref<1000000xf32, #tpu.memory_space<vmem_shared>> -> memref<1000000xf32, #tpu.memory_space<vmem_shared>>
    tpu.wait_indirect_dma semaphore(%arg14 : memref<!tpu.dma_semaphore, #tpu.memory_space<semaphore_mem>>) src(%dma_wait3A_108 : memref<1000000xf32, #tpu.memory_space<vmem_shared>>) dst(%arg8 : memref<4096xf32, #tpu.memory_space<vmem>>)
    %add3A_109 = arith.constant 20480 : i32
    %add3A_110 = arith.addi %mul3A_2, %add3A_109 : i32
    %dma_start3A_111 = tpu.memref_slice %arg2[%add3A_110] : memref<3276800xi32, #tpu.memory_space<hbm>> -> memref<4096xi32, #tpu.memory_space<hbm>>
    %dma_start3A_112 = tpu.memref_slice %arg2[%add3A_110] : memref<3276800xi32, #tpu.memory_space<hbm>> -> memref<4096xi32, #tpu.memory_space<hbm>>
    tpu.enqueue_dma source(%dma_start3A_112 : memref<4096xi32, #tpu.memory_space<hbm>>) target(%arg6 : memref<4096xi32, #tpu.memory_space<vmem>>) target_semaphore(%arg12 : memref<!tpu.dma_semaphore, #tpu.memory_space<semaphore_mem>>)
    %dma_start3A_113 = tpu.memref_slice %arg4[%add3A_100] : memref<3276800xf32, #tpu.memory_space<hbm>> -> memref<4096xf32, #tpu.memory_space<hbm>>
    %dma_start3A_114 = tpu.memref_slice %arg4[%add3A_100] : memref<3276800xf32, #tpu.memory_space<hbm>> -> memref<4096xf32, #tpu.memory_space<hbm>>
    tpu.enqueue_dma source(%arg8 : memref<4096xf32, #tpu.memory_space<vmem>>) target(%dma_start3A_114 : memref<4096xf32, #tpu.memory_space<hbm>>) target_semaphore(%arg16 : memref<!tpu.dma_semaphore, #tpu.memory_space<semaphore_mem>>)
    %add3A_115 = arith.constant 16384 : i32
    %add3A_116 = arith.addi %mul3A_2, %add3A_115 : i32
    %dma_wait3A_117 = tpu.memref_slice %arg4[%add3A_84] : memref<3276800xf32, #tpu.memory_space<hbm>> -> memref<4096xf32, #tpu.memory_space<hbm>>
    %dma_wait3A_118 = tpu.memref_slice %arg4[%add3A_84] : memref<3276800xf32, #tpu.memory_space<hbm>> -> memref<4096xf32, #tpu.memory_space<hbm>>
    tpu.wait_dma2 semaphore(%arg15 : memref<!tpu.dma_semaphore, #tpu.memory_space<semaphore_mem>>) src(%arg7 : memref<4096xf32, #tpu.memory_space<vmem>>) dst(%dma_wait3A_118 : memref<4096xf32, #tpu.memory_space<hbm>>)
    %dma_wait3A_119 = tpu.memref_slice %arg2[%add3A_94] : memref<3276800xi32, #tpu.memory_space<hbm>> -> memref<4096xi32, #tpu.memory_space<hbm>>
    %dma_wait3A_120 = tpu.memref_slice %arg2[%add3A_94] : memref<3276800xi32, #tpu.memory_space<hbm>> -> memref<4096xi32, #tpu.memory_space<hbm>>
    tpu.wait_dma2 semaphore(%arg11 : memref<!tpu.dma_semaphore, #tpu.memory_space<semaphore_mem>>) src(%dma_wait3A_120 : memref<4096xi32, #tpu.memory_space<hbm>>) dst(%arg5 : memref<4096xi32, #tpu.memory_space<vmem>>)
    %dma_start3A_121 = arith.constant 0 : i32
    %dma_start3A_122 = tpu.memref_slice %arg10[%dma_start3A_121] : memref<1000000xf32, #tpu.memory_space<vmem_shared>> -> memref<1000000xf32, #tpu.memory_space<vmem_shared>>
    tpu.enqueue_indirect_dma source(%dma_start3A_122 : memref<1000000xf32, #tpu.memory_space<vmem_shared>>) target(%arg7 : memref<4096xf32, #tpu.memory_space<vmem>>) offsets(%arg5 : memref<4096xi32, #tpu.memory_space<vmem>>) semaphore(%arg13 : memref<!tpu.dma_semaphore, #tpu.memory_space<semaphore_mem>>)
    %dma_wait3A_123 = arith.constant 0 : i32
    %dma_wait3A_124 = tpu.memref_slice %arg10[%dma_wait3A_123] : memref<1000000xf32, #tpu.memory_space<vmem_shared>> -> memref<1000000xf32, #tpu.memory_space<vmem_shared>>
    tpu.wait_indirect_dma semaphore(%arg13 : memref<!tpu.dma_semaphore, #tpu.memory_space<semaphore_mem>>) src(%dma_wait3A_124 : memref<1000000xf32, #tpu.memory_space<vmem_shared>>) dst(%arg7 : memref<4096xf32, #tpu.memory_space<vmem>>)
    %add3A_125 = arith.constant 24576 : i32
    %add3A_126 = arith.addi %mul3A_2, %add3A_125 : i32
    %dma_start3A_127 = tpu.memref_slice %arg2[%add3A_126] : memref<3276800xi32, #tpu.memory_space<hbm>> -> memref<4096xi32, #tpu.memory_space<hbm>>
    %dma_start3A_128 = tpu.memref_slice %arg2[%add3A_126] : memref<3276800xi32, #tpu.memory_space<hbm>> -> memref<4096xi32, #tpu.memory_space<hbm>>
    tpu.enqueue_dma source(%dma_start3A_128 : memref<4096xi32, #tpu.memory_space<hbm>>) target(%arg5 : memref<4096xi32, #tpu.memory_space<vmem>>) target_semaphore(%arg11 : memref<!tpu.dma_semaphore, #tpu.memory_space<semaphore_mem>>)
    %dma_start3A_129 = tpu.memref_slice %arg4[%add3A_116] : memref<3276800xf32, #tpu.memory_space<hbm>> -> memref<4096xf32, #tpu.memory_space<hbm>>
    %dma_start3A_130 = tpu.memref_slice %arg4[%add3A_116] : memref<3276800xf32, #tpu.memory_space<hbm>> -> memref<4096xf32, #tpu.memory_space<hbm>>
    tpu.enqueue_dma source(%arg7 : memref<4096xf32, #tpu.memory_space<vmem>>) target(%dma_start3A_130 : memref<4096xf32, #tpu.memory_space<hbm>>) target_semaphore(%arg15 : memref<!tpu.dma_semaphore, #tpu.memory_space<semaphore_mem>>)
    %add3A_131 = arith.constant 20480 : i32
    %add3A_132 = arith.addi %mul3A_2, %add3A_131 : i32
    %dma_wait3A_133 = tpu.memref_slice %arg4[%add3A_100] : memref<3276800xf32, #tpu.memory_space<hbm>> -> memref<4096xf32, #tpu.memory_space<hbm>>
    %dma_wait3A_134 = tpu.memref_slice %arg4[%add3A_100] : memref<3276800xf32, #tpu.memory_space<hbm>> -> memref<4096xf32, #tpu.memory_space<hbm>>
    tpu.wait_dma2 semaphore(%arg16 : memref<!tpu.dma_semaphore, #tpu.memory_space<semaphore_mem>>) src(%arg8 : memref<4096xf32, #tpu.memory_space<vmem>>) dst(%dma_wait3A_134 : memref<4096xf32, #tpu.memory_space<hbm>>)
    %dma_wait3A_135 = tpu.memref_slice %arg2[%add3A_110] : memref<3276800xi32, #tpu.memory_space<hbm>> -> memref<4096xi32, #tpu.memory_space<hbm>>
    %dma_wait3A_136 = tpu.memref_slice %arg2[%add3A_110] : memref<3276800xi32, #tpu.memory_space<hbm>> -> memref<4096xi32, #tpu.memory_space<hbm>>
    tpu.wait_dma2 semaphore(%arg12 : memref<!tpu.dma_semaphore, #tpu.memory_space<semaphore_mem>>) src(%dma_wait3A_136 : memref<4096xi32, #tpu.memory_space<hbm>>) dst(%arg6 : memref<4096xi32, #tpu.memory_space<vmem>>)
    %dma_start3A_137 = arith.constant 0 : i32
    %dma_start3A_138 = tpu.memref_slice %arg10[%dma_start3A_137] : memref<1000000xf32, #tpu.memory_space<vmem_shared>> -> memref<1000000xf32, #tpu.memory_space<vmem_shared>>
    tpu.enqueue_indirect_dma source(%dma_start3A_138 : memref<1000000xf32, #tpu.memory_space<vmem_shared>>) target(%arg8 : memref<4096xf32, #tpu.memory_space<vmem>>) offsets(%arg6 : memref<4096xi32, #tpu.memory_space<vmem>>) semaphore(%arg14 : memref<!tpu.dma_semaphore, #tpu.memory_space<semaphore_mem>>)
    %dma_wait3A_139 = arith.constant 0 : i32
    %dma_wait3A_140 = tpu.memref_slice %arg10[%dma_wait3A_139] : memref<1000000xf32, #tpu.memory_space<vmem_shared>> -> memref<1000000xf32, #tpu.memory_space<vmem_shared>>
    tpu.wait_indirect_dma semaphore(%arg14 : memref<!tpu.dma_semaphore, #tpu.memory_space<semaphore_mem>>) src(%dma_wait3A_140 : memref<1000000xf32, #tpu.memory_space<vmem_shared>>) dst(%arg8 : memref<4096xf32, #tpu.memory_space<vmem>>)
    %add3A_141 = arith.constant 28672 : i32
    %add3A_142 = arith.addi %mul3A_2, %add3A_141 : i32
    %dma_start3A_143 = tpu.memref_slice %arg2[%add3A_142] : memref<3276800xi32, #tpu.memory_space<hbm>> -> memref<4096xi32, #tpu.memory_space<hbm>>
    %dma_start3A_144 = tpu.memref_slice %arg2[%add3A_142] : memref<3276800xi32, #tpu.memory_space<hbm>> -> memref<4096xi32, #tpu.memory_space<hbm>>
    tpu.enqueue_dma source(%dma_start3A_144 : memref<4096xi32, #tpu.memory_space<hbm>>) target(%arg6 : memref<4096xi32, #tpu.memory_space<vmem>>) target_semaphore(%arg12 : memref<!tpu.dma_semaphore, #tpu.memory_space<semaphore_mem>>)
    %dma_start3A_145 = tpu.memref_slice %arg4[%add3A_132] : memref<3276800xf32, #tpu.memory_space<hbm>> -> memref<4096xf32, #tpu.memory_space<hbm>>
    %dma_start3A_146 = tpu.memref_slice %arg4[%add3A_132] : memref<3276800xf32, #tpu.memory_space<hbm>> -> memref<4096xf32, #tpu.memory_space<hbm>>
    tpu.enqueue_dma source(%arg8 : memref<4096xf32, #tpu.memory_space<vmem>>) target(%dma_start3A_146 : memref<4096xf32, #tpu.memory_space<hbm>>) target_semaphore(%arg16 : memref<!tpu.dma_semaphore, #tpu.memory_space<semaphore_mem>>)
    %add3A_147 = arith.constant 24576 : i32
    %add3A_148 = arith.addi %mul3A_2, %add3A_147 : i32
    %dma_wait3A_149 = tpu.memref_slice %arg4[%add3A_116] : memref<3276800xf32, #tpu.memory_space<hbm>> -> memref<4096xf32, #tpu.memory_space<hbm>>
    %dma_wait3A_150 = tpu.memref_slice %arg4[%add3A_116] : memref<3276800xf32, #tpu.memory_space<hbm>> -> memref<4096xf32, #tpu.memory_space<hbm>>
    tpu.wait_dma2 semaphore(%arg15 : memref<!tpu.dma_semaphore, #tpu.memory_space<semaphore_mem>>) src(%arg7 : memref<4096xf32, #tpu.memory_space<vmem>>) dst(%dma_wait3A_150 : memref<4096xf32, #tpu.memory_space<hbm>>)
    %dma_wait3A_151 = tpu.memref_slice %arg2[%add3A_126] : memref<3276800xi32, #tpu.memory_space<hbm>> -> memref<4096xi32, #tpu.memory_space<hbm>>
    %dma_wait3A_152 = tpu.memref_slice %arg2[%add3A_126] : memref<3276800xi32, #tpu.memory_space<hbm>> -> memref<4096xi32, #tpu.memory_space<hbm>>
    tpu.wait_dma2 semaphore(%arg11 : memref<!tpu.dma_semaphore, #tpu.memory_space<semaphore_mem>>) src(%dma_wait3A_152 : memref<4096xi32, #tpu.memory_space<hbm>>) dst(%arg5 : memref<4096xi32, #tpu.memory_space<vmem>>)
    %dma_start3A_153 = arith.constant 0 : i32
    %dma_start3A_154 = tpu.memref_slice %arg10[%dma_start3A_153] : memref<1000000xf32, #tpu.memory_space<vmem_shared>> -> memref<1000000xf32, #tpu.memory_space<vmem_shared>>
    tpu.enqueue_indirect_dma source(%dma_start3A_154 : memref<1000000xf32, #tpu.memory_space<vmem_shared>>) target(%arg7 : memref<4096xf32, #tpu.memory_space<vmem>>) offsets(%arg5 : memref<4096xi32, #tpu.memory_space<vmem>>) semaphore(%arg13 : memref<!tpu.dma_semaphore, #tpu.memory_space<semaphore_mem>>)
    %dma_wait3A_155 = arith.constant 0 : i32
    %dma_wait3A_156 = tpu.memref_slice %arg10[%dma_wait3A_155] : memref<1000000xf32, #tpu.memory_space<vmem_shared>> -> memref<1000000xf32, #tpu.memory_space<vmem_shared>>
    tpu.wait_indirect_dma semaphore(%arg13 : memref<!tpu.dma_semaphore, #tpu.memory_space<semaphore_mem>>) src(%dma_wait3A_156 : memref<1000000xf32, #tpu.memory_space<vmem_shared>>) dst(%arg7 : memref<4096xf32, #tpu.memory_space<vmem>>)
    %add3A_157 = arith.constant 32768 : i32
    %add3A_158 = arith.addi %mul3A_2, %add3A_157 : i32
    %dma_start3A_159 = tpu.memref_slice %arg2[%add3A_158] : memref<3276800xi32, #tpu.memory_space<hbm>> -> memref<4096xi32, #tpu.memory_space<hbm>>
    %dma_start3A_160 = tpu.memref_slice %arg2[%add3A_158] : memref<3276800xi32, #tpu.memory_space<hbm>> -> memref<4096xi32, #tpu.memory_space<hbm>>
    tpu.enqueue_dma source(%dma_start3A_160 : memref<4096xi32, #tpu.memory_space<hbm>>) target(%arg5 : memref<4096xi32, #tpu.memory_space<vmem>>) target_semaphore(%arg11 : memref<!tpu.dma_semaphore, #tpu.memory_space<semaphore_mem>>)
    %dma_start3A_161 = tpu.memref_slice %arg4[%add3A_148] : memref<3276800xf32, #tpu.memory_space<hbm>> -> memref<4096xf32, #tpu.memory_space<hbm>>
    %dma_start3A_162 = tpu.memref_slice %arg4[%add3A_148] : memref<3276800xf32, #tpu.memory_space<hbm>> -> memref<4096xf32, #tpu.memory_space<hbm>>
    tpu.enqueue_dma source(%arg7 : memref<4096xf32, #tpu.memory_space<vmem>>) target(%dma_start3A_162 : memref<4096xf32, #tpu.memory_space<hbm>>) target_semaphore(%arg15 : memref<!tpu.dma_semaphore, #tpu.memory_space<semaphore_mem>>)
    %add3A_163 = arith.constant 28672 : i32
    %add3A_164 = arith.addi %mul3A_2, %add3A_163 : i32
    %dma_wait3A_165 = tpu.memref_slice %arg4[%add3A_132] : memref<3276800xf32, #tpu.memory_space<hbm>> -> memref<4096xf32, #tpu.memory_space<hbm>>
    %dma_wait3A_166 = tpu.memref_slice %arg4[%add3A_132] : memref<3276800xf32, #tpu.memory_space<hbm>> -> memref<4096xf32, #tpu.memory_space<hbm>>
    tpu.wait_dma2 semaphore(%arg16 : memref<!tpu.dma_semaphore, #tpu.memory_space<semaphore_mem>>) src(%arg8 : memref<4096xf32, #tpu.memory_space<vmem>>) dst(%dma_wait3A_166 : memref<4096xf32, #tpu.memory_space<hbm>>)
    %dma_wait3A_167 = tpu.memref_slice %arg2[%add3A_142] : memref<3276800xi32, #tpu.memory_space<hbm>> -> memref<4096xi32, #tpu.memory_space<hbm>>
    %dma_wait3A_168 = tpu.memref_slice %arg2[%add3A_142] : memref<3276800xi32, #tpu.memory_space<hbm>> -> memref<4096xi32, #tpu.memory_space<hbm>>
    tpu.wait_dma2 semaphore(%arg12 : memref<!tpu.dma_semaphore, #tpu.memory_space<semaphore_mem>>) src(%dma_wait3A_168 : memref<4096xi32, #tpu.memory_space<hbm>>) dst(%arg6 : memref<4096xi32, #tpu.memory_space<vmem>>)
    %dma_start3A_169 = arith.constant 0 : i32
    %dma_start3A_170 = tpu.memref_slice %arg10[%dma_start3A_169] : memref<1000000xf32, #tpu.memory_space<vmem_shared>> -> memref<1000000xf32, #tpu.memory_space<vmem_shared>>
    tpu.enqueue_indirect_dma source(%dma_start3A_170 : memref<1000000xf32, #tpu.memory_space<vmem_shared>>) target(%arg8 : memref<4096xf32, #tpu.memory_space<vmem>>) offsets(%arg6 : memref<4096xi32, #tpu.memory_space<vmem>>) semaphore(%arg14 : memref<!tpu.dma_semaphore, #tpu.memory_space<semaphore_mem>>)
    %dma_wait3A_171 = arith.constant 0 : i32
    %dma_wait3A_172 = tpu.memref_slice %arg10[%dma_wait3A_171] : memref<1000000xf32, #tpu.memory_space<vmem_shared>> -> memref<1000000xf32, #tpu.memory_space<vmem_shared>>
    tpu.wait_indirect_dma semaphore(%arg14 : memref<!tpu.dma_semaphore, #tpu.memory_space<semaphore_mem>>) src(%dma_wait3A_172 : memref<1000000xf32, #tpu.memory_space<vmem_shared>>) dst(%arg8 : memref<4096xf32, #tpu.memory_space<vmem>>)
    %add3A_173 = arith.constant 36864 : i32
    %add3A_174 = arith.addi %mul3A_2, %add3A_173 : i32
    %dma_start3A_175 = tpu.memref_slice %arg2[%add3A_174] : memref<3276800xi32, #tpu.memory_space<hbm>> -> memref<4096xi32, #tpu.memory_space<hbm>>
    %dma_start3A_176 = tpu.memref_slice %arg2[%add3A_174] : memref<3276800xi32, #tpu.memory_space<hbm>> -> memref<4096xi32, #tpu.memory_space<hbm>>
    tpu.enqueue_dma source(%dma_start3A_176 : memref<4096xi32, #tpu.memory_space<hbm>>) target(%arg6 : memref<4096xi32, #tpu.memory_space<vmem>>) target_semaphore(%arg12 : memref<!tpu.dma_semaphore, #tpu.memory_space<semaphore_mem>>)
    %dma_start3A_177 = tpu.memref_slice %arg4[%add3A_164] : memref<3276800xf32, #tpu.memory_space<hbm>> -> memref<4096xf32, #tpu.memory_space<hbm>>
    %dma_start3A_178 = tpu.memref_slice %arg4[%add3A_164] : memref<3276800xf32, #tpu.memory_space<hbm>> -> memref<4096xf32, #tpu.memory_space<hbm>>
    tpu.enqueue_dma source(%arg8 : memref<4096xf32, #tpu.memory_space<vmem>>) target(%dma_start3A_178 : memref<4096xf32, #tpu.memory_space<hbm>>) target_semaphore(%arg16 : memref<!tpu.dma_semaphore, #tpu.memory_space<semaphore_mem>>)
    %add3A_179 = arith.constant 32768 : i32
    %add3A_180 = arith.addi %mul3A_2, %add3A_179 : i32
    %dma_wait3A_181 = tpu.memref_slice %arg4[%add3A_148] : memref<3276800xf32, #tpu.memory_space<hbm>> -> memref<4096xf32, #tpu.memory_space<hbm>>
    %dma_wait3A_182 = tpu.memref_slice %arg4[%add3A_148] : memref<3276800xf32, #tpu.memory_space<hbm>> -> memref<4096xf32, #tpu.memory_space<hbm>>
    tpu.wait_dma2 semaphore(%arg15 : memref<!tpu.dma_semaphore, #tpu.memory_space<semaphore_mem>>) src(%arg7 : memref<4096xf32, #tpu.memory_space<vmem>>) dst(%dma_wait3A_182 : memref<4096xf32, #tpu.memory_space<hbm>>)
    %dma_wait3A_183 = tpu.memref_slice %arg2[%add3A_158] : memref<3276800xi32, #tpu.memory_space<hbm>> -> memref<4096xi32, #tpu.memory_space<hbm>>
    %dma_wait3A_184 = tpu.memref_slice %arg2[%add3A_158] : memref<3276800xi32, #tpu.memory_space<hbm>> -> memref<4096xi32, #tpu.memory_space<hbm>>
    tpu.wait_dma2 semaphore(%arg11 : memref<!tpu.dma_semaphore, #tpu.memory_space<semaphore_mem>>) src(%dma_wait3A_184 : memref<4096xi32, #tpu.memory_space<hbm>>) dst(%arg5 : memref<4096xi32, #tpu.memory_space<vmem>>)
    %dma_start3A_185 = arith.constant 0 : i32
    %dma_start3A_186 = tpu.memref_slice %arg10[%dma_start3A_185] : memref<1000000xf32, #tpu.memory_space<vmem_shared>> -> memref<1000000xf32, #tpu.memory_space<vmem_shared>>
    tpu.enqueue_indirect_dma source(%dma_start3A_186 : memref<1000000xf32, #tpu.memory_space<vmem_shared>>) target(%arg7 : memref<4096xf32, #tpu.memory_space<vmem>>) offsets(%arg5 : memref<4096xi32, #tpu.memory_space<vmem>>) semaphore(%arg13 : memref<!tpu.dma_semaphore, #tpu.memory_space<semaphore_mem>>)
    %dma_wait3A_187 = arith.constant 0 : i32
    %dma_wait3A_188 = tpu.memref_slice %arg10[%dma_wait3A_187] : memref<1000000xf32, #tpu.memory_space<vmem_shared>> -> memref<1000000xf32, #tpu.memory_space<vmem_shared>>
    tpu.wait_indirect_dma semaphore(%arg13 : memref<!tpu.dma_semaphore, #tpu.memory_space<semaphore_mem>>) src(%dma_wait3A_188 : memref<1000000xf32, #tpu.memory_space<vmem_shared>>) dst(%arg7 : memref<4096xf32, #tpu.memory_space<vmem>>)
    %add3A_189 = arith.constant 40960 : i32
    %add3A_190 = arith.addi %mul3A_2, %add3A_189 : i32
    %dma_start3A_191 = tpu.memref_slice %arg2[%add3A_190] : memref<3276800xi32, #tpu.memory_space<hbm>> -> memref<4096xi32, #tpu.memory_space<hbm>>
    %dma_start3A_192 = tpu.memref_slice %arg2[%add3A_190] : memref<3276800xi32, #tpu.memory_space<hbm>> -> memref<4096xi32, #tpu.memory_space<hbm>>
    tpu.enqueue_dma source(%dma_start3A_192 : memref<4096xi32, #tpu.memory_space<hbm>>) target(%arg5 : memref<4096xi32, #tpu.memory_space<vmem>>) target_semaphore(%arg11 : memref<!tpu.dma_semaphore, #tpu.memory_space<semaphore_mem>>)
    %dma_start3A_193 = tpu.memref_slice %arg4[%add3A_180] : memref<3276800xf32, #tpu.memory_space<hbm>> -> memref<4096xf32, #tpu.memory_space<hbm>>
    %dma_start3A_194 = tpu.memref_slice %arg4[%add3A_180] : memref<3276800xf32, #tpu.memory_space<hbm>> -> memref<4096xf32, #tpu.memory_space<hbm>>
    tpu.enqueue_dma source(%arg7 : memref<4096xf32, #tpu.memory_space<vmem>>) target(%dma_start3A_194 : memref<4096xf32, #tpu.memory_space<hbm>>) target_semaphore(%arg15 : memref<!tpu.dma_semaphore, #tpu.memory_space<semaphore_mem>>)
    %add3A_195 = arith.constant 36864 : i32
    %add3A_196 = arith.addi %mul3A_2, %add3A_195 : i32
    %dma_wait3A_197 = tpu.memref_slice %arg4[%add3A_164] : memref<3276800xf32, #tpu.memory_space<hbm>> -> memref<4096xf32, #tpu.memory_space<hbm>>
    %dma_wait3A_198 = tpu.memref_slice %arg4[%add3A_164] : memref<3276800xf32, #tpu.memory_space<hbm>> -> memref<4096xf32, #tpu.memory_space<hbm>>
    tpu.wait_dma2 semaphore(%arg16 : memref<!tpu.dma_semaphore, #tpu.memory_space<semaphore_mem>>) src(%arg8 : memref<4096xf32, #tpu.memory_space<vmem>>) dst(%dma_wait3A_198 : memref<4096xf32, #tpu.memory_space<hbm>>)
    %dma_wait3A_199 = tpu.memref_slice %arg2[%add3A_174] : memref<3276800xi32, #tpu.memory_space<hbm>> -> memref<4096xi32, #tpu.memory_space<hbm>>
    %dma_wait3A_200 = tpu.memref_slice %arg2[%add3A_174] : memref<3276800xi32, #tpu.memory_space<hbm>> -> memref<4096xi32, #tpu.memory_space<hbm>>
    tpu.wait_dma2 semaphore(%arg12 : memref<!tpu.dma_semaphore, #tpu.memory_space<semaphore_mem>>) src(%dma_wait3A_200 : memref<4096xi32, #tpu.memory_space<hbm>>) dst(%arg6 : memref<4096xi32, #tpu.memory_space<vmem>>)
    %dma_start3A_201 = arith.constant 0 : i32
    %dma_start3A_202 = tpu.memref_slice %arg10[%dma_start3A_201] : memref<1000000xf32, #tpu.memory_space<vmem_shared>> -> memref<1000000xf32, #tpu.memory_space<vmem_shared>>
    tpu.enqueue_indirect_dma source(%dma_start3A_202 : memref<1000000xf32, #tpu.memory_space<vmem_shared>>) target(%arg8 : memref<4096xf32, #tpu.memory_space<vmem>>) offsets(%arg6 : memref<4096xi32, #tpu.memory_space<vmem>>) semaphore(%arg14 : memref<!tpu.dma_semaphore, #tpu.memory_space<semaphore_mem>>)
    %dma_wait3A_203 = arith.constant 0 : i32
    %dma_wait3A_204 = tpu.memref_slice %arg10[%dma_wait3A_203] : memref<1000000xf32, #tpu.memory_space<vmem_shared>> -> memref<1000000xf32, #tpu.memory_space<vmem_shared>>
    tpu.wait_indirect_dma semaphore(%arg14 : memref<!tpu.dma_semaphore, #tpu.memory_space<semaphore_mem>>) src(%dma_wait3A_204 : memref<1000000xf32, #tpu.memory_space<vmem_shared>>) dst(%arg8 : memref<4096xf32, #tpu.memory_space<vmem>>)
    %add3A_205 = arith.constant 45056 : i32
    %add3A_206 = arith.addi %mul3A_2, %add3A_205 : i32
    %dma_start3A_207 = tpu.memref_slice %arg2[%add3A_206] : memref<3276800xi32, #tpu.memory_space<hbm>> -> memref<4096xi32, #tpu.memory_space<hbm>>
    %dma_start3A_208 = tpu.memref_slice %arg2[%add3A_206] : memref<3276800xi32, #tpu.memory_space<hbm>> -> memref<4096xi32, #tpu.memory_space<hbm>>
    tpu.enqueue_dma source(%dma_start3A_208 : memref<4096xi32, #tpu.memory_space<hbm>>) target(%arg6 : memref<4096xi32, #tpu.memory_space<vmem>>) target_semaphore(%arg12 : memref<!tpu.dma_semaphore, #tpu.memory_space<semaphore_mem>>)
    %dma_start3A_209 = tpu.memref_slice %arg4[%add3A_196] : memref<3276800xf32, #tpu.memory_space<hbm>> -> memref<4096xf32, #tpu.memory_space<hbm>>
    %dma_start3A_210 = tpu.memref_slice %arg4[%add3A_196] : memref<3276800xf32, #tpu.memory_space<hbm>> -> memref<4096xf32, #tpu.memory_space<hbm>>
    tpu.enqueue_dma source(%arg8 : memref<4096xf32, #tpu.memory_space<vmem>>) target(%dma_start3A_210 : memref<4096xf32, #tpu.memory_space<hbm>>) target_semaphore(%arg16 : memref<!tpu.dma_semaphore, #tpu.memory_space<semaphore_mem>>)
    %add3A_211 = arith.constant 40960 : i32
    %add3A_212 = arith.addi %mul3A_2, %add3A_211 : i32
    %dma_wait3A_213 = tpu.memref_slice %arg4[%add3A_180] : memref<3276800xf32, #tpu.memory_space<hbm>> -> memref<4096xf32, #tpu.memory_space<hbm>>
    %dma_wait3A_214 = tpu.memref_slice %arg4[%add3A_180] : memref<3276800xf32, #tpu.memory_space<hbm>> -> memref<4096xf32, #tpu.memory_space<hbm>>
    tpu.wait_dma2 semaphore(%arg15 : memref<!tpu.dma_semaphore, #tpu.memory_space<semaphore_mem>>) src(%arg7 : memref<4096xf32, #tpu.memory_space<vmem>>) dst(%dma_wait3A_214 : memref<4096xf32, #tpu.memory_space<hbm>>)
    %dma_wait3A_215 = tpu.memref_slice %arg2[%add3A_190] : memref<3276800xi32, #tpu.memory_space<hbm>> -> memref<4096xi32, #tpu.memory_space<hbm>>
    %dma_wait3A_216 = tpu.memref_slice %arg2[%add3A_190] : memref<3276800xi32, #tpu.memory_space<hbm>> -> memref<4096xi32, #tpu.memory_space<hbm>>
    tpu.wait_dma2 semaphore(%arg11 : memref<!tpu.dma_semaphore, #tpu.memory_space<semaphore_mem>>) src(%dma_wait3A_216 : memref<4096xi32, #tpu.memory_space<hbm>>) dst(%arg5 : memref<4096xi32, #tpu.memory_space<vmem>>)
    %dma_start3A_217 = arith.constant 0 : i32
    %dma_start3A_218 = tpu.memref_slice %arg10[%dma_start3A_217] : memref<1000000xf32, #tpu.memory_space<vmem_shared>> -> memref<1000000xf32, #tpu.memory_space<vmem_shared>>
    tpu.enqueue_indirect_dma source(%dma_start3A_218 : memref<1000000xf32, #tpu.memory_space<vmem_shared>>) target(%arg7 : memref<4096xf32, #tpu.memory_space<vmem>>) offsets(%arg5 : memref<4096xi32, #tpu.memory_space<vmem>>) semaphore(%arg13 : memref<!tpu.dma_semaphore, #tpu.memory_space<semaphore_mem>>)
    %dma_wait3A_219 = arith.constant 0 : i32
    %dma_wait3A_220 = tpu.memref_slice %arg10[%dma_wait3A_219] : memref<1000000xf32, #tpu.memory_space<vmem_shared>> -> memref<1000000xf32, #tpu.memory_space<vmem_shared>>
    tpu.wait_indirect_dma semaphore(%arg13 : memref<!tpu.dma_semaphore, #tpu.memory_space<semaphore_mem>>) src(%dma_wait3A_220 : memref<1000000xf32, #tpu.memory_space<vmem_shared>>) dst(%arg7 : memref<4096xf32, #tpu.memory_space<vmem>>)
    %add3A_221 = arith.constant 49152 : i32
    %add3A_222 = arith.addi %mul3A_2, %add3A_221 : i32
    %dma_start3A_223 = tpu.memref_slice %arg2[%add3A_222] : memref<3276800xi32, #tpu.memory_space<hbm>> -> memref<4096xi32, #tpu.memory_space<hbm>>
    %dma_start3A_224 = tpu.memref_slice %arg2[%add3A_222] : memref<3276800xi32, #tpu.memory_space<hbm>> -> memref<4096xi32, #tpu.memory_space<hbm>>
    tpu.enqueue_dma source(%dma_start3A_224 : memref<4096xi32, #tpu.memory_space<hbm>>) target(%arg5 : memref<4096xi32, #tpu.memory_space<vmem>>) target_semaphore(%arg11 : memref<!tpu.dma_semaphore, #tpu.memory_space<semaphore_mem>>)
    %dma_start3A_225 = tpu.memref_slice %arg4[%add3A_212] : memref<3276800xf32, #tpu.memory_space<hbm>> -> memref<4096xf32, #tpu.memory_space<hbm>>
    %dma_start3A_226 = tpu.memref_slice %arg4[%add3A_212] : memref<3276800xf32, #tpu.memory_space<hbm>> -> memref<4096xf32, #tpu.memory_space<hbm>>
    tpu.enqueue_dma source(%arg7 : memref<4096xf32, #tpu.memory_space<vmem>>) target(%dma_start3A_226 : memref<4096xf32, #tpu.memory_space<hbm>>) target_semaphore(%arg15 : memref<!tpu.dma_semaphore, #tpu.memory_space<semaphore_mem>>)
    %add3A_227 = arith.constant 45056 : i32
    %add3A_228 = arith.addi %mul3A_2, %add3A_227 : i32
    %dma_wait3A_229 = tpu.memref_slice %arg4[%add3A_196] : memref<3276800xf32, #tpu.memory_space<hbm>> -> memref<4096xf32, #tpu.memory_space<hbm>>
    %dma_wait3A_230 = tpu.memref_slice %arg4[%add3A_196] : memref<3276800xf32, #tpu.memory_space<hbm>> -> memref<4096xf32, #tpu.memory_space<hbm>>
    tpu.wait_dma2 semaphore(%arg16 : memref<!tpu.dma_semaphore, #tpu.memory_space<semaphore_mem>>) src(%arg8 : memref<4096xf32, #tpu.memory_space<vmem>>) dst(%dma_wait3A_230 : memref<4096xf32, #tpu.memory_space<hbm>>)
    %dma_wait3A_231 = tpu.memref_slice %arg2[%add3A_206] : memref<3276800xi32, #tpu.memory_space<hbm>> -> memref<4096xi32, #tpu.memory_space<hbm>>
    %dma_wait3A_232 = tpu.memref_slice %arg2[%add3A_206] : memref<3276800xi32, #tpu.memory_space<hbm>> -> memref<4096xi32, #tpu.memory_space<hbm>>
    tpu.wait_dma2 semaphore(%arg12 : memref<!tpu.dma_semaphore, #tpu.memory_space<semaphore_mem>>) src(%dma_wait3A_232 : memref<4096xi32, #tpu.memory_space<hbm>>) dst(%arg6 : memref<4096xi32, #tpu.memory_space<vmem>>)
    %dma_start3A_233 = arith.constant 0 : i32
    %dma_start3A_234 = tpu.memref_slice %arg10[%dma_start3A_233] : memref<1000000xf32, #tpu.memory_space<vmem_shared>> -> memref<1000000xf32, #tpu.memory_space<vmem_shared>>
    tpu.enqueue_indirect_dma source(%dma_start3A_234 : memref<1000000xf32, #tpu.memory_space<vmem_shared>>) target(%arg8 : memref<4096xf32, #tpu.memory_space<vmem>>) offsets(%arg6 : memref<4096xi32, #tpu.memory_space<vmem>>) semaphore(%arg14 : memref<!tpu.dma_semaphore, #tpu.memory_space<semaphore_mem>>)
    %dma_wait3A_235 = arith.constant 0 : i32
    %dma_wait3A_236 = tpu.memref_slice %arg10[%dma_wait3A_235] : memref<1000000xf32, #tpu.memory_space<vmem_shared>> -> memref<1000000xf32, #tpu.memory_space<vmem_shared>>
    tpu.wait_indirect_dma semaphore(%arg14 : memref<!tpu.dma_semaphore, #tpu.memory_space<semaphore_mem>>) src(%dma_wait3A_236 : memref<1000000xf32, #tpu.memory_space<vmem_shared>>) dst(%arg8 : memref<4096xf32, #tpu.memory_space<vmem>>)
    %add3A_237 = arith.constant 53248 : i32
    %add3A_238 = arith.addi %mul3A_2, %add3A_237 : i32
    %dma_start3A_239 = tpu.memref_slice %arg2[%add3A_238] : memref<3276800xi32, #tpu.memory_space<hbm>> -> memref<4096xi32, #tpu.memory_space<hbm>>
    %dma_start3A_240 = tpu.memref_slice %arg2[%add3A_238] : memref<3276800xi32, #tpu.memory_space<hbm>> -> memref<4096xi32, #tpu.memory_space<hbm>>
    tpu.enqueue_dma source(%dma_start3A_240 : memref<4096xi32, #tpu.memory_space<hbm>>) target(%arg6 : memref<4096xi32, #tpu.memory_space<vmem>>) target_semaphore(%arg12 : memref<!tpu.dma_semaphore, #tpu.memory_space<semaphore_mem>>)
    %dma_start3A_241 = tpu.memref_slice %arg4[%add3A_228] : memref<3276800xf32, #tpu.memory_space<hbm>> -> memref<4096xf32, #tpu.memory_space<hbm>>
    %dma_start3A_242 = tpu.memref_slice %arg4[%add3A_228] : memref<3276800xf32, #tpu.memory_space<hbm>> -> memref<4096xf32, #tpu.memory_space<hbm>>
    tpu.enqueue_dma source(%arg8 : memref<4096xf32, #tpu.memory_space<vmem>>) target(%dma_start3A_242 : memref<4096xf32, #tpu.memory_space<hbm>>) target_semaphore(%arg16 : memref<!tpu.dma_semaphore, #tpu.memory_space<semaphore_mem>>)
    %add3A_243 = arith.constant 49152 : i32
    %add3A_244 = arith.addi %mul3A_2, %add3A_243 : i32
    %dma_wait3A_245 = tpu.memref_slice %arg4[%add3A_212] : memref<3276800xf32, #tpu.memory_space<hbm>> -> memref<4096xf32, #tpu.memory_space<hbm>>
    %dma_wait3A_246 = tpu.memref_slice %arg4[%add3A_212] : memref<3276800xf32, #tpu.memory_space<hbm>> -> memref<4096xf32, #tpu.memory_space<hbm>>
    tpu.wait_dma2 semaphore(%arg15 : memref<!tpu.dma_semaphore, #tpu.memory_space<semaphore_mem>>) src(%arg7 : memref<4096xf32, #tpu.memory_space<vmem>>) dst(%dma_wait3A_246 : memref<4096xf32, #tpu.memory_space<hbm>>)
    %dma_wait3A_247 = tpu.memref_slice %arg2[%add3A_222] : memref<3276800xi32, #tpu.memory_space<hbm>> -> memref<4096xi32, #tpu.memory_space<hbm>>
    %dma_wait3A_248 = tpu.memref_slice %arg2[%add3A_222] : memref<3276800xi32, #tpu.memory_space<hbm>> -> memref<4096xi32, #tpu.memory_space<hbm>>
    tpu.wait_dma2 semaphore(%arg11 : memref<!tpu.dma_semaphore, #tpu.memory_space<semaphore_mem>>) src(%dma_wait3A_248 : memref<4096xi32, #tpu.memory_space<hbm>>) dst(%arg5 : memref<4096xi32, #tpu.memory_space<vmem>>)
    %dma_start3A_249 = arith.constant 0 : i32
    %dma_start3A_250 = tpu.memref_slice %arg10[%dma_start3A_249] : memref<1000000xf32, #tpu.memory_space<vmem_shared>> -> memref<1000000xf32, #tpu.memory_space<vmem_shared>>
    tpu.enqueue_indirect_dma source(%dma_start3A_250 : memref<1000000xf32, #tpu.memory_space<vmem_shared>>) target(%arg7 : memref<4096xf32, #tpu.memory_space<vmem>>) offsets(%arg5 : memref<4096xi32, #tpu.memory_space<vmem>>) semaphore(%arg13 : memref<!tpu.dma_semaphore, #tpu.memory_space<semaphore_mem>>)
    %dma_wait3A_251 = arith.constant 0 : i32
    %dma_wait3A_252 = tpu.memref_slice %arg10[%dma_wait3A_251] : memref<1000000xf32, #tpu.memory_space<vmem_shared>> -> memref<1000000xf32, #tpu.memory_space<vmem_shared>>
    tpu.wait_indirect_dma semaphore(%arg13 : memref<!tpu.dma_semaphore, #tpu.memory_space<semaphore_mem>>) src(%dma_wait3A_252 : memref<1000000xf32, #tpu.memory_space<vmem_shared>>) dst(%arg7 : memref<4096xf32, #tpu.memory_space<vmem>>)
    %add3A_253 = arith.constant 57344 : i32
    %add3A_254 = arith.addi %mul3A_2, %add3A_253 : i32
    %dma_start3A_255 = tpu.memref_slice %arg2[%add3A_254] : memref<3276800xi32, #tpu.memory_space<hbm>> -> memref<4096xi32, #tpu.memory_space<hbm>>
    %dma_start3A_256 = tpu.memref_slice %arg2[%add3A_254] : memref<3276800xi32, #tpu.memory_space<hbm>> -> memref<4096xi32, #tpu.memory_space<hbm>>
    tpu.enqueue_dma source(%dma_start3A_256 : memref<4096xi32, #tpu.memory_space<hbm>>) target(%arg5 : memref<4096xi32, #tpu.memory_space<vmem>>) target_semaphore(%arg11 : memref<!tpu.dma_semaphore, #tpu.memory_space<semaphore_mem>>)
    %dma_start3A_257 = tpu.memref_slice %arg4[%add3A_244] : memref<3276800xf32, #tpu.memory_space<hbm>> -> memref<4096xf32, #tpu.memory_space<hbm>>
    %dma_start3A_258 = tpu.memref_slice %arg4[%add3A_244] : memref<3276800xf32, #tpu.memory_space<hbm>> -> memref<4096xf32, #tpu.memory_space<hbm>>
    tpu.enqueue_dma source(%arg7 : memref<4096xf32, #tpu.memory_space<vmem>>) target(%dma_start3A_258 : memref<4096xf32, #tpu.memory_space<hbm>>) target_semaphore(%arg15 : memref<!tpu.dma_semaphore, #tpu.memory_space<semaphore_mem>>)
    %add3A_259 = arith.constant 53248 : i32
    %add3A_260 = arith.addi %mul3A_2, %add3A_259 : i32
    %dma_wait3A_261 = tpu.memref_slice %arg4[%add3A_228] : memref<3276800xf32, #tpu.memory_space<hbm>> -> memref<4096xf32, #tpu.memory_space<hbm>>
    %dma_wait3A_262 = tpu.memref_slice %arg4[%add3A_228] : memref<3276800xf32, #tpu.memory_space<hbm>> -> memref<4096xf32, #tpu.memory_space<hbm>>
    tpu.wait_dma2 semaphore(%arg16 : memref<!tpu.dma_semaphore, #tpu.memory_space<semaphore_mem>>) src(%arg8 : memref<4096xf32, #tpu.memory_space<vmem>>) dst(%dma_wait3A_262 : memref<4096xf32, #tpu.memory_space<hbm>>)
    %dma_wait3A_263 = tpu.memref_slice %arg2[%add3A_238] : memref<3276800xi32, #tpu.memory_space<hbm>> -> memref<4096xi32, #tpu.memory_space<hbm>>
    %dma_wait3A_264 = tpu.memref_slice %arg2[%add3A_238] : memref<3276800xi32, #tpu.memory_space<hbm>> -> memref<4096xi32, #tpu.memory_space<hbm>>
    tpu.wait_dma2 semaphore(%arg12 : memref<!tpu.dma_semaphore, #tpu.memory_space<semaphore_mem>>) src(%dma_wait3A_264 : memref<4096xi32, #tpu.memory_space<hbm>>) dst(%arg6 : memref<4096xi32, #tpu.memory_space<vmem>>)
    %dma_start3A_265 = arith.constant 0 : i32
    %dma_start3A_266 = tpu.memref_slice %arg10[%dma_start3A_265] : memref<1000000xf32, #tpu.memory_space<vmem_shared>> -> memref<1000000xf32, #tpu.memory_space<vmem_shared>>
    tpu.enqueue_indirect_dma source(%dma_start3A_266 : memref<1000000xf32, #tpu.memory_space<vmem_shared>>) target(%arg8 : memref<4096xf32, #tpu.memory_space<vmem>>) offsets(%arg6 : memref<4096xi32, #tpu.memory_space<vmem>>) semaphore(%arg14 : memref<!tpu.dma_semaphore, #tpu.memory_space<semaphore_mem>>)
    %dma_wait3A_267 = arith.constant 0 : i32
    %dma_wait3A_268 = tpu.memref_slice %arg10[%dma_wait3A_267] : memref<1000000xf32, #tpu.memory_space<vmem_shared>> -> memref<1000000xf32, #tpu.memory_space<vmem_shared>>
    tpu.wait_indirect_dma semaphore(%arg14 : memref<!tpu.dma_semaphore, #tpu.memory_space<semaphore_mem>>) src(%dma_wait3A_268 : memref<1000000xf32, #tpu.memory_space<vmem_shared>>) dst(%arg8 : memref<4096xf32, #tpu.memory_space<vmem>>)
    %add3A_269 = arith.constant 61440 : i32
    %add3A_270 = arith.addi %mul3A_2, %add3A_269 : i32
    %dma_start3A_271 = tpu.memref_slice %arg2[%add3A_270] : memref<3276800xi32, #tpu.memory_space<hbm>> -> memref<4096xi32, #tpu.memory_space<hbm>>
    %dma_start3A_272 = tpu.memref_slice %arg2[%add3A_270] : memref<3276800xi32, #tpu.memory_space<hbm>> -> memref<4096xi32, #tpu.memory_space<hbm>>
    tpu.enqueue_dma source(%dma_start3A_272 : memref<4096xi32, #tpu.memory_space<hbm>>) target(%arg6 : memref<4096xi32, #tpu.memory_space<vmem>>) target_semaphore(%arg12 : memref<!tpu.dma_semaphore, #tpu.memory_space<semaphore_mem>>)
    %dma_start3A_273 = tpu.memref_slice %arg4[%add3A_260] : memref<3276800xf32, #tpu.memory_space<hbm>> -> memref<4096xf32, #tpu.memory_space<hbm>>
    %dma_start3A_274 = tpu.memref_slice %arg4[%add3A_260] : memref<3276800xf32, #tpu.memory_space<hbm>> -> memref<4096xf32, #tpu.memory_space<hbm>>
    tpu.enqueue_dma source(%arg8 : memref<4096xf32, #tpu.memory_space<vmem>>) target(%dma_start3A_274 : memref<4096xf32, #tpu.memory_space<hbm>>) target_semaphore(%arg16 : memref<!tpu.dma_semaphore, #tpu.memory_space<semaphore_mem>>)
    %add3A_275 = arith.constant 57344 : i32
    %add3A_276 = arith.addi %mul3A_2, %add3A_275 : i32
    %dma_wait3A_277 = tpu.memref_slice %arg4[%add3A_244] : memref<3276800xf32, #tpu.memory_space<hbm>> -> memref<4096xf32, #tpu.memory_space<hbm>>
    %dma_wait3A_278 = tpu.memref_slice %arg4[%add3A_244] : memref<3276800xf32, #tpu.memory_space<hbm>> -> memref<4096xf32, #tpu.memory_space<hbm>>
    tpu.wait_dma2 semaphore(%arg15 : memref<!tpu.dma_semaphore, #tpu.memory_space<semaphore_mem>>) src(%arg7 : memref<4096xf32, #tpu.memory_space<vmem>>) dst(%dma_wait3A_278 : memref<4096xf32, #tpu.memory_space<hbm>>)
    %dma_wait3A_279 = tpu.memref_slice %arg2[%add3A_254] : memref<3276800xi32, #tpu.memory_space<hbm>> -> memref<4096xi32, #tpu.memory_space<hbm>>
    %dma_wait3A_280 = tpu.memref_slice %arg2[%add3A_254] : memref<3276800xi32, #tpu.memory_space<hbm>> -> memref<4096xi32, #tpu.memory_space<hbm>>
    tpu.wait_dma2 semaphore(%arg11 : memref<!tpu.dma_semaphore, #tpu.memory_space<semaphore_mem>>) src(%dma_wait3A_280 : memref<4096xi32, #tpu.memory_space<hbm>>) dst(%arg5 : memref<4096xi32, #tpu.memory_space<vmem>>)
    %dma_start3A_281 = arith.constant 0 : i32
    %dma_start3A_282 = tpu.memref_slice %arg10[%dma_start3A_281] : memref<1000000xf32, #tpu.memory_space<vmem_shared>> -> memref<1000000xf32, #tpu.memory_space<vmem_shared>>
    tpu.enqueue_indirect_dma source(%dma_start3A_282 : memref<1000000xf32, #tpu.memory_space<vmem_shared>>) target(%arg7 : memref<4096xf32, #tpu.memory_space<vmem>>) offsets(%arg5 : memref<4096xi32, #tpu.memory_space<vmem>>) semaphore(%arg13 : memref<!tpu.dma_semaphore, #tpu.memory_space<semaphore_mem>>)
    %dma_wait3A_283 = arith.constant 0 : i32
    %dma_wait3A_284 = tpu.memref_slice %arg10[%dma_wait3A_283] : memref<1000000xf32, #tpu.memory_space<vmem_shared>> -> memref<1000000xf32, #tpu.memory_space<vmem_shared>>
    tpu.wait_indirect_dma semaphore(%arg13 : memref<!tpu.dma_semaphore, #tpu.memory_space<semaphore_mem>>) src(%dma_wait3A_284 : memref<1000000xf32, #tpu.memory_space<vmem_shared>>) dst(%arg7 : memref<4096xf32, #tpu.memory_space<vmem>>)
    %add3A_285 = arith.constant 65536 : i32
    %add3A_286 = arith.addi %mul3A_2, %add3A_285 : i32
    %dma_start3A_287 = tpu.memref_slice %arg2[%add3A_286] : memref<3276800xi32, #tpu.memory_space<hbm>> -> memref<4096xi32, #tpu.memory_space<hbm>>
    %dma_start3A_288 = tpu.memref_slice %arg2[%add3A_286] : memref<3276800xi32, #tpu.memory_space<hbm>> -> memref<4096xi32, #tpu.memory_space<hbm>>
    tpu.enqueue_dma source(%dma_start3A_288 : memref<4096xi32, #tpu.memory_space<hbm>>) target(%arg5 : memref<4096xi32, #tpu.memory_space<vmem>>) target_semaphore(%arg11 : memref<!tpu.dma_semaphore, #tpu.memory_space<semaphore_mem>>)
    %dma_start3A_289 = tpu.memref_slice %arg4[%add3A_276] : memref<3276800xf32, #tpu.memory_space<hbm>> -> memref<4096xf32, #tpu.memory_space<hbm>>
    %dma_start3A_290 = tpu.memref_slice %arg4[%add3A_276] : memref<3276800xf32, #tpu.memory_space<hbm>> -> memref<4096xf32, #tpu.memory_space<hbm>>
    tpu.enqueue_dma source(%arg7 : memref<4096xf32, #tpu.memory_space<vmem>>) target(%dma_start3A_290 : memref<4096xf32, #tpu.memory_space<hbm>>) target_semaphore(%arg15 : memref<!tpu.dma_semaphore, #tpu.memory_space<semaphore_mem>>)
    %add3A_291 = arith.constant 61440 : i32
    %add3A_292 = arith.addi %mul3A_2, %add3A_291 : i32
    %dma_wait3A_293 = tpu.memref_slice %arg4[%add3A_260] : memref<3276800xf32, #tpu.memory_space<hbm>> -> memref<4096xf32, #tpu.memory_space<hbm>>
    %dma_wait3A_294 = tpu.memref_slice %arg4[%add3A_260] : memref<3276800xf32, #tpu.memory_space<hbm>> -> memref<4096xf32, #tpu.memory_space<hbm>>
    tpu.wait_dma2 semaphore(%arg16 : memref<!tpu.dma_semaphore, #tpu.memory_space<semaphore_mem>>) src(%arg8 : memref<4096xf32, #tpu.memory_space<vmem>>) dst(%dma_wait3A_294 : memref<4096xf32, #tpu.memory_space<hbm>>)
    %dma_wait3A_295 = tpu.memref_slice %arg2[%add3A_270] : memref<3276800xi32, #tpu.memory_space<hbm>> -> memref<4096xi32, #tpu.memory_space<hbm>>
    %dma_wait3A_296 = tpu.memref_slice %arg2[%add3A_270] : memref<3276800xi32, #tpu.memory_space<hbm>> -> memref<4096xi32, #tpu.memory_space<hbm>>
    tpu.wait_dma2 semaphore(%arg12 : memref<!tpu.dma_semaphore, #tpu.memory_space<semaphore_mem>>) src(%dma_wait3A_296 : memref<4096xi32, #tpu.memory_space<hbm>>) dst(%arg6 : memref<4096xi32, #tpu.memory_space<vmem>>)
    %dma_start3A_297 = arith.constant 0 : i32
    %dma_start3A_298 = tpu.memref_slice %arg10[%dma_start3A_297] : memref<1000000xf32, #tpu.memory_space<vmem_shared>> -> memref<1000000xf32, #tpu.memory_space<vmem_shared>>
    tpu.enqueue_indirect_dma source(%dma_start3A_298 : memref<1000000xf32, #tpu.memory_space<vmem_shared>>) target(%arg8 : memref<4096xf32, #tpu.memory_space<vmem>>) offsets(%arg6 : memref<4096xi32, #tpu.memory_space<vmem>>) semaphore(%arg14 : memref<!tpu.dma_semaphore, #tpu.memory_space<semaphore_mem>>)
    %dma_wait3A_299 = arith.constant 0 : i32
    %dma_wait3A_300 = tpu.memref_slice %arg10[%dma_wait3A_299] : memref<1000000xf32, #tpu.memory_space<vmem_shared>> -> memref<1000000xf32, #tpu.memory_space<vmem_shared>>
    tpu.wait_indirect_dma semaphore(%arg14 : memref<!tpu.dma_semaphore, #tpu.memory_space<semaphore_mem>>) src(%dma_wait3A_300 : memref<1000000xf32, #tpu.memory_space<vmem_shared>>) dst(%arg8 : memref<4096xf32, #tpu.memory_space<vmem>>)
    %add3A_301 = arith.constant 69632 : i32
    %add3A_302 = arith.addi %mul3A_2, %add3A_301 : i32
    %dma_start3A_303 = tpu.memref_slice %arg2[%add3A_302] : memref<3276800xi32, #tpu.memory_space<hbm>> -> memref<4096xi32, #tpu.memory_space<hbm>>
    %dma_start3A_304 = tpu.memref_slice %arg2[%add3A_302] : memref<3276800xi32, #tpu.memory_space<hbm>> -> memref<4096xi32, #tpu.memory_space<hbm>>
    tpu.enqueue_dma source(%dma_start3A_304 : memref<4096xi32, #tpu.memory_space<hbm>>) target(%arg6 : memref<4096xi32, #tpu.memory_space<vmem>>) target_semaphore(%arg12 : memref<!tpu.dma_semaphore, #tpu.memory_space<semaphore_mem>>)
    %dma_start3A_305 = tpu.memref_slice %arg4[%add3A_292] : memref<3276800xf32, #tpu.memory_space<hbm>> -> memref<4096xf32, #tpu.memory_space<hbm>>
    %dma_start3A_306 = tpu.memref_slice %arg4[%add3A_292] : memref<3276800xf32, #tpu.memory_space<hbm>> -> memref<4096xf32, #tpu.memory_space<hbm>>
    tpu.enqueue_dma source(%arg8 : memref<4096xf32, #tpu.memory_space<vmem>>) target(%dma_start3A_306 : memref<4096xf32, #tpu.memory_space<hbm>>) target_semaphore(%arg16 : memref<!tpu.dma_semaphore, #tpu.memory_space<semaphore_mem>>)
    %add3A_307 = arith.constant 65536 : i32
    %add3A_308 = arith.addi %mul3A_2, %add3A_307 : i32
    %dma_wait3A_309 = tpu.memref_slice %arg4[%add3A_276] : memref<3276800xf32, #tpu.memory_space<hbm>> -> memref<4096xf32, #tpu.memory_space<hbm>>
    %dma_wait3A_310 = tpu.memref_slice %arg4[%add3A_276] : memref<3276800xf32, #tpu.memory_space<hbm>> -> memref<4096xf32, #tpu.memory_space<hbm>>
    tpu.wait_dma2 semaphore(%arg15 : memref<!tpu.dma_semaphore, #tpu.memory_space<semaphore_mem>>) src(%arg7 : memref<4096xf32, #tpu.memory_space<vmem>>) dst(%dma_wait3A_310 : memref<4096xf32, #tpu.memory_space<hbm>>)
    %dma_wait3A_311 = tpu.memref_slice %arg2[%add3A_286] : memref<3276800xi32, #tpu.memory_space<hbm>> -> memref<4096xi32, #tpu.memory_space<hbm>>
    %dma_wait3A_312 = tpu.memref_slice %arg2[%add3A_286] : memref<3276800xi32, #tpu.memory_space<hbm>> -> memref<4096xi32, #tpu.memory_space<hbm>>
    tpu.wait_dma2 semaphore(%arg11 : memref<!tpu.dma_semaphore, #tpu.memory_space<semaphore_mem>>) src(%dma_wait3A_312 : memref<4096xi32, #tpu.memory_space<hbm>>) dst(%arg5 : memref<4096xi32, #tpu.memory_space<vmem>>)
    %dma_start3A_313 = arith.constant 0 : i32
    %dma_start3A_314 = tpu.memref_slice %arg10[%dma_start3A_313] : memref<1000000xf32, #tpu.memory_space<vmem_shared>> -> memref<1000000xf32, #tpu.memory_space<vmem_shared>>
    tpu.enqueue_indirect_dma source(%dma_start3A_314 : memref<1000000xf32, #tpu.memory_space<vmem_shared>>) target(%arg7 : memref<4096xf32, #tpu.memory_space<vmem>>) offsets(%arg5 : memref<4096xi32, #tpu.memory_space<vmem>>) semaphore(%arg13 : memref<!tpu.dma_semaphore, #tpu.memory_space<semaphore_mem>>)
    %dma_wait3A_315 = arith.constant 0 : i32
    %dma_wait3A_316 = tpu.memref_slice %arg10[%dma_wait3A_315] : memref<1000000xf32, #tpu.memory_space<vmem_shared>> -> memref<1000000xf32, #tpu.memory_space<vmem_shared>>
    tpu.wait_indirect_dma semaphore(%arg13 : memref<!tpu.dma_semaphore, #tpu.memory_space<semaphore_mem>>) src(%dma_wait3A_316 : memref<1000000xf32, #tpu.memory_space<vmem_shared>>) dst(%arg7 : memref<4096xf32, #tpu.memory_space<vmem>>)
    %add3A_317 = arith.constant 73728 : i32
    %add3A_318 = arith.addi %mul3A_2, %add3A_317 : i32
    %dma_start3A_319 = tpu.memref_slice %arg2[%add3A_318] : memref<3276800xi32, #tpu.memory_space<hbm>> -> memref<4096xi32, #tpu.memory_space<hbm>>
    %dma_start3A_320 = tpu.memref_slice %arg2[%add3A_318] : memref<3276800xi32, #tpu.memory_space<hbm>> -> memref<4096xi32, #tpu.memory_space<hbm>>
    tpu.enqueue_dma source(%dma_start3A_320 : memref<4096xi32, #tpu.memory_space<hbm>>) target(%arg5 : memref<4096xi32, #tpu.memory_space<vmem>>) target_semaphore(%arg11 : memref<!tpu.dma_semaphore, #tpu.memory_space<semaphore_mem>>)
    %dma_start3A_321 = tpu.memref_slice %arg4[%add3A_308] : memref<3276800xf32, #tpu.memory_space<hbm>> -> memref<4096xf32, #tpu.memory_space<hbm>>
    %dma_start3A_322 = tpu.memref_slice %arg4[%add3A_308] : memref<3276800xf32, #tpu.memory_space<hbm>> -> memref<4096xf32, #tpu.memory_space<hbm>>
    tpu.enqueue_dma source(%arg7 : memref<4096xf32, #tpu.memory_space<vmem>>) target(%dma_start3A_322 : memref<4096xf32, #tpu.memory_space<hbm>>) target_semaphore(%arg15 : memref<!tpu.dma_semaphore, #tpu.memory_space<semaphore_mem>>)
    %add3A_323 = arith.constant 69632 : i32
    %add3A_324 = arith.addi %mul3A_2, %add3A_323 : i32
    %dma_wait3A_325 = tpu.memref_slice %arg4[%add3A_292] : memref<3276800xf32, #tpu.memory_space<hbm>> -> memref<4096xf32, #tpu.memory_space<hbm>>
    %dma_wait3A_326 = tpu.memref_slice %arg4[%add3A_292] : memref<3276800xf32, #tpu.memory_space<hbm>> -> memref<4096xf32, #tpu.memory_space<hbm>>
    tpu.wait_dma2 semaphore(%arg16 : memref<!tpu.dma_semaphore, #tpu.memory_space<semaphore_mem>>) src(%arg8 : memref<4096xf32, #tpu.memory_space<vmem>>) dst(%dma_wait3A_326 : memref<4096xf32, #tpu.memory_space<hbm>>)
    %dma_wait3A_327 = tpu.memref_slice %arg2[%add3A_302] : memref<3276800xi32, #tpu.memory_space<hbm>> -> memref<4096xi32, #tpu.memory_space<hbm>>
    %dma_wait3A_328 = tpu.memref_slice %arg2[%add3A_302] : memref<3276800xi32, #tpu.memory_space<hbm>> -> memref<4096xi32, #tpu.memory_space<hbm>>
    tpu.wait_dma2 semaphore(%arg12 : memref<!tpu.dma_semaphore, #tpu.memory_space<semaphore_mem>>) src(%dma_wait3A_328 : memref<4096xi32, #tpu.memory_space<hbm>>) dst(%arg6 : memref<4096xi32, #tpu.memory_space<vmem>>)
    %dma_start3A_329 = arith.constant 0 : i32
    %dma_start3A_330 = tpu.memref_slice %arg10[%dma_start3A_329] : memref<1000000xf32, #tpu.memory_space<vmem_shared>> -> memref<1000000xf32, #tpu.memory_space<vmem_shared>>
    tpu.enqueue_indirect_dma source(%dma_start3A_330 : memref<1000000xf32, #tpu.memory_space<vmem_shared>>) target(%arg8 : memref<4096xf32, #tpu.memory_space<vmem>>) offsets(%arg6 : memref<4096xi32, #tpu.memory_space<vmem>>) semaphore(%arg14 : memref<!tpu.dma_semaphore, #tpu.memory_space<semaphore_mem>>)
    %dma_wait3A_331 = arith.constant 0 : i32
    %dma_wait3A_332 = tpu.memref_slice %arg10[%dma_wait3A_331] : memref<1000000xf32, #tpu.memory_space<vmem_shared>> -> memref<1000000xf32, #tpu.memory_space<vmem_shared>>
    tpu.wait_indirect_dma semaphore(%arg14 : memref<!tpu.dma_semaphore, #tpu.memory_space<semaphore_mem>>) src(%dma_wait3A_332 : memref<1000000xf32, #tpu.memory_space<vmem_shared>>) dst(%arg8 : memref<4096xf32, #tpu.memory_space<vmem>>)
    %add3A_333 = arith.constant 77824 : i32
    %add3A_334 = arith.addi %mul3A_2, %add3A_333 : i32
    %dma_start3A_335 = tpu.memref_slice %arg2[%add3A_334] : memref<3276800xi32, #tpu.memory_space<hbm>> -> memref<4096xi32, #tpu.memory_space<hbm>>
    %dma_start3A_336 = tpu.memref_slice %arg2[%add3A_334] : memref<3276800xi32, #tpu.memory_space<hbm>> -> memref<4096xi32, #tpu.memory_space<hbm>>
    tpu.enqueue_dma source(%dma_start3A_336 : memref<4096xi32, #tpu.memory_space<hbm>>) target(%arg6 : memref<4096xi32, #tpu.memory_space<vmem>>) target_semaphore(%arg12 : memref<!tpu.dma_semaphore, #tpu.memory_space<semaphore_mem>>)
    %dma_start3A_337 = tpu.memref_slice %arg4[%add3A_324] : memref<3276800xf32, #tpu.memory_space<hbm>> -> memref<4096xf32, #tpu.memory_space<hbm>>
    %dma_start3A_338 = tpu.memref_slice %arg4[%add3A_324] : memref<3276800xf32, #tpu.memory_space<hbm>> -> memref<4096xf32, #tpu.memory_space<hbm>>
    tpu.enqueue_dma source(%arg8 : memref<4096xf32, #tpu.memory_space<vmem>>) target(%dma_start3A_338 : memref<4096xf32, #tpu.memory_space<hbm>>) target_semaphore(%arg16 : memref<!tpu.dma_semaphore, #tpu.memory_space<semaphore_mem>>)
    %add3A_339 = arith.constant 73728 : i32
    %add3A_340 = arith.addi %mul3A_2, %add3A_339 : i32
    %dma_wait3A_341 = tpu.memref_slice %arg4[%add3A_308] : memref<3276800xf32, #tpu.memory_space<hbm>> -> memref<4096xf32, #tpu.memory_space<hbm>>
    %dma_wait3A_342 = tpu.memref_slice %arg4[%add3A_308] : memref<3276800xf32, #tpu.memory_space<hbm>> -> memref<4096xf32, #tpu.memory_space<hbm>>
    tpu.wait_dma2 semaphore(%arg15 : memref<!tpu.dma_semaphore, #tpu.memory_space<semaphore_mem>>) src(%arg7 : memref<4096xf32, #tpu.memory_space<vmem>>) dst(%dma_wait3A_342 : memref<4096xf32, #tpu.memory_space<hbm>>)
    %dma_wait3A_343 = tpu.memref_slice %arg2[%add3A_318] : memref<3276800xi32, #tpu.memory_space<hbm>> -> memref<4096xi32, #tpu.memory_space<hbm>>
    %dma_wait3A_344 = tpu.memref_slice %arg2[%add3A_318] : memref<3276800xi32, #tpu.memory_space<hbm>> -> memref<4096xi32, #tpu.memory_space<hbm>>
    tpu.wait_dma2 semaphore(%arg11 : memref<!tpu.dma_semaphore, #tpu.memory_space<semaphore_mem>>) src(%dma_wait3A_344 : memref<4096xi32, #tpu.memory_space<hbm>>) dst(%arg5 : memref<4096xi32, #tpu.memory_space<vmem>>)
    %dma_start3A_345 = arith.constant 0 : i32
    %dma_start3A_346 = tpu.memref_slice %arg10[%dma_start3A_345] : memref<1000000xf32, #tpu.memory_space<vmem_shared>> -> memref<1000000xf32, #tpu.memory_space<vmem_shared>>
    tpu.enqueue_indirect_dma source(%dma_start3A_346 : memref<1000000xf32, #tpu.memory_space<vmem_shared>>) target(%arg7 : memref<4096xf32, #tpu.memory_space<vmem>>) offsets(%arg5 : memref<4096xi32, #tpu.memory_space<vmem>>) semaphore(%arg13 : memref<!tpu.dma_semaphore, #tpu.memory_space<semaphore_mem>>)
    %dma_wait3A_347 = arith.constant 0 : i32
    %dma_wait3A_348 = tpu.memref_slice %arg10[%dma_wait3A_347] : memref<1000000xf32, #tpu.memory_space<vmem_shared>> -> memref<1000000xf32, #tpu.memory_space<vmem_shared>>
    tpu.wait_indirect_dma semaphore(%arg13 : memref<!tpu.dma_semaphore, #tpu.memory_space<semaphore_mem>>) src(%dma_wait3A_348 : memref<1000000xf32, #tpu.memory_space<vmem_shared>>) dst(%arg7 : memref<4096xf32, #tpu.memory_space<vmem>>)
    %add3A_349 = arith.constant 81920 : i32
    %add3A_350 = arith.addi %mul3A_2, %add3A_349 : i32
    %dma_start3A_351 = tpu.memref_slice %arg2[%add3A_350] : memref<3276800xi32, #tpu.memory_space<hbm>> -> memref<4096xi32, #tpu.memory_space<hbm>>
    %dma_start3A_352 = tpu.memref_slice %arg2[%add3A_350] : memref<3276800xi32, #tpu.memory_space<hbm>> -> memref<4096xi32, #tpu.memory_space<hbm>>
    tpu.enqueue_dma source(%dma_start3A_352 : memref<4096xi32, #tpu.memory_space<hbm>>) target(%arg5 : memref<4096xi32, #tpu.memory_space<vmem>>) target_semaphore(%arg11 : memref<!tpu.dma_semaphore, #tpu.memory_space<semaphore_mem>>)
    %dma_start3A_353 = tpu.memref_slice %arg4[%add3A_340] : memref<3276800xf32, #tpu.memory_space<hbm>> -> memref<4096xf32, #tpu.memory_space<hbm>>
    %dma_start3A_354 = tpu.memref_slice %arg4[%add3A_340] : memref<3276800xf32, #tpu.memory_space<hbm>> -> memref<4096xf32, #tpu.memory_space<hbm>>
    tpu.enqueue_dma source(%arg7 : memref<4096xf32, #tpu.memory_space<vmem>>) target(%dma_start3A_354 : memref<4096xf32, #tpu.memory_space<hbm>>) target_semaphore(%arg15 : memref<!tpu.dma_semaphore, #tpu.memory_space<semaphore_mem>>)
    %add3A_355 = arith.constant 77824 : i32
    %add3A_356 = arith.addi %mul3A_2, %add3A_355 : i32
    %dma_wait3A_357 = tpu.memref_slice %arg4[%add3A_324] : memref<3276800xf32, #tpu.memory_space<hbm>> -> memref<4096xf32, #tpu.memory_space<hbm>>
    %dma_wait3A_358 = tpu.memref_slice %arg4[%add3A_324] : memref<3276800xf32, #tpu.memory_space<hbm>> -> memref<4096xf32, #tpu.memory_space<hbm>>
    tpu.wait_dma2 semaphore(%arg16 : memref<!tpu.dma_semaphore, #tpu.memory_space<semaphore_mem>>) src(%arg8 : memref<4096xf32, #tpu.memory_space<vmem>>) dst(%dma_wait3A_358 : memref<4096xf32, #tpu.memory_space<hbm>>)
    %dma_wait3A_359 = tpu.memref_slice %arg2[%add3A_334] : memref<3276800xi32, #tpu.memory_space<hbm>> -> memref<4096xi32, #tpu.memory_space<hbm>>
    %dma_wait3A_360 = tpu.memref_slice %arg2[%add3A_334] : memref<3276800xi32, #tpu.memory_space<hbm>> -> memref<4096xi32, #tpu.memory_space<hbm>>
    tpu.wait_dma2 semaphore(%arg12 : memref<!tpu.dma_semaphore, #tpu.memory_space<semaphore_mem>>) src(%dma_wait3A_360 : memref<4096xi32, #tpu.memory_space<hbm>>) dst(%arg6 : memref<4096xi32, #tpu.memory_space<vmem>>)
    %dma_start3A_361 = arith.constant 0 : i32
    %dma_start3A_362 = tpu.memref_slice %arg10[%dma_start3A_361] : memref<1000000xf32, #tpu.memory_space<vmem_shared>> -> memref<1000000xf32, #tpu.memory_space<vmem_shared>>
    tpu.enqueue_indirect_dma source(%dma_start3A_362 : memref<1000000xf32, #tpu.memory_space<vmem_shared>>) target(%arg8 : memref<4096xf32, #tpu.memory_space<vmem>>) offsets(%arg6 : memref<4096xi32, #tpu.memory_space<vmem>>) semaphore(%arg14 : memref<!tpu.dma_semaphore, #tpu.memory_space<semaphore_mem>>)
    %dma_wait3A_363 = arith.constant 0 : i32
    %dma_wait3A_364 = tpu.memref_slice %arg10[%dma_wait3A_363] : memref<1000000xf32, #tpu.memory_space<vmem_shared>> -> memref<1000000xf32, #tpu.memory_space<vmem_shared>>
    tpu.wait_indirect_dma semaphore(%arg14 : memref<!tpu.dma_semaphore, #tpu.memory_space<semaphore_mem>>) src(%dma_wait3A_364 : memref<1000000xf32, #tpu.memory_space<vmem_shared>>) dst(%arg8 : memref<4096xf32, #tpu.memory_space<vmem>>)
    %add3A_365 = arith.constant 86016 : i32
    %add3A_366 = arith.addi %mul3A_2, %add3A_365 : i32
    %dma_start3A_367 = tpu.memref_slice %arg2[%add3A_366] : memref<3276800xi32, #tpu.memory_space<hbm>> -> memref<4096xi32, #tpu.memory_space<hbm>>
    %dma_start3A_368 = tpu.memref_slice %arg2[%add3A_366] : memref<3276800xi32, #tpu.memory_space<hbm>> -> memref<4096xi32, #tpu.memory_space<hbm>>
    tpu.enqueue_dma source(%dma_start3A_368 : memref<4096xi32, #tpu.memory_space<hbm>>) target(%arg6 : memref<4096xi32, #tpu.memory_space<vmem>>) target_semaphore(%arg12 : memref<!tpu.dma_semaphore, #tpu.memory_space<semaphore_mem>>)
    %dma_start3A_369 = tpu.memref_slice %arg4[%add3A_356] : memref<3276800xf32, #tpu.memory_space<hbm>> -> memref<4096xf32, #tpu.memory_space<hbm>>
    %dma_start3A_370 = tpu.memref_slice %arg4[%add3A_356] : memref<3276800xf32, #tpu.memory_space<hbm>> -> memref<4096xf32, #tpu.memory_space<hbm>>
    tpu.enqueue_dma source(%arg8 : memref<4096xf32, #tpu.memory_space<vmem>>) target(%dma_start3A_370 : memref<4096xf32, #tpu.memory_space<hbm>>) target_semaphore(%arg16 : memref<!tpu.dma_semaphore, #tpu.memory_space<semaphore_mem>>)
    %add3A_371 = arith.constant 81920 : i32
    %add3A_372 = arith.addi %mul3A_2, %add3A_371 : i32
    %dma_wait3A_373 = tpu.memref_slice %arg4[%add3A_340] : memref<3276800xf32, #tpu.memory_space<hbm>> -> memref<4096xf32, #tpu.memory_space<hbm>>
    %dma_wait3A_374 = tpu.memref_slice %arg4[%add3A_340] : memref<3276800xf32, #tpu.memory_space<hbm>> -> memref<4096xf32, #tpu.memory_space<hbm>>
    tpu.wait_dma2 semaphore(%arg15 : memref<!tpu.dma_semaphore, #tpu.memory_space<semaphore_mem>>) src(%arg7 : memref<4096xf32, #tpu.memory_space<vmem>>) dst(%dma_wait3A_374 : memref<4096xf32, #tpu.memory_space<hbm>>)
    %dma_wait3A_375 = tpu.memref_slice %arg2[%add3A_350] : memref<3276800xi32, #tpu.memory_space<hbm>> -> memref<4096xi32, #tpu.memory_space<hbm>>
    %dma_wait3A_376 = tpu.memref_slice %arg2[%add3A_350] : memref<3276800xi32, #tpu.memory_space<hbm>> -> memref<4096xi32, #tpu.memory_space<hbm>>
    tpu.wait_dma2 semaphore(%arg11 : memref<!tpu.dma_semaphore, #tpu.memory_space<semaphore_mem>>) src(%dma_wait3A_376 : memref<4096xi32, #tpu.memory_space<hbm>>) dst(%arg5 : memref<4096xi32, #tpu.memory_space<vmem>>)
    %dma_start3A_377 = arith.constant 0 : i32
    %dma_start3A_378 = tpu.memref_slice %arg10[%dma_start3A_377] : memref<1000000xf32, #tpu.memory_space<vmem_shared>> -> memref<1000000xf32, #tpu.memory_space<vmem_shared>>
    tpu.enqueue_indirect_dma source(%dma_start3A_378 : memref<1000000xf32, #tpu.memory_space<vmem_shared>>) target(%arg7 : memref<4096xf32, #tpu.memory_space<vmem>>) offsets(%arg5 : memref<4096xi32, #tpu.memory_space<vmem>>) semaphore(%arg13 : memref<!tpu.dma_semaphore, #tpu.memory_space<semaphore_mem>>)
    %dma_wait3A_379 = arith.constant 0 : i32
    %dma_wait3A_380 = tpu.memref_slice %arg10[%dma_wait3A_379] : memref<1000000xf32, #tpu.memory_space<vmem_shared>> -> memref<1000000xf32, #tpu.memory_space<vmem_shared>>
    tpu.wait_indirect_dma semaphore(%arg13 : memref<!tpu.dma_semaphore, #tpu.memory_space<semaphore_mem>>) src(%dma_wait3A_380 : memref<1000000xf32, #tpu.memory_space<vmem_shared>>) dst(%arg7 : memref<4096xf32, #tpu.memory_space<vmem>>)
    %add3A_381 = arith.constant 90112 : i32
    %add3A_382 = arith.addi %mul3A_2, %add3A_381 : i32
    %dma_start3A_383 = tpu.memref_slice %arg2[%add3A_382] : memref<3276800xi32, #tpu.memory_space<hbm>> -> memref<4096xi32, #tpu.memory_space<hbm>>
    %dma_start3A_384 = tpu.memref_slice %arg2[%add3A_382] : memref<3276800xi32, #tpu.memory_space<hbm>> -> memref<4096xi32, #tpu.memory_space<hbm>>
    tpu.enqueue_dma source(%dma_start3A_384 : memref<4096xi32, #tpu.memory_space<hbm>>) target(%arg5 : memref<4096xi32, #tpu.memory_space<vmem>>) target_semaphore(%arg11 : memref<!tpu.dma_semaphore, #tpu.memory_space<semaphore_mem>>)
    %dma_start3A_385 = tpu.memref_slice %arg4[%add3A_372] : memref<3276800xf32, #tpu.memory_space<hbm>> -> memref<4096xf32, #tpu.memory_space<hbm>>
    %dma_start3A_386 = tpu.memref_slice %arg4[%add3A_372] : memref<3276800xf32, #tpu.memory_space<hbm>> -> memref<4096xf32, #tpu.memory_space<hbm>>
    tpu.enqueue_dma source(%arg7 : memref<4096xf32, #tpu.memory_space<vmem>>) target(%dma_start3A_386 : memref<4096xf32, #tpu.memory_space<hbm>>) target_semaphore(%arg15 : memref<!tpu.dma_semaphore, #tpu.memory_space<semaphore_mem>>)
    %add3A_387 = arith.constant 86016 : i32
    %add3A_388 = arith.addi %mul3A_2, %add3A_387 : i32
    %dma_wait3A_389 = tpu.memref_slice %arg4[%add3A_356] : memref<3276800xf32, #tpu.memory_space<hbm>> -> memref<4096xf32, #tpu.memory_space<hbm>>
    %dma_wait3A_390 = tpu.memref_slice %arg4[%add3A_356] : memref<3276800xf32, #tpu.memory_space<hbm>> -> memref<4096xf32, #tpu.memory_space<hbm>>
    tpu.wait_dma2 semaphore(%arg16 : memref<!tpu.dma_semaphore, #tpu.memory_space<semaphore_mem>>) src(%arg8 : memref<4096xf32, #tpu.memory_space<vmem>>) dst(%dma_wait3A_390 : memref<4096xf32, #tpu.memory_space<hbm>>)
    %dma_wait3A_391 = tpu.memref_slice %arg2[%add3A_366] : memref<3276800xi32, #tpu.memory_space<hbm>> -> memref<4096xi32, #tpu.memory_space<hbm>>
    %dma_wait3A_392 = tpu.memref_slice %arg2[%add3A_366] : memref<3276800xi32, #tpu.memory_space<hbm>> -> memref<4096xi32, #tpu.memory_space<hbm>>
    tpu.wait_dma2 semaphore(%arg12 : memref<!tpu.dma_semaphore, #tpu.memory_space<semaphore_mem>>) src(%dma_wait3A_392 : memref<4096xi32, #tpu.memory_space<hbm>>) dst(%arg6 : memref<4096xi32, #tpu.memory_space<vmem>>)
    %dma_start3A_393 = arith.constant 0 : i32
    %dma_start3A_394 = tpu.memref_slice %arg10[%dma_start3A_393] : memref<1000000xf32, #tpu.memory_space<vmem_shared>> -> memref<1000000xf32, #tpu.memory_space<vmem_shared>>
    tpu.enqueue_indirect_dma source(%dma_start3A_394 : memref<1000000xf32, #tpu.memory_space<vmem_shared>>) target(%arg8 : memref<4096xf32, #tpu.memory_space<vmem>>) offsets(%arg6 : memref<4096xi32, #tpu.memory_space<vmem>>) semaphore(%arg14 : memref<!tpu.dma_semaphore, #tpu.memory_space<semaphore_mem>>)
    %dma_wait3A_395 = arith.constant 0 : i32
    %dma_wait3A_396 = tpu.memref_slice %arg10[%dma_wait3A_395] : memref<1000000xf32, #tpu.memory_space<vmem_shared>> -> memref<1000000xf32, #tpu.memory_space<vmem_shared>>
    tpu.wait_indirect_dma semaphore(%arg14 : memref<!tpu.dma_semaphore, #tpu.memory_space<semaphore_mem>>) src(%dma_wait3A_396 : memref<1000000xf32, #tpu.memory_space<vmem_shared>>) dst(%arg8 : memref<4096xf32, #tpu.memory_space<vmem>>)
    %add3A_397 = arith.constant 94208 : i32
    %add3A_398 = arith.addi %mul3A_2, %add3A_397 : i32
    %dma_start3A_399 = tpu.memref_slice %arg2[%add3A_398] : memref<3276800xi32, #tpu.memory_space<hbm>> -> memref<4096xi32, #tpu.memory_space<hbm>>
    %dma_start3A_400 = tpu.memref_slice %arg2[%add3A_398] : memref<3276800xi32, #tpu.memory_space<hbm>> -> memref<4096xi32, #tpu.memory_space<hbm>>
    tpu.enqueue_dma source(%dma_start3A_400 : memref<4096xi32, #tpu.memory_space<hbm>>) target(%arg6 : memref<4096xi32, #tpu.memory_space<vmem>>) target_semaphore(%arg12 : memref<!tpu.dma_semaphore, #tpu.memory_space<semaphore_mem>>)
    %dma_start3A_401 = tpu.memref_slice %arg4[%add3A_388] : memref<3276800xf32, #tpu.memory_space<hbm>> -> memref<4096xf32, #tpu.memory_space<hbm>>
    %dma_start3A_402 = tpu.memref_slice %arg4[%add3A_388] : memref<3276800xf32, #tpu.memory_space<hbm>> -> memref<4096xf32, #tpu.memory_space<hbm>>
    tpu.enqueue_dma source(%arg8 : memref<4096xf32, #tpu.memory_space<vmem>>) target(%dma_start3A_402 : memref<4096xf32, #tpu.memory_space<hbm>>) target_semaphore(%arg16 : memref<!tpu.dma_semaphore, #tpu.memory_space<semaphore_mem>>)
    %add3A_403 = arith.constant 90112 : i32
    %add3A_404 = arith.addi %mul3A_2, %add3A_403 : i32
    %dma_wait3A_405 = tpu.memref_slice %arg4[%add3A_372] : memref<3276800xf32, #tpu.memory_space<hbm>> -> memref<4096xf32, #tpu.memory_space<hbm>>
    %dma_wait3A_406 = tpu.memref_slice %arg4[%add3A_372] : memref<3276800xf32, #tpu.memory_space<hbm>> -> memref<4096xf32, #tpu.memory_space<hbm>>
    tpu.wait_dma2 semaphore(%arg15 : memref<!tpu.dma_semaphore, #tpu.memory_space<semaphore_mem>>) src(%arg7 : memref<4096xf32, #tpu.memory_space<vmem>>) dst(%dma_wait3A_406 : memref<4096xf32, #tpu.memory_space<hbm>>)
    %dma_wait3A_407 = tpu.memref_slice %arg2[%add3A_382] : memref<3276800xi32, #tpu.memory_space<hbm>> -> memref<4096xi32, #tpu.memory_space<hbm>>
    %dma_wait3A_408 = tpu.memref_slice %arg2[%add3A_382] : memref<3276800xi32, #tpu.memory_space<hbm>> -> memref<4096xi32, #tpu.memory_space<hbm>>
    tpu.wait_dma2 semaphore(%arg11 : memref<!tpu.dma_semaphore, #tpu.memory_space<semaphore_mem>>) src(%dma_wait3A_408 : memref<4096xi32, #tpu.memory_space<hbm>>) dst(%arg5 : memref<4096xi32, #tpu.memory_space<vmem>>)
    %dma_start3A_409 = arith.constant 0 : i32
    %dma_start3A_410 = tpu.memref_slice %arg10[%dma_start3A_409] : memref<1000000xf32, #tpu.memory_space<vmem_shared>> -> memref<1000000xf32, #tpu.memory_space<vmem_shared>>
    tpu.enqueue_indirect_dma source(%dma_start3A_410 : memref<1000000xf32, #tpu.memory_space<vmem_shared>>) target(%arg7 : memref<4096xf32, #tpu.memory_space<vmem>>) offsets(%arg5 : memref<4096xi32, #tpu.memory_space<vmem>>) semaphore(%arg13 : memref<!tpu.dma_semaphore, #tpu.memory_space<semaphore_mem>>)
    %dma_wait3A_411 = arith.constant 0 : i32
    %dma_wait3A_412 = tpu.memref_slice %arg10[%dma_wait3A_411] : memref<1000000xf32, #tpu.memory_space<vmem_shared>> -> memref<1000000xf32, #tpu.memory_space<vmem_shared>>
    tpu.wait_indirect_dma semaphore(%arg13 : memref<!tpu.dma_semaphore, #tpu.memory_space<semaphore_mem>>) src(%dma_wait3A_412 : memref<1000000xf32, #tpu.memory_space<vmem_shared>>) dst(%arg7 : memref<4096xf32, #tpu.memory_space<vmem>>)
    %add3A_413 = arith.constant 98304 : i32
    %add3A_414 = arith.addi %mul3A_2, %add3A_413 : i32
    %dma_start3A_415 = tpu.memref_slice %arg2[%add3A_414] : memref<3276800xi32, #tpu.memory_space<hbm>> -> memref<4096xi32, #tpu.memory_space<hbm>>
    %dma_start3A_416 = tpu.memref_slice %arg2[%add3A_414] : memref<3276800xi32, #tpu.memory_space<hbm>> -> memref<4096xi32, #tpu.memory_space<hbm>>
    tpu.enqueue_dma source(%dma_start3A_416 : memref<4096xi32, #tpu.memory_space<hbm>>) target(%arg5 : memref<4096xi32, #tpu.memory_space<vmem>>) target_semaphore(%arg11 : memref<!tpu.dma_semaphore, #tpu.memory_space<semaphore_mem>>)
    %dma_start3A_417 = tpu.memref_slice %arg4[%add3A_404] : memref<3276800xf32, #tpu.memory_space<hbm>> -> memref<4096xf32, #tpu.memory_space<hbm>>
    %dma_start3A_418 = tpu.memref_slice %arg4[%add3A_404] : memref<3276800xf32, #tpu.memory_space<hbm>> -> memref<4096xf32, #tpu.memory_space<hbm>>
    tpu.enqueue_dma source(%arg7 : memref<4096xf32, #tpu.memory_space<vmem>>) target(%dma_start3A_418 : memref<4096xf32, #tpu.memory_space<hbm>>) target_semaphore(%arg15 : memref<!tpu.dma_semaphore, #tpu.memory_space<semaphore_mem>>)
    %add3A_419 = arith.constant 94208 : i32
    %add3A_420 = arith.addi %mul3A_2, %add3A_419 : i32
    %dma_wait3A_421 = tpu.memref_slice %arg4[%add3A_388] : memref<3276800xf32, #tpu.memory_space<hbm>> -> memref<4096xf32, #tpu.memory_space<hbm>>
    %dma_wait3A_422 = tpu.memref_slice %arg4[%add3A_388] : memref<3276800xf32, #tpu.memory_space<hbm>> -> memref<4096xf32, #tpu.memory_space<hbm>>
    tpu.wait_dma2 semaphore(%arg16 : memref<!tpu.dma_semaphore, #tpu.memory_space<semaphore_mem>>) src(%arg8 : memref<4096xf32, #tpu.memory_space<vmem>>) dst(%dma_wait3A_422 : memref<4096xf32, #tpu.memory_space<hbm>>)
    %dma_wait3A_423 = tpu.memref_slice %arg2[%add3A_398] : memref<3276800xi32, #tpu.memory_space<hbm>> -> memref<4096xi32, #tpu.memory_space<hbm>>
    %dma_wait3A_424 = tpu.memref_slice %arg2[%add3A_398] : memref<3276800xi32, #tpu.memory_space<hbm>> -> memref<4096xi32, #tpu.memory_space<hbm>>
    tpu.wait_dma2 semaphore(%arg12 : memref<!tpu.dma_semaphore, #tpu.memory_space<semaphore_mem>>) src(%dma_wait3A_424 : memref<4096xi32, #tpu.memory_space<hbm>>) dst(%arg6 : memref<4096xi32, #tpu.memory_space<vmem>>)
    %dma_start3A_425 = arith.constant 0 : i32
    %dma_start3A_426 = tpu.memref_slice %arg10[%dma_start3A_425] : memref<1000000xf32, #tpu.memory_space<vmem_shared>> -> memref<1000000xf32, #tpu.memory_space<vmem_shared>>
    tpu.enqueue_indirect_dma source(%dma_start3A_426 : memref<1000000xf32, #tpu.memory_space<vmem_shared>>) target(%arg8 : memref<4096xf32, #tpu.memory_space<vmem>>) offsets(%arg6 : memref<4096xi32, #tpu.memory_space<vmem>>) semaphore(%arg14 : memref<!tpu.dma_semaphore, #tpu.memory_space<semaphore_mem>>)
    %dma_wait3A_427 = arith.constant 0 : i32
    %dma_wait3A_428 = tpu.memref_slice %arg10[%dma_wait3A_427] : memref<1000000xf32, #tpu.memory_space<vmem_shared>> -> memref<1000000xf32, #tpu.memory_space<vmem_shared>>
    tpu.wait_indirect_dma semaphore(%arg14 : memref<!tpu.dma_semaphore, #tpu.memory_space<semaphore_mem>>) src(%dma_wait3A_428 : memref<1000000xf32, #tpu.memory_space<vmem_shared>>) dst(%arg8 : memref<4096xf32, #tpu.memory_space<vmem>>)
    %dma_start3A_429 = tpu.memref_slice %arg4[%add3A_420] : memref<3276800xf32, #tpu.memory_space<hbm>> -> memref<4096xf32, #tpu.memory_space<hbm>>
    %dma_start3A_430 = tpu.memref_slice %arg4[%add3A_420] : memref<3276800xf32, #tpu.memory_space<hbm>> -> memref<4096xf32, #tpu.memory_space<hbm>>
    tpu.enqueue_dma source(%arg8 : memref<4096xf32, #tpu.memory_space<vmem>>) target(%dma_start3A_430 : memref<4096xf32, #tpu.memory_space<hbm>>) target_semaphore(%arg16 : memref<!tpu.dma_semaphore, #tpu.memory_space<semaphore_mem>>)
    %add3A_431 = arith.constant 98304 : i32
    %add3A_432 = arith.addi %mul3A_2, %add3A_431 : i32
    %dma_wait3A_433 = tpu.memref_slice %arg4[%add3A_404] : memref<3276800xf32, #tpu.memory_space<hbm>> -> memref<4096xf32, #tpu.memory_space<hbm>>
    %dma_wait3A_434 = tpu.memref_slice %arg4[%add3A_404] : memref<3276800xf32, #tpu.memory_space<hbm>> -> memref<4096xf32, #tpu.memory_space<hbm>>
    tpu.wait_dma2 semaphore(%arg15 : memref<!tpu.dma_semaphore, #tpu.memory_space<semaphore_mem>>) src(%arg7 : memref<4096xf32, #tpu.memory_space<vmem>>) dst(%dma_wait3A_434 : memref<4096xf32, #tpu.memory_space<hbm>>)
    %dma_wait3A_435 = tpu.memref_slice %arg2[%add3A_414] : memref<3276800xi32, #tpu.memory_space<hbm>> -> memref<4096xi32, #tpu.memory_space<hbm>>
    %dma_wait3A_436 = tpu.memref_slice %arg2[%add3A_414] : memref<3276800xi32, #tpu.memory_space<hbm>> -> memref<4096xi32, #tpu.memory_space<hbm>>
    tpu.wait_dma2 semaphore(%arg11 : memref<!tpu.dma_semaphore, #tpu.memory_space<semaphore_mem>>) src(%dma_wait3A_436 : memref<4096xi32, #tpu.memory_space<hbm>>) dst(%arg5 : memref<4096xi32, #tpu.memory_space<vmem>>)
    %dma_start3A_437 = arith.constant 0 : i32
    %dma_start3A_438 = tpu.memref_slice %arg10[%dma_start3A_437] : memref<1000000xf32, #tpu.memory_space<vmem_shared>> -> memref<1000000xf32, #tpu.memory_space<vmem_shared>>
    tpu.enqueue_indirect_dma source(%dma_start3A_438 : memref<1000000xf32, #tpu.memory_space<vmem_shared>>) target(%arg7 : memref<4096xf32, #tpu.memory_space<vmem>>) offsets(%arg5 : memref<4096xi32, #tpu.memory_space<vmem>>) semaphore(%arg13 : memref<!tpu.dma_semaphore, #tpu.memory_space<semaphore_mem>>)
    %dma_wait3A_439 = arith.constant 0 : i32
    %dma_wait3A_440 = tpu.memref_slice %arg10[%dma_wait3A_439] : memref<1000000xf32, #tpu.memory_space<vmem_shared>> -> memref<1000000xf32, #tpu.memory_space<vmem_shared>>
    tpu.wait_indirect_dma semaphore(%arg13 : memref<!tpu.dma_semaphore, #tpu.memory_space<semaphore_mem>>) src(%dma_wait3A_440 : memref<1000000xf32, #tpu.memory_space<vmem_shared>>) dst(%arg7 : memref<4096xf32, #tpu.memory_space<vmem>>)
    %dma_start3A_441 = tpu.memref_slice %arg4[%add3A_432] : memref<3276800xf32, #tpu.memory_space<hbm>> -> memref<4096xf32, #tpu.memory_space<hbm>>
    %dma_start3A_442 = tpu.memref_slice %arg4[%add3A_432] : memref<3276800xf32, #tpu.memory_space<hbm>> -> memref<4096xf32, #tpu.memory_space<hbm>>
    tpu.enqueue_dma source(%arg7 : memref<4096xf32, #tpu.memory_space<vmem>>) target(%dma_start3A_442 : memref<4096xf32, #tpu.memory_space<hbm>>) target_semaphore(%arg15 : memref<!tpu.dma_semaphore, #tpu.memory_space<semaphore_mem>>)
    %dma_wait3A_443 = tpu.memref_slice %arg4[%add3A_420] : memref<3276800xf32, #tpu.memory_space<hbm>> -> memref<4096xf32, #tpu.memory_space<hbm>>
    %dma_wait3A_444 = tpu.memref_slice %arg4[%add3A_420] : memref<3276800xf32, #tpu.memory_space<hbm>> -> memref<4096xf32, #tpu.memory_space<hbm>>
    tpu.wait_dma2 semaphore(%arg16 : memref<!tpu.dma_semaphore, #tpu.memory_space<semaphore_mem>>) src(%arg8 : memref<4096xf32, #tpu.memory_space<vmem>>) dst(%dma_wait3A_444 : memref<4096xf32, #tpu.memory_space<hbm>>)
    %dma_wait3A_445 = tpu.memref_slice %arg4[%add3A_432] : memref<3276800xf32, #tpu.memory_space<hbm>> -> memref<4096xf32, #tpu.memory_space<hbm>>
    %dma_wait3A_446 = tpu.memref_slice %arg4[%add3A_432] : memref<3276800xf32, #tpu.memory_space<hbm>> -> memref<4096xf32, #tpu.memory_space<hbm>>
    tpu.wait_dma2 semaphore(%arg15 : memref<!tpu.dma_semaphore, #tpu.memory_space<semaphore_mem>>) src(%arg7 : memref<4096xf32, #tpu.memory_space<vmem>>) dst(%dma_wait3A_446 : memref<4096xf32, #tpu.memory_space<hbm>>)
    return
  }
}

module attributes {stable_mosaic.version = 14 : i64} {
  func.func @_tc_solve_body(%arg0: i32, %arg1: memref<5xf32, #tpu.memory_space<smem>>, %arg2: memref<327680xf32, #tpu.memory_space<vmem>>, %arg3: memref<327680xf32, #tpu.memory_space<vmem>>, %arg4: memref<327680xf32, #tpu.memory_space<vmem>>, %arg5: memref<327680xf32, #tpu.memory_space<vmem>>, %arg6: memref<327680xf32, #tpu.memory_space<vmem>>, %arg7: memref<327680xf32, #tpu.memory_space<vmem>>) attributes {dimension_semantics = [#tpu.dimension_semantics<arbitrary>], iteration_bounds = array<i64: 10>, scalar_prefetch = 0 : i64, scratch_operands = 0 : i64, tpu.core_type = #tpu.core_type<tc>, window_params = [{transform_indices = @transform_0, window_bounds = array<i64: 5>}, {transform_indices = @transform_1, window_bounds = array<i64: 327680>}, {transform_indices = @transform_2, window_bounds = array<i64: 327680>}, {transform_indices = @transform_3, window_bounds = array<i64: 327680>}, {transform_indices = @transform_4, window_bounds = array<i64: 327680>}, {transform_indices = @transform_5, window_bounds = array<i64: 327680>}, {transform_indices = @transform_6, window_bounds = array<i64: 327680>}]} {
    %get3A = arith.constant 0 : index
    %get3A_0 = memref.load %arg1[%get3A] : memref<5xf32, #tpu.memory_space<smem>>
    %get3A_1 = arith.constant 1 : index
    %get3A_2 = memref.load %arg1[%get3A_1] : memref<5xf32, #tpu.memory_space<smem>>
    %get3A_3 = arith.constant 2 : index
    %get3A_4 = memref.load %arg1[%get3A_3] : memref<5xf32, #tpu.memory_space<smem>>
    %get3A_5 = arith.constant 3 : index
    %get3A_6 = memref.load %arg1[%get3A_5] : memref<5xf32, #tpu.memory_space<smem>>
    %get3A_7 = arith.constant 4 : index
    %get3A_8 = memref.load %arg1[%get3A_7] : memref<5xf32, #tpu.memory_space<smem>>
    %get3A_9 = arith.constant 0 : index
    %get3A_10 = vector.load %arg4[%get3A_9] : memref<327680xf32, #tpu.memory_space<vmem>>, vector<327680xf32>
    %max3A = arith.constant 9.99999997E-7 : f32
    %max3A_11 = vector.broadcast %max3A : f32 to vector<327680xf32>
    %max3A_12 = arith.maximumf %get3A_10, %max3A_11 : vector<327680xf32>
    %add3A = arith.constant 9.99999993E-9 : f32
    %add3A_13 = vector.broadcast %add3A : f32 to vector<327680xf32>
    %add3A_14 = arith.addf %max3A_12, %add3A_13 : vector<327680xf32>
    %div3A = vector.broadcast %get3A_2 : f32 to vector<327680xf32>
    %div3A_15 = arith.divf %div3A, %add3A_14 : vector<327680xf32>
    %sub3A = vector.broadcast %get3A_0 : f32 to vector<327680xf32>
    %sub3A_16 = arith.subf %sub3A, %div3A_15 : vector<327680xf32>
    %get3A_17 = arith.constant 0 : index
    %get3A_18 = vector.load %arg5[%get3A_17] : memref<327680xf32, #tpu.memory_space<vmem>>, vector<327680xf32>
    %mul3A = arith.mulf %sub3A_16, %sub3A_16 : vector<327680xf32>
    %mul3A_19 = vector.broadcast %get3A_4 : f32 to vector<327680xf32>
    %mul3A_20 = arith.mulf %mul3A_19, %mul3A : vector<327680xf32>
    %add3A_21 = vector.broadcast %get3A_6 : f32 to vector<327680xf32>
    %add3A_22 = arith.addf %add3A_21, %mul3A_20 : vector<327680xf32>
    %mul3A_23 = arith.mulf %sub3A_16, %div3A_15 : vector<327680xf32>
    %mul3A_24 = vector.broadcast %get3A_4 : f32 to vector<327680xf32>
    %mul3A_25 = arith.mulf %mul3A_24, %mul3A_23 : vector<327680xf32>
    %mul3A_26 = arith.mulf %div3A_15, %div3A_15 : vector<327680xf32>
    %mul3A_27 = vector.broadcast %get3A_4 : f32 to vector<327680xf32>
    %mul3A_28 = arith.mulf %mul3A_27, %mul3A_26 : vector<327680xf32>
    %add3A_29 = vector.broadcast %get3A_8 : f32 to vector<327680xf32>
    %add3A_30 = arith.addf %add3A_29, %mul3A_28 : vector<327680xf32>
    %get3A_31 = arith.constant 0 : index
    %get3A_32 = vector.load %arg2[%get3A_31] : memref<327680xf32, #tpu.memory_space<vmem>>, vector<327680xf32>
    %mul3A_33 = vector.broadcast %get3A_6 : f32 to vector<327680xf32>
    %mul3A_34 = arith.mulf %mul3A_33, %get3A_32 : vector<327680xf32>
    %mul3A_35 = vector.broadcast %get3A_4 : f32 to vector<327680xf32>
    %mul3A_36 = arith.mulf %mul3A_35, %sub3A_16 : vector<327680xf32>
    %mul3A_37 = arith.mulf %mul3A_36, %get3A_18 : vector<327680xf32>
    %add3A_38 = arith.addf %mul3A_34, %mul3A_37 : vector<327680xf32>
    %get3A_39 = arith.constant 0 : index
    %get3A_40 = vector.load %arg3[%get3A_39] : memref<327680xf32, #tpu.memory_space<vmem>>, vector<327680xf32>
    %mul3A_41 = vector.broadcast %get3A_8 : f32 to vector<327680xf32>
    %mul3A_42 = arith.mulf %mul3A_41, %get3A_40 : vector<327680xf32>
    %mul3A_43 = vector.broadcast %get3A_4 : f32 to vector<327680xf32>
    %mul3A_44 = arith.mulf %mul3A_43, %div3A_15 : vector<327680xf32>
    %mul3A_45 = arith.mulf %mul3A_44, %get3A_18 : vector<327680xf32>
    %add3A_46 = arith.addf %mul3A_42, %mul3A_45 : vector<327680xf32>
    %mul3A_47 = arith.mulf %add3A_22, %add3A_30 : vector<327680xf32>
    %mul3A_48 = arith.mulf %mul3A_25, %mul3A_25 : vector<327680xf32>
    %sub3A_49 = arith.subf %mul3A_47, %mul3A_48 : vector<327680xf32>
    %add3A_50 = arith.constant 9.99999993E-9 : f32
    %add3A_51 = vector.broadcast %add3A_50 : f32 to vector<327680xf32>
    %add3A_52 = arith.addf %sub3A_49, %add3A_51 : vector<327680xf32>
    %mul3A_53 = arith.mulf %add3A_30, %add3A_38 : vector<327680xf32>
    %mul3A_54 = arith.mulf %mul3A_25, %add3A_46 : vector<327680xf32>
    %sub3A_55 = arith.subf %mul3A_53, %mul3A_54 : vector<327680xf32>
    %div3A_56 = arith.divf %sub3A_55, %add3A_52 : vector<327680xf32>
    %swap3A = arith.constant 0 : index
    %swap3A_57 = vector.load %arg6[%swap3A] : memref<327680xf32, #tpu.memory_space<vmem>>, vector<327680xf32>
    tpu.vector_store %arg6[%swap3A], %div3A_56 {strides = array<i32>} : memref<327680xf32, #tpu.memory_space<vmem>>, vector<327680xf32>,
    %neg3A = arith.constant 0.000000e+00 : f32
    %neg3A_58 = vector.broadcast %neg3A : f32 to vector<327680xf32>
    %neg3A_59 = arith.subf %neg3A_58, %mul3A_25 : vector<327680xf32>
    %mul3A_60 = arith.mulf %neg3A_59, %add3A_38 : vector<327680xf32>
    %mul3A_61 = arith.mulf %add3A_22, %add3A_46 : vector<327680xf32>
    %add3A_62 = arith.addf %mul3A_60, %mul3A_61 : vector<327680xf32>
    %div3A_63 = arith.divf %add3A_62, %add3A_52 : vector<327680xf32>
    %swap3A_64 = arith.constant 0 : index
    %swap3A_65 = vector.load %arg7[%swap3A_64] : memref<327680xf32, #tpu.memory_space<vmem>>, vector<327680xf32>
    tpu.vector_store %arg7[%swap3A_64], %div3A_63 {strides = array<i32>} : memref<327680xf32, #tpu.memory_space<vmem>>, vector<327680xf32>,
    return
  }
  func.func @transform_0(%arg0: i32) -> i32 {
    %c0_i32 = arith.constant 0 : i32
    %c0_i32_0 = arith.constant 0 : i32
    return %c0_i32 : i32
  }
  func.func @transform_1(%arg0: i32) -> i32 {
    %c0_i32 = arith.constant 0 : i32
    return %arg0 : i32
  }
  func.func @transform_2(%arg0: i32) -> i32 {
    %c0_i32 = arith.constant 0 : i32
    return %arg0 : i32
  }
  func.func @transform_3(%arg0: i32) -> i32 {
    %c0_i32 = arith.constant 0 : i32
    return %arg0 : i32
  }
  func.func @transform_4(%arg0: i32) -> i32 {
    %c0_i32 = arith.constant 0 : i32
    return %arg0 : i32
  }
  func.func @transform_5(%arg0: i32) -> i32 {
    %c0_i32 = arith.constant 0 : i32
    return %arg0 : i32
  }
  func.func @transform_6(%arg0: i32) -> i32 {
    %c0_i32 = arith.constant 0 : i32
    return %arg0 : i32
  }
}

</mosaic_0001>

<sc_bundles>
// kernel: kernel.4.cloned.1.call-start
scs
__scs_entry_jumppad:
0x0: {  	(pc) =	sbr.rel $0x88, $3  }
0x1: {  	(tag) =	ssettag $0x0;
	lr =	simm.s32 $0x1  }
0x2: {  	[smem:$0x3F97] =	sst lr;
	_ =	strace $0xD0000000  }
0x3: {  	_ = 	snop  }
0x4: {  	_ = 	snop  }
0x5: {  	_ = 	snop  }
0x6: {  	_ = 	snop  }
0x7: {  	_ = 	snop  }
__scs_overlays_trampoline_lowered:
0x8: {  	[smem:$0x3FA6] =	sst s0  }
0x9: {  	[smem:$0x3FA7] =	sst s1  }
0xa: {  	[smem:$0x3FA8] =	sst s2  }
0xb: {  	[smem:$0x3FA9] =	sst s3  }
0xc: {  	[smem:$0x3FAA] =	sst s4  }
0xd: {  	[smem:$0x3FAB] =	sst s5  }
0xe: {  	[smem:$0x3FAC] =	sst s6  }
0xf: {  	[smem:$0x3FAD] =	sst s7  }
0x10: {  	[smem:$0x3FAE] =	sst s8  }
0x11: {  	[smem:$0x3FAF] =	sst s9;
	s0 =	simm.s32 @!p0 $0x0  }
0x12: {  	s1 =	sld [smem:$0x3F95];
	s0 =	simm.s32 @p0 $0x1  }
0x13: {  	[smem:$0x3FB0] =	sst s0;
	s0 =	simm.s32 @!p1 $0x0  }
0x14: {  	s2 =	sld [smem:$0x3F94];
	s0 =	simm.s32 @p1 $0x1  }
0x15: {  	[smem:$0x3FB1] =	sst s0;
	s0 =	simm.s32 @!p2 $0x0  }
0x16: {  	s3 =	sld [smem:$0x3FDB];
	s0 =	simm.s32 @p2 $0x1  }
0x17: {  	s4 =	simm.s32 $0x1BF5;
	[smem:$0x3FB3] =	sst s0  }
0x18: {  	s0 =	sld [smem:$0x3F96];
	_ =	swait.ge [sflag:s4], $0x0  }
0x19: {  	s7 =	sld [smem:$0x3F97]  }
0x1a: {  	s8 =	sadd.s32 $0xFFFFE003, lr  }
0x1b: {  	s9 =	sadd.s32 $0xFFFFFEF7, lr;
	s5 =	simm.s32 $0xFFFFFFFF;
	p2 =	slt.u32 s8, $0xFFFFF086  }
0x1c: {  	p1 =	slt.u32 s9, $0xF7A;
	s5 =	simm.s32 @!p2 $0x0  }
0x1d: {  	s5 =	simm.s32 @p1 $0x1;
	p0 =	seq.s32 s7, s2  }
0x1e: {  	s7 =	smul.u32 @!p0 $0xF7A, s2;
	p2 =	seq.s32 @!p0 s5, $0x0  }
0x1f: {  	s9 =	smul.u32 $0xF7A, s1;
	s8 =	simm.s32 @!p0 $0x1BF5;
	p2 =	por !p2, p0  }
0x20: {  	[sflag:s8] =	ssyncset.s32 @!p0 $0xFFFFF086;
	s6 =	sadd.s32 @!p0 s3, s7;
	s7 =	simm.s32 @!p0 $0x108  }
0x21: {  	s3 =	sadd.s32 s3, s9;
	s6 =	sadd.s32 @!p0 $0x88, s6;
	s7 =	simm.s32 @p2 $0x1082  }
0x22: {  	[simem:s7], [sflag:s8] =	dma.local @!p0 [hbm:s6], $0xF7A  }
0x23: {  	s9 =	sor.u32 $0xD0000000, s2;
	s6 =	simm.s32 $0x108;
	_ =	swait.ge @!p0 [sflag:s8], $0x0  }
0x24: {  	s3 =	sadd.s32 $0x88, s3;
	s6 =	simm.s32 @!p1 $0x1082;
	[sflag:s4] =	ssyncset.s32 $0xFFFFF086  }
0x25: {  	[simem:s6], [sflag:s4] =	dma.local [hbm:s3], $0xF7A  }
0x26: {  	[smem:$0x3F97] =	sst s1;
	(tag) =	ssettag s2;
	_ =	strace s9  }
0x27: {  	s1 =	sld [smem:$0x3FA7]  }
0x28: {  	s2 =	sld [smem:$0x3FA8]  }
0x29: {  	s4 =	sld [smem:$0x3FAA]  }
0x2a: {  	p0 =	seq.s32 s5, $0x0;
	s5 =	sld [smem:$0x3FAB]  }
0x2b: {  	s6 =	sld [smem:$0x3FAC]  }
0x2c: {  	s7 =	sld [smem:$0x3FAD]  }
0x2d: {  	s3 =	simm.s32 $0x108;
	s8 =	sld [smem:$0x3FAE]  }
0x2e: {  	s3 =	simm.s32 @!p0 $0x1082;
	s9 =	sld [smem:$0x3FAF]  }
0x2f: {  	lr =	sadd.s32 s0, s3;
	s0 =	sld [smem:$0x3FA6]  }
0x30: {  	s3 =	sld [smem:$0x3FA9]  }
0x31: {  	[smem:$0x3FB2] =	sst s10  }
0x32: {  	s10 =	sld [smem:$0x3FB0];
	_ =	sdelay $0x3  }
0x33: {  	p0 =	seq.s32 s10, $0x1;
	s10 =	sld [smem:$0x3FB2];
	_ =	sdelay $0x3  }
0x34: {  	[smem:$0x3FB2] =	sst s10  }
0x35: {  	s10 =	sld [smem:$0x3FB1];
	_ =	sdelay $0x3  }
0x36: {  	p1 =	seq.s32 s10, $0x1;
	s10 =	sld [smem:$0x3FB2];
	_ =	sdelay $0x3  }
0x37: {  	[smem:$0x3FB2] =	sst s10  }
0x38: {  	s10 =	sld [smem:$0x3FB3]  }
0x39: {  	_ = 	snop;
	(pc) =	sbr.ind lr, $3  }
0x3a: {  	_ = 	snop  }
0x3b: {  	_ = 	snop  }
0x3c: {  	p2 =	seq.s32 s10, $0x1;
	s10 =	sld [smem:$0x3FB2]  }
0x3d: {  	_ =	shalt  }
0x3e: {  	_ =	shalt  }
0x3f: {  	_ =	shalt  }
0x40: {  	_ =	shalt  }
0x41: {  	_ =	shalt  }
0x42: {  	_ =	shalt  }
0x43: {  	_ =	shalt  }
0x44: {  	_ =	shalt  }
0x45: {  	_ =	shalt  }
0x46: {  	_ =	shalt  }
0x47: {  	_ =	shalt  }
0x48: {  	_ =	shalt  }
0x49: {  	_ =	shalt  }
0x4a: {  	_ =	shalt  }
0x4b: {  	_ =	shalt  }
0x4c: {  	_ =	shalt  }
0x4d: {  	_ =	shalt  }
0x4e: {  	_ =	shalt  }
0x4f: {  	_ =	shalt  }
0x50: {  	_ =	shalt  }
0x51: {  	_ =	shalt  }
0x52: {  	_ =	shalt  }
0x53: {  	_ =	shalt  }
0x54: {  	_ =	shalt  }
0x55: {  	_ =	shalt  }
0x56: {  	_ =	shalt  }
0x57: {  	_ =	shalt  }
0x58: {  	_ =	shalt  }
0x59: {  	_ =	shalt  }
0x5a: {  	_ =	shalt  }
0x5b: {  	_ =	shalt  }
0x5c: {  	_ =	shalt  }
0x5d: {  	_ =	shalt  }
0x5e: {  	_ =	shalt  }
0x5f: {  	_ =	shalt  }
0x60: {  	_ =	shalt  }
0x61: {  	_ =	shalt  }
0x62: {  	_ =	shalt  }
0x63: {  	_ =	shalt  }
0x64: {  	_ =	shalt  }
0x65: {  	_ =	shalt  }
0x66: {  	_ =	shalt  }
0x67: {  	_ =	shalt  }
0x68: {  	_ =	shalt  }
0x69: {  	_ =	shalt  }
0x6a: {  	_ =	shalt  }
0x6b: {  	_ =	shalt  }
0x6c: {  	_ =	shalt  }
0x6d: {  	_ =	shalt  }
0x6e: {  	_ =	shalt  }
0x6f: {  	_ =	shalt  }
0x70: {  	_ =	shalt  }
0x71: {  	_ =	shalt  }
0x72: {  	_ =	shalt  }
0x73: {  	_ =	shalt  }
0x74: {  	_ =	shalt  }
0x75: {  	_ =	shalt  }
0x76: {  	_ =	shalt  }
0x77: {  	_ =	shalt  }
0x78: {  	_ =	shalt  }
0x79: {  	_ =	shalt  }
0x7a: {  	_ =	shalt  }
0x7b: {  	_ =	shalt  }
0x7c: {  	_ =	shalt  }
0x7d: {  	_ =	shalt  }
0x7e: {  	_ =	shalt  }
0x7f: {  	_ =	shalt  }
0x80: {  	_ =	shalt  }
0x81: {  	_ =	shalt  }
0x82: {  	_ =	shalt  }
0x83: {  	_ =	shalt  }
0x84: {  	_ =	shalt  }
0x85: {  	_ =	shalt  }
0x86: {  	_ =	shalt  }
0x87: {  	_ =	shalt  }
.Lfunc_end0:
.L_simem_size_0:
called_computation_lowered:
.L_overlay_start_0:
0x88: {  	s2 =	sld [smem:$0x3FD9]  }
0x89: {  	s3 =	sld [smem:$0x3FFE];
	_ =	sdelay $0x1  }
0x8a: {  	s1 =	srdreg.scid  }
0x8b: {  	s0 =	sand.u32 $0x1, s1  }
0x8c: {  	s14 =	sshll.u32 s0, $0xA;
	s2 =	sadd.s32 s3, s2  }
0x8d: {  	s2 =	sadd.s32 s2, s14  }
0x8e: {  	[smem:$0x3FBE] =	sst s2  }
0x8f: {  	_ = 	snop  }
0x90: {  	s2 =	sld [smem:$0x3FD0];
	_ =	sdelay $0x2  }
0x91: {  	s4 =	simm.s32 $0xA;
	s5 =	simm.s32 $0x10;
	s15 =	sld [smem:$0x3FC6]  }
0x92: {  	[smem:s5], [sflag:s4] =	dma.local [hbm:s2], $0x1  }
0x93: {  	_ =	swait.eq [sflag:s4], $0x1  }
0x94: {  	[sflag:s4] =	ssyncset.done $0x0  }
0x95: {  	[sflag:s4] =	ssyncadd.s32 $0xFFFFFFFF  }
0x96: {  	s16 =	sld [smem:$0x11];
	(tm) =	ssettm $0x1  }
0x97: {  	s17 =	sld [smem:$0x3FFB];
	_ =	sdelay $0x3  }
0x98: {  	_ =	strace s17  }
0x99: {  	s4 =	sld [smem:$0x3FFC];
	_ =	sdelay $0x3  }
0x9a: {  	_ =	strace s4  }
0x9b: {  	s4 =	sld [smem:$0x3FFD];
	_ =	sdelay $0x3  }
0x9c: {  	_ =	strace s4  }
0x9d: {  	_ =	strace $0x8FFFFFFF  }
0x9e: {  	s18 =	sld [smem:$0x3FDB];
	_ =	sdelay $0x1  }
0x9f: {  	s19 =	simm.s32 $_scs_section_size  }
0xa0: {  	s6 =	simm.s32 $_size__tile_overlayer_lowered;
	s7 =	simm.s32 $_tile_overlayer_lowered  }
0xa1: {  	s22 =	simm.s32 $0x1BFF;
	s21 =	sshll.u32 s7, $0x1;
	s4 =	sadd.s32 s19, s18  }
0xa2: {  	s8 =	simm.s32 $0x0;
	s20 =	sshll.u32 s6, $0x1;
	s6 =	sadd.s32 s21, s4  }
0xa3: {  	[timem:s8], [sflag:s22] =	dma.local [hbm:s6], s20  }
0xa4: {  	_ =	swait.ge [sflag:s22], s20  }
0xa5: {  	s5 =	ssub.s32 $0x0, s20;
	[sflag:s22] =	ssyncset.done $0x0  }
0xa6: {  	[sflag:s22] =	ssyncadd.s32 s5;
	_ =	sdelay $0x1  }
0xa7: {  	s23 =	simm.s32 $0x1B8B  }
0xa8: {  	_ =	swait.ge [sflag:s23], $0x1  }
0xa9: {  	[sflag:s23] =	ssyncset.done $0x0  }
0xaa: {  	s25 =	simm.s32 $0x1B8E;
	s24 =	sld [smem:$0x3FFE];
	[sflag:s23] =	ssyncadd.s32 $0xFFFFFFFF  }
0xab: {  	s26 =	simm.s32 $execute0_lowered;
	[smem:$0x3FD2] =	sst s25  }
0xac: {  	s6 =	sshll.u32 s26, $0x1;
	_ =	strace $0x80000046;
	[dreg:$0x1] =	wrdreg $0xFFFFFFFF  }
0xad: {  	s28 =	simm.s32 $_size_execute0_lowered;
	s4 =	sadd.s32 s4, s6;
	[dreg:$0x0] =	wrdreg $0x0  }
0xae: {  	s6 =	sshll.u32 s28, $0x1;
	[dreg:$0x2] =	wrdreg s4  }
0xaf: {  	[dreg:$0x3] =	wrdreg s6  }
0xb0: {  	[dreg:$0x4] =	wrdreg $0xC0  }
0xb1: {  	_ =	task [dreg:s8], $0x5FFFF  }
0xb2: {  	[dreg:$0x1] =	wrdreg $0xFFFFFFFF  }
0xb3: {  	[dreg:$0x0] =	wrdreg $0x60  }
0xb4: {  	[dreg:$0x2] =	wrdreg s15  }
0xb5: {  	[dreg:$0x3] =	wrdreg s16  }
0xb6: {  	[dreg:$0x4] =	wrdreg s24  }
0xb7: {  	[dreg:$0x5] =	wrdreg $0x67800  }
0xb8: {  	[dreg:$0x6] =	wrdreg $0x9  }
0xb9: {  	_ =	task.clear_ibuf [dreg:s8], $0x7FFFF;
	_ =	strace $0x90000046  }
0xba: {  	s29 =	simm.s32 $0x9;
	_ =	strace $0x80000048  }
0xbb: {  	_ =	swait.ge [sflag:s29], $0x1  }
0xbc: {  	[sflag:s29] =	ssyncadd.s32 $0xFFFFFFFF  }
0xbd: {  	_ =	strace $0x90000048  }
0xbe: {  	_ =	sfence  }
0xbf: {  	s30 =	sld [smem:$0x0];
	_ =	sdelay $0x2  }
0xc0: {  	s31 =	sshll.u32 s1, $0xD;
	s1 =	sshrl.u32 s1, $0x2  }
0xc1: {  	s3 =	sand.u32 $0x4000, s31;
	s1 =	sadd.s32 s1, s30  }
0xc2: {  	s0 =	sor.u32 s3, s0;
	s1 =	sshll.u32 s1, $0x11  }
0xc3: {  	s0 =	sor.u32 s1, s0  }
0xc4: {  	s0 =	sadd.s32 $0x8F2B, s0  }
0xc5: {  	[sflag:s0] =	ssyncadd.remote.s32 $0x1  }
0xc6: {  	_ =	sfence.sel $0xFFFF  }
0xc7: {  	[dreg:$0x0] =	wrdreg $0xFFFFFFFF;
	(pc) =	sbr.abs _section_cstart, $3  }
0xc8: {  	[dreg:$0x1] =	wrdreg $0xFFFFFFFF  }
0xc9: {  	_ =	task.clear_ibuf [dreg:s8], $0x2FFFF;
	_ =	strace $0x9FFFFFFF  }
0xca: {  	(tm) =	ssettm $0x7FFFFFFF  }
0xcb: {  	_ =	shalt  }
tec
execute0_lowered:
.L_overlay_start_1:
0x0: {  	(tag) =	ssettag $0x1  }
0x1: {  	s0 =	rddreg [dreg:$0x0]  }
0x2: {  	s1 =	rddreg [dreg:$0x1]  }
0x3: {  	s6 =	rddreg [dreg:$0x2]  }
0x4: {  	s3 =	rddreg [dreg:$0x3];
	s30 =	stileid.u32  }
0x5: {  	s2 =	simm.s32 $0x0;
	s4 =	srdreg.scid;
	s5 =	smul.u32 $0x2710, s30  }
0x6: {  	[smem:$0x7FF] =	sst s2;
	s4 =	sand.u32 $0x1, s4;
	s7 =	sshll.u32 s30, $0x1  }
0x7: {  	s29 =	rddreg [dreg:$0x4];
	_ =	strace $0x80000047;
	s7 =	sor.u32 s4, s7  }
0x8: {  	s8 =	sshrl.u32 s5, $0x3;
	s9 =	sadd.s32 $0x27100, s5;
	s25 =	sadd.s32 s5, s3  }
0x9: {  	s31 =	sadd.s32 $0x4E200, s5;
	s8 =	sadd.s32 s1, s8;
	[dreg:$0x6] =	wrdreg s25  }
0xa: {  	s14 =	sadd.s32 $0x75300, s5;
	s11 =	sadd.s32 s9, s3;
	[dreg:$0x5] =	wrdreg s8  }
0xb: {  	s18 =	sadd.s32 $0x9C400, s5;
	s15 =	sadd.s32 s31, s3;
	[dreg:$0x8] =	wrdreg s11  }
0xc: {  	s22 =	sadd.s32 $0xC3500, s5;
	s19 =	sadd.s32 s14, s3;
	[dreg:$0xa] =	wrdreg s15  }
0xd: {  	s5 =	sadd.s32 $0xEA600, s5;
	s23 =	sadd.s32 s18, s3;
	[dreg:$0xc] =	wrdreg s19  }
0xe: {  	s10 =	sshrl.u32 s9, $0x3;
	s9 =	sadd.s32 s5, s3;
	[dreg:$0xe] =	wrdreg s23  }
0xf: {  	s12 =	sshrl.u32 s31, $0x3;
	s26 =	sadd.s32 s1, s10;
	[dreg:$0x12] =	wrdreg s9  }
0x10: {  	s16 =	sshrl.u32 s14, $0x3;
	s13 =	sadd.s32 s1, s12;
	[dreg:$0x7] =	wrdreg s26  }
0x11: {  	s20 =	sshrl.u32 s18, $0x3;
	s17 =	sadd.s32 s1, s16;
	[dreg:$0x9] =	wrdreg s13  }
0x12: {  	s24 =	sshrl.u32 s22, $0x3;
	s21 =	sadd.s32 s1, s20;
	[dreg:$0xb] =	wrdreg s17  }
0x13: {  	s31 =	sshrl.u32 s5, $0x3;
	s25 =	sadd.s32 s1, s24;
	[dreg:$0xd] =	wrdreg s21  }
0x14: {  	s7 =	smul.u32 $0x19000, s7;
	s1 =	sadd.s32 s1, s31;
	[dreg:$0xf] =	wrdreg s25  }
0x15: {  	[dreg:$0x11] =	wrdreg s1  }
0x16: {  	s5 =	sshrl.u32 s7, $0x3;
	s26 =	sadd.s32 s22, s3;
	s1 =	rddreg [dreg:$0x5]  }
0x17: {  	s6 =	sadd.s32 $0x1600, s6;
	s10 =	sadd.s32 s0, s5;
	[dreg:$0x10] =	wrdreg s26  }
0x18: {  	s7 =	sadd.s32 $0x200, s5;
	s14 =	sadd.s32 s6, s5;
	[dreg:$0x13] =	wrdreg s10  }
0x19: {  	s12 =	sadd.s32 $0x400, s5;
	s11 =	sadd.s32 s0, s7;
	[dreg:$0x16] =	wrdreg s14  }
0x1a: {  	s15 =	sadd.s32 $0x600, s5;
	s13 =	sadd.s32 s0, s12;
	[dreg:$0x14] =	wrdreg s11  }
0x1b: {  	s16 =	sadd.s32 s0, s15;
	[dreg:$0x15] =	wrdreg s13  }
0x1c: {  	s18 =	sadd.s32 $0x800, s5;
	s17 =	sadd.s32 s6, s7;
	[dreg:$0x17] =	wrdreg s16  }
0x1d: {  	s19 =	sadd.s32 s0, s18;
	[dreg:$0x18] =	wrdreg s17  }
0x1e: {  	s21 =	sadd.s32 $0xA00, s5;
	s20 =	sadd.s32 s6, s12;
	[dreg:$0x19] =	wrdreg s19  }
0x1f: {  	s22 =	sadd.s32 s0, s21;
	[dreg:$0x1a] =	wrdreg s20  }
0x20: {  	s24 =	sadd.s32 $0xC00, s5;
	s23 =	sadd.s32 s6, s15;
	[dreg:$0x1b] =	wrdreg s22  }
0x21: {  	s25 =	sadd.s32 s0, s24;
	[dreg:$0x1c] =	wrdreg s23  }
0x22: {  	s31 =	sadd.s32 $0xE00, s5;
	s26 =	sadd.s32 s6, s18;
	[dreg:$0x1d] =	wrdreg s25  }
0x23: {  	s10 =	sadd.s32 s0, s31;
	[dreg:$0x1e] =	wrdreg s26  }
0x24: {  	s28 =	simm.s32 $0x4000;
	s14 =	sadd.s32 s6, s24;
	[dreg:$0x1f] =	wrdreg s10  }
0x25: {  	s12 =	sadd.s32 $0x1000, s5;
	s11 =	sadd.s32 s6, s21;
	[smem:$0x7E8] =	sst s14  }
0x26: {  	s15 =	sadd.s32 $0x1200, s5;
	s13 =	sadd.s32 s0, s12;
	[smem:$0x7E6] =	sst s11  }
0x27: {  	p1 =	por $0x0, $0x0;
	s16 =	sadd.s32 s0, s15;
	[smem:$0x7E7] =	sst s13  }
0x28: {  	s18 =	sadd.s32 $0x1400, s5;
	s17 =	sadd.s32 s6, s31;
	[smem:$0x7E9] =	sst s16  }
0x29: {  	p0 =	sgt.u32 s30, $0x3;
	s19 =	sadd.s32 s0, s18;
	[smem:$0x7EA] =	sst s17  }
0x2a: {  	s4 =	ssub.s32 $0x2, s4;
	s20 =	sadd.s32 s6, s12;
	[smem:$0x7EB] =	sst s19  }
0x2b: {  	s24 =	sadd.s32 $0x1800, s5;
	s23 =	sadd.s32 s6, s15;
	[smem:$0x7EC] =	sst s20  }
0x2c: {  	s8 =	simm.s32 $0x5;
	s25 =	sadd.s32 s0, s24;
	[smem:$0x7EE] =	sst s23  }
0x2d: {  	s21 =	sadd.s32 $0x1600, s5;
	s26 =	sadd.s32 s6, s18;
	[smem:$0x7EF] =	sst s25  }
0x2e: {  	s31 =	sadd.s32 $0x1A00, s5;
	s14 =	sadd.s32 s6, s24;
	[smem:$0x7F0] =	sst s26  }
0x2f: {  	s12 =	sadd.s32 $0x1C00, s5;
	s22 =	sadd.s32 s0, s21;
	[smem:$0x7F4] =	sst s14  }
0x30: {  	s15 =	sadd.s32 $0x1E00, s5;
	s10 =	sadd.s32 s0, s31;
	[smem:$0x7ED] =	sst s22  }
0x31: {  	s18 =	sadd.s32 $0x2000, s5;
	s11 =	sadd.s32 s6, s21;
	[smem:$0x7F1] =	sst s10  }
0x32: {  	s24 =	sadd.s32 $0x2400, s5;
	s13 =	sadd.s32 s0, s12;
	[smem:$0x7F2] =	sst s11  }
0x33: {  	s16 =	sadd.s32 s0, s15;
	s17 =	sadd.s32 s6, s31;
	[smem:$0x7F3] =	sst s13  }
0x34: {  	s19 =	sadd.s32 s0, s18;
	s20 =	sadd.s32 s6, s12;
	[smem:$0x7F5] =	sst s16  }
0x35: {  	s21 =	sadd.s32 $0x2200, s5;
	s23 =	sadd.s32 s6, s15;
	[smem:$0x7F6] =	sst s17  }
0x36: {  	s26 =	sshrl.u32 s4, $0x1;
	s31 =	sadd.s32 s0, s24;
	[smem:$0x7F7] =	sst s19  }
0x37: {  	s7 =	sadd.s32 s6, s18;
	s24 =	sadd.s32 s6, s24;
	[smem:$0x7F8] =	sst s20  }
0x38: {  	s14 =	sadd.s32 $0x2A00, s5;
	s15 =	sadd.s32 $0x2C00, s5;
	[smem:$0x7FA] =	sst s23  }
0x39: {  	s22 =	sadd.s32 s0, s21;
	[smem:$0x7FB] =	sst s31;
	s11 =	sadd.s32 $0x2600, s5  }
0x3a: {  	s10 =	ssub.s32 s4, s26;
	[smem:$0x7FC] =	sst s7;
	s25 =	sadd.s32 s6, s21  }
0x3b: {  	s13 =	sadd.s32 $0x2800, s5;
	s21 =	sadd.s32 s0, s14;
	s19 =	sadd.s32 s0, s15  }
0x3c: {  	s16 =	sadd.s32 $0x2E00, s5;
	s26 =	sadd.s32 $0x3000, s5;
	s12 =	sadd.s32 s0, s11  }
0x3d: {  	s23 =	sadd.s32 s0, s13;
	s17 =	sadd.s32 s0, s16;
	s31 =	smax.u32 s10, $0x1  }
0x3e: {  	[smem:$0x7FD] =	sst s12;
	s12 =	sadd.s32 s0, s26;
	s0 =	sadd.s32 $0xFFFFFFFF, s31  }
0x3f: {  	s18 =	sadd.s32 s6, s14;
	s5 =	simm.s32 $0x2000;
	p2 =	sne.s32 s0, $0x0  }
.Ltmp0:
0x40: {  	s7 =	simm.s32 $0x3;
	s14 =	simm.s32 $0x3000;
	(pc) =	sbr.rel @!p2 .LBB2_5-.Ltmp0, $4  }
0x41: {  	[smem:$0x7F9] =	sst s22;
	s22 =	sadd.s32 s6, s11;
	s20 =	sadd.s32 s6, s13  }
0x42: {  	s13 =	sadd.s32 s6, s15;
	s9 =	sadd.s32 s6, s16;
	s4 =	sadd.s32 s6, s26  }
0x43: {  	s6 =	simm.s32 $0x1000;
	s10 =	simm.s32 $0x1;
	s15 =	simm.s32 $0x2  }
0x44: {  	s16 =	simm.s32 $0x4;
	s11 =	simm.s32 $0x6;
	s26 =	simm.s32 $0x7  }
0x45: {  	[tilespmem:s28], [sflag:$0x7] =	stream.linear.gather [hbm4b:s1+s2], $0x2710, $0x38;
	[tilespmem:$0x15BA8] =	vst v63  }
0x46: {  	_ =	swait.ge [sflag:s26], $0x2710  }
0x47: {  	[sflag:s26] =	ssyncset.done $0x0  }
0x48: {  	s30 =	rddreg [dreg:$0x6];
	[sflag:s26] =	ssyncadd.s32 $0xFFFFD8F0  }
0x49: {  	[spmem:s30] =	stream.linear.scatter [tilespmem:s28], [sflag:$0x7], $0x2710, $0x38;
	[tilespmem:$0x15BA8] =	vst v63  }
0x4a: {  	_ =	swait.ge [sflag:s26], $0x2710  }
0x4b: {  	[sflag:s26] =	ssyncset.done $0x0  }
0x4c: {  	s30 =	rddreg [dreg:$0x7];
	[sflag:s26] =	ssyncadd.s32 $0xFFFFD8F0  }
0x4d: {  	[tilespmem:s28], [sflag:$0x7] =	stream.linear.gather [hbm4b:s30+s2], $0x2710, $0x38;
	[tilespmem:$0x15BA8] =	vst v63  }
0x4e: {  	_ =	swait.ge [sflag:s26], $0x2710  }
0x4f: {  	[sflag:s26] =	ssyncset.done $0x0  }
0x50: {  	s30 =	rddreg [dreg:$0x8];
	[sflag:s26] =	ssyncadd.s32 $0xFFFFD8F0  }
0x51: {  	[spmem:s30] =	stream.linear.scatter [tilespmem:s28], [sflag:$0x7], $0x2710, $0x38;
	[tilespmem:$0x15BA8] =	vst v63  }
0x52: {  	_ =	swait.ge [sflag:s26], $0x2710  }
0x53: {  	[sflag:s26] =	ssyncset.done $0x0  }
0x54: {  	s30 =	rddreg [dreg:$0x9];
	[sflag:s26] =	ssyncadd.s32 $0xFFFFD8F0  }
0x55: {  	[tilespmem:s28], [sflag:$0x7] =	stream.linear.gather [hbm4b:s30+s2], $0x2710, $0x38;
	[tilespmem:$0x15BA8] =	vst v63  }
0x56: {  	_ =	swait.ge [sflag:s26], $0x2710  }
0x57: {  	[sflag:s26] =	ssyncset.done $0x0  }
0x58: {  	s30 =	rddreg [dreg:$0xa];
	[sflag:s26] =	ssyncadd.s32 $0xFFFFD8F0  }
0x59: {  	[spmem:s30] =	stream.linear.scatter [tilespmem:s28], [sflag:$0x7], $0x2710, $0x38;
	[tilespmem:$0x15BA8] =	vst v63  }
0x5a: {  	_ =	swait.ge [sflag:s26], $0x2710  }
0x5b: {  	[sflag:s26] =	ssyncset.done $0x0  }
0x5c: {  	s30 =	rddreg [dreg:$0xb];
	[sflag:s26] =	ssyncadd.s32 $0xFFFFD8F0  }
0x5d: {  	[tilespmem:s28], [sflag:$0x7] =	stream.linear.gather [hbm4b:s30+s2], $0x2710, $0x38;
	[tilespmem:$0x15BA8] =	vst v63  }
0x5e: {  	_ =	swait.ge [sflag:s26], $0x2710  }
0x5f: {  	[sflag:s26] =	ssyncset.done $0x0  }
0x60: {  	s30 =	rddreg [dreg:$0xc];
	[sflag:s26] =	ssyncadd.s32 $0xFFFFD8F0  }
0x61: {  	[spmem:s30] =	stream.linear.scatter [tilespmem:s28], [sflag:$0x7], $0x2710, $0x38;
	[tilespmem:$0x15BA8] =	vst v63  }
0x62: {  	_ =	swait.ge [sflag:s26], $0x2710  }
0x63: {  	[sflag:s26] =	ssyncset.done $0x0  }
0x64: {  	s30 =	rddreg [dreg:$0xd];
	[sflag:s26] =	ssyncadd.s32 $0xFFFFD8F0  }
0x65: {  	[tilespmem:s28], [sflag:$0x7] =	stream.linear.gather [hbm4b:s30+s2], $0x2710, $0x38;
	[tilespmem:$0x15BA8] =	vst v63  }
0x66: {  	_ =	swait.ge [sflag:s26], $0x2710  }
0x67: {  	[sflag:s26] =	ssyncset.done $0x0  }
0x68: {  	s30 =	rddreg [dreg:$0xe];
	[sflag:s26] =	ssyncadd.s32 $0xFFFFD8F0  }
0x69: {  	[spmem:s30] =	stream.linear.scatter [tilespmem:s28], [sflag:$0x7], $0x2710, $0x38;
	[tilespmem:$0x15BA8] =	vst v63  }
0x6a: {  	_ =	swait.ge [sflag:s26], $0x2710  }
0x6b: {  	[sflag:s26] =	ssyncset.done $0x0  }
0x6c: {  	s30 =	rddreg [dreg:$0xf];
	[sflag:s26] =	ssyncadd.s32 $0xFFFFD8F0  }
0x6d: {  	[tilespmem:s28], [sflag:$0x7] =	stream.linear.gather [hbm4b:s30+s2], $0x2710, $0x38;
	[tilespmem:$0x15BA8] =	vst v63  }
0x6e: {  	_ =	swait.ge [sflag:s26], $0x2710  }
0x6f: {  	[sflag:s26] =	ssyncset.done $0x0  }
0x70: {  	s30 =	rddreg [dreg:$0x10];
	[sflag:s26] =	ssyncadd.s32 $0xFFFFD8F0  }
0x71: {  	[spmem:s30] =	stream.linear.scatter [tilespmem:s28], [sflag:$0x7], $0x2710, $0x38;
	[tilespmem:$0x15BA8] =	vst v63  }
0x72: {  	s29 =	simm.s32 @!p0 $0x7;
	_ =	swait.ge [sflag:s26], $0x2710  }
0x73: {  	s31 =	simm.s32 @!p0 $0x4000;
	s30 =	smov.u32 s0;
	[sflag:s26] =	ssyncset.done $0x0  }
0x74: {  	s0 =	simm.s32 @!p0 $0x0;
	s1 =	rddreg [dreg:$0x11];
	[sflag:s26] =	ssyncadd.s32 $0xFFFFD8F0  }
0x75: {  	[tilespmem:s31], [sflag:$0x7] =	stream.linear.gather @!p0 [hbm4b:s1+s0], $0x2710, $0x38;
	[tilespmem:$0x15BA8] =	vst v63  }
0x76: {  	_ =	swait.ge @!p0 [sflag:s29], $0x2710  }
0x77: {  	[sflag:s29] =	ssyncset.done @!p0 $0x0  }
0x78: {  	s1 =	rddreg [dreg:$0x12];
	[sflag:s29] =	ssyncadd.s32 @!p0 $0xFFFFD8F0  }
0x79: {  	[spmem:s1] =	stream.linear.scatter @!p0 [tilespmem:s31], [sflag:$0x7], $0x2710, $0x38;
	[tilespmem:$0x15BA8] =	vst v63  }
0x7a: {  	_ =	swait.ge @!p0 [sflag:s29], $0x2710  }
0x7b: {  	[sflag:s29] =	ssyncset.done @!p0 $0x0  }
0x7c: {  	[sflag:s29] =	ssyncadd.s32 @!p0 $0xFFFFD8F0  }
0x7d: {  	[bflag:$0x0] =	sbarrier.arrive $0xFFFF  }
0x7e: {  	s1 =	rddreg [dreg:$0x13]  }
0x7f: {  	[tilespmem:s2], [sflag:$0x1] =	stream.linear.gather [hbm4b:s1+s2], $0x1000, $0x38;
	[tilespmem:$0x15BA8] =	vst v63  }
0x80: {  	s0 =	rddreg [dreg:$0x14]  }
0x81: {  	[tilespmem:s6], [sflag:$0x2] =	stream.linear.gather [hbm4b:s0+s2], $0x1000, $0x38;
	[tilespmem:$0x15BA8] =	vst v63  }
0x82: {  	_ =	swait.ge [sflag:s10], $0x1000  }
0x83: {  	[sflag:s10] =	ssyncset.done $0x0  }
0x84: {  	[sflag:s10] =	ssyncadd.s32 $0xFFFFF000  }
0x85: {  	[tilespmem:s5], [sflag:$0x3] =	stream.indirect.gather [spmem:s3], $0x1, s2, s6, $0xb8;
	[tilespmem:$0x15BA8] =	vst v63  }
0x86: {  	_ =	swait.ge [sflag:s7], $0x1000  }
0x87: {  	[sflag:s7] =	ssyncset.done $0x0  }
0x88: {  	s0 =	rddreg [dreg:$0x15];
	[sflag:s7] =	ssyncadd.s32 $0xFFFFF000  }
0x89: {  	[tilespmem:s2], [sflag:$0x1] =	stream.linear.gather [hbm4b:s0+s2], $0x1000, $0x38;
	[tilespmem:$0x15BA8] =	vst v63  }
0x8a: {  	s1 =	rddreg [dreg:$0x16]  }
0x8b: {  	[hbm4b:s1+s2] =	stream.linear.scatter [tilespmem:s5], [sflag:$0x5], $0x1000, $0x38;
	[tilespmem:$0x15BA8] =	vst v63  }
0x8c: {  	_ =	swait.ge [sflag:s15], $0x1000  }
0x8d: {  	[sflag:s15] =	ssyncset.done $0x0  }
0x8e: {  	[sflag:s15] =	ssyncadd.s32 $0xFFFFF000  }
0x8f: {  	[tilespmem:s14], [sflag:$0x4] =	stream.indirect.gather [spmem:s3], $0x1, s6, s6, $0xb8;
	[tilespmem:$0x15BA8] =	vst v63  }
0x90: {  	_ =	swait.ge [sflag:s16], $0x1000  }
0x91: {  	[sflag:s16] =	ssyncset.done $0x0  }
0x92: {  	s0 =	rddreg [dreg:$0x17];
	[sflag:s16] =	ssyncadd.s32 $0xFFFFF000  }
0x93: {  	[tilespmem:s6], [sflag:$0x2] =	stream.linear.gather [hbm4b:s0+s2], $0x1000, $0x38;
	[tilespmem:$0x15BA8] =	vst v63  }
0x94: {  	s1 =	rddreg [dreg:$0x18]  }
0x95: {  	[hbm4b:s1+s2] =	stream.linear.scatter [tilespmem:s14], [sflag:$0x6], $0x1000, $0x38;
	[tilespmem:$0x15BA8] =	vst v63  }
0x96: {  	_ =	swait.ge [sflag:s8], $0x1000  }
0x97: {  	[sflag:s8] =	ssyncset.done $0x0  }
0x98: {  	[sflag:s8] =	ssyncadd.s32 $0xFFFFF000  }
0x99: {  	_ =	swait.ge [sflag:s10], $0x1000  }
0x9a: {  	[sflag:s10] =	ssyncset.done $0x0  }
0x9b: {  	[sflag:s10] =	ssyncadd.s32 $0xFFFFF000  }
0x9c: {  	[tilespmem:s5], [sflag:$0x3] =	stream.indirect.gather [spmem:s3], $0x1, s2, s6, $0xb8;
	[tilespmem:$0x15BA8] =	vst v63  }
0x9d: {  	_ =	swait.ge [sflag:s7], $0x1000  }
0x9e: {  	[sflag:s7] =	ssyncset.done $0x0  }
0x9f: {  	s0 =	rddreg [dreg:$0x19];
	[sflag:s7] =	ssyncadd.s32 $0xFFFFF000  }
0xa0: {  	[tilespmem:s2], [sflag:$0x1] =	stream.linear.gather [hbm4b:s0+s2], $0x1000, $0x38;
	[tilespmem:$0x15BA8] =	vst v63  }
0xa1: {  	s1 =	rddreg [dreg:$0x1a]  }
0xa2: {  	[hbm4b:s1+s2] =	stream.linear.scatter [tilespmem:s5], [sflag:$0x5], $0x1000, $0x38;
	[tilespmem:$0x15BA8] =	vst v63  }
0xa3: {  	_ =	swait.ge [sflag:s11], $0x1000  }
0xa4: {  	[sflag:s11] =	ssyncset.done $0x0  }
0xa5: {  	[sflag:s11] =	ssyncadd.s32 $0xFFFFF000  }
0xa6: {  	_ =	swait.ge [sflag:s15], $0x1000  }
0xa7: {  	[sflag:s15] =	ssyncset.done $0x0  }
0xa8: {  	[sflag:s15] =	ssyncadd.s32 $0xFFFFF000  }
0xa9: {  	[tilespmem:s14], [sflag:$0x4] =	stream.indirect.gather [spmem:s3], $0x1, s6, s6, $0xb8;
	[tilespmem:$0x15BA8] =	vst v63  }
0xaa: {  	_ =	swait.ge [sflag:s16], $0x1000  }
0xab: {  	[sflag:s16] =	ssyncset.done $0x0  }
0xac: {  	s0 =	rddreg [dreg:$0x1b];
	[sflag:s16] =	ssyncadd.s32 $0xFFFFF000  }
0xad: {  	[tilespmem:s6], [sflag:$0x2] =	stream.linear.gather [hbm4b:s0+s2], $0x1000, $0x38;
	[tilespmem:$0x15BA8] =	vst v63  }
0xae: {  	s1 =	rddreg [dreg:$0x1c]  }
0xaf: {  	[hbm4b:s1+s2] =	stream.linear.scatter [tilespmem:s14], [sflag:$0x6], $0x1000, $0x38;
	[tilespmem:$0x15BA8] =	vst v63  }
0xb0: {  	_ =	swait.ge [sflag:s8], $0x1000  }
0xb1: {  	[sflag:s8] =	ssyncset.done $0x0  }
0xb2: {  	[sflag:s8] =	ssyncadd.s32 $0xFFFFF000  }
0xb3: {  	_ =	swait.ge [sflag:s10], $0x1000  }
0xb4: {  	[sflag:s10] =	ssyncset.done $0x0  }
0xb5: {  	[sflag:s10] =	ssyncadd.s32 $0xFFFFF000  }
0xb6: {  	[tilespmem:s5], [sflag:$0x3] =	stream.indirect.gather [spmem:s3], $0x1, s2, s6, $0xb8;
	[tilespmem:$0x15BA8] =	vst v63  }
0xb7: {  	_ =	swait.ge [sflag:s7], $0x1000  }
0xb8: {  	[sflag:s7] =	ssyncset.done $0x0  }
0xb9: {  	s0 =	rddreg [dreg:$0x1d];
	[sflag:s7] =	ssyncadd.s32 $0xFFFFF000  }
0xba: {  	[tilespmem:s2], [sflag:$0x1] =	stream.linear.gather [hbm4b:s0+s2], $0x1000, $0x38;
	[tilespmem:$0x15BA8] =	vst v63  }
0xbb: {  	s1 =	rddreg [dreg:$0x1e]  }
0xbc: {  	[hbm4b:s1+s2] =	stream.linear.scatter [tilespmem:s5], [sflag:$0x5], $0x1000, $0x38;
	[tilespmem:$0x15BA8] =	vst v63  }
0xbd: {  	_ =	swait.ge [sflag:s11], $0x1000  }
0xbe: {  	[sflag:s11] =	ssyncset.done $0x0  }
0xbf: {  	[sflag:s11] =	ssyncadd.s32 $0xFFFFF000  }
0xc0: {  	_ =	swait.ge [sflag:s15], $0x1000  }
0xc1: {  	[sflag:s15] =	ssyncset.done $0x0  }
0xc2: {  	[sflag:s15] =	ssyncadd.s32 $0xFFFFF000  }
0xc3: {  	[tilespmem:s14], [sflag:$0x4] =	stream.indirect.gather [spmem:s3], $0x1, s6, s6, $0xb8;
	[tilespmem:$0x15BA8] =	vst v63  }
0xc4: {  	_ =	swait.ge [sflag:s16], $0x1000  }
0xc5: {  	s0 =	rddreg [dreg:$0x1f];
	[sflag:s16] =	ssyncset.done $0x0  }
0xc6: {  	s1 =	sld [smem:$0x7E6];
	[sflag:s16] =	ssyncadd.s32 $0xFFFFF000  }
0xc7: {  	[tilespmem:s6], [sflag:$0x2] =	stream.linear.gather [hbm4b:s0+s2], $0x1000, $0x38;
	[tilespmem:$0x15BA8] =	vst v63  }
0xc8: {  	_ = 	snop  }
0xc9: {  	[hbm4b:s1+s2] =	stream.linear.scatter [tilespmem:s14], [sflag:$0x6], $0x1000, $0x38;
	[tilespmem:$0x15BA8] =	vst v63  }
0xca: {  	_ =	swait.ge [sflag:s8], $0x1000  }
0xcb: {  	[sflag:s8] =	ssyncset.done $0x0  }
0xcc: {  	[sflag:s8] =	ssyncadd.s32 $0xFFFFF000  }
0xcd: {  	_ =	swait.ge [sflag:s10], $0x1000  }
0xce: {  	[sflag:s10] =	ssyncset.done $0x0  }
0xcf: {  	[sflag:s10] =	ssyncadd.s32 $0xFFFFF000  }
0xd0: {  	[tilespmem:s5], [sflag:$0x3] =	stream.indirect.gather [spmem:s3], $0x1, s2, s6, $0xb8;
	[tilespmem:$0x15BA8] =	vst v63  }
0xd1: {  	_ =	swait.ge [sflag:s7], $0x1000  }
0xd2: {  	s0 =	sld [smem:$0x7E7]  }
0xd3: {  	[sflag:s7] =	ssyncset.done $0x0  }
0xd4: {  	s1 =	sld [smem:$0x7E8];
	[sflag:s7] =	ssyncadd.s32 $0xFFFFF000  }
0xd5: {  	[tilespmem:s2], [sflag:$0x1] =	stream.linear.gather [hbm4b:s0+s2], $0x1000, $0x38;
	[tilespmem:$0x15BA8] =	vst v63  }
0xd6: {  	_ = 	snop  }
0xd7: {  	[hbm4b:s1+s2] =	stream.linear.scatter [tilespmem:s5], [sflag:$0x5], $0x1000, $0x38;
	[tilespmem:$0x15BA8] =	vst v63  }
0xd8: {  	_ =	swait.ge [sflag:s11], $0x1000  }
0xd9: {  	[sflag:s11] =	ssyncset.done $0x0  }
0xda: {  	[sflag:s11] =	ssyncadd.s32 $0xFFFFF000  }
0xdb: {  	_ =	swait.ge [sflag:s15], $0x1000  }
0xdc: {  	[sflag:s15] =	ssyncset.done $0x0  }
0xdd: {  	[sflag:s15] =	ssyncadd.s32 $0xFFFFF000  }
0xde: {  	[tilespmem:s14], [sflag:$0x4] =	stream.indirect.gather [spmem:s3], $0x1, s6, s6, $0xb8;
	[tilespmem:$0x15BA8] =	vst v63  }
0xdf: {  	_ =	swait.ge [sflag:s16], $0x1000  }
0xe0: {  	s0 =	sld [smem:$0x7E9]  }
0xe1: {  	[sflag:s16] =	ssyncset.done $0x0  }
0xe2: {  	s1 =	sld [smem:$0x7EA];
	[sflag:s16] =	ssyncadd.s32 $0xFFFFF000  }
0xe3: {  	[tilespmem:s6], [sflag:$0x2] =	stream.linear.gather [hbm4b:s0+s2], $0x1000, $0x38;
	[tilespmem:$0x15BA8] =	vst v63  }
0xe4: {  	_ = 	snop  }
0xe5: {  	[hbm4b:s1+s2] =	stream.linear.scatter [tilespmem:s14], [sflag:$0x6], $0x1000, $0x38;
	[tilespmem:$0x15BA8] =	vst v63  }
0xe6: {  	_ =	swait.ge [sflag:s8], $0x1000  }
0xe7: {  	[sflag:s8] =	ssyncset.done $0x0  }
0xe8: {  	[sflag:s8] =	ssyncadd.s32 $0xFFFFF000  }
0xe9: {  	_ =	swait.ge [sflag:s10], $0x1000  }
0xea: {  	[sflag:s10] =	ssyncset.done $0x0  }
0xeb: {  	[sflag:s10] =	ssyncadd.s32 $0xFFFFF000  }
0xec: {  	[tilespmem:s5], [sflag:$0x3] =	stream.indirect.gather [spmem:s3], $0x1, s2, s6, $0xb8;
	[tilespmem:$0x15BA8] =	vst v63  }
0xed: {  	_ =	swait.ge [sflag:s7], $0x1000  }
0xee: {  	s0 =	sld [smem:$0x7EB]  }
0xef: {  	[sflag:s7] =	ssyncset.done $0x0  }
0xf0: {  	s1 =	sld [smem:$0x7EC];
	[sflag:s7] =	ssyncadd.s32 $0xFFFFF000  }
0xf1: {  	[tilespmem:s2], [sflag:$0x1] =	stream.linear.gather [hbm4b:s0+s2], $0x1000, $0x38;
	[tilespmem:$0x15BA8] =	vst v63  }
0xf2: {  	_ = 	snop  }
0xf3: {  	[hbm4b:s1+s2] =	stream.linear.scatter [tilespmem:s5], [sflag:$0x5], $0x1000, $0x38;
	[tilespmem:$0x15BA8] =	vst v63  }
0xf4: {  	_ =	swait.ge [sflag:s11], $0x1000  }
0xf5: {  	[sflag:s11] =	ssyncset.done $0x0  }
0xf6: {  	[sflag:s11] =	ssyncadd.s32 $0xFFFFF000  }
0xf7: {  	_ =	swait.ge [sflag:s15], $0x1000  }
0xf8: {  	[sflag:s15] =	ssyncset.done $0x0  }
0xf9: {  	[sflag:s15] =	ssyncadd.s32 $0xFFFFF000  }
0xfa: {  	[tilespmem:s14], [sflag:$0x4] =	stream.indirect.gather [spmem:s3], $0x1, s6, s6, $0xb8;
	[tilespmem:$0x15BA8] =	vst v63  }
0xfb: {  	_ =	swait.ge [sflag:s16], $0x1000  }
0xfc: {  	s0 =	sld [smem:$0x7ED]  }
0xfd: {  	[sflag:s16] =	ssyncset.done $0x0  }
0xfe: {  	s1 =	sld [smem:$0x7EE];
	[sflag:s16] =	ssyncadd.s32 $0xFFFFF000  }
0xff: {  	[tilespmem:s6], [sflag:$0x2] =	stream.linear.gather [hbm4b:s0+s2], $0x1000, $0x38;
	[tilespmem:$0x15BA8] =	vst v63  }
0x100: {  	_ = 	snop  }
0x101: {  	[hbm4b:s1+s2] =	stream.linear.scatter [tilespmem:s14], [sflag:$0x6], $0x1000, $0x38;
	[tilespmem:$0x15BA8] =	vst v63  }
0x102: {  	_ =	swait.ge [sflag:s8], $0x1000  }
0x103: {  	[sflag:s8] =	ssyncset.done $0x0  }
0x104: {  	[sflag:s8] =	ssyncadd.s32 $0xFFFFF000  }
0x105: {  	_ =	swait.ge [sflag:s10], $0x1000  }
0x106: {  	[sflag:s10] =	ssyncset.done $0x0  }
0x107: {  	[sflag:s10] =	ssyncadd.s32 $0xFFFFF000  }
0x108: {  	[tilespmem:s5], [sflag:$0x3] =	stream.indirect.gather [spmem:s3], $0x1, s2, s6, $0xb8;
	[tilespmem:$0x15BA8] =	vst v63  }
0x109: {  	_ =	swait.ge [sflag:s7], $0x1000  }
0x10a: {  	s0 =	sld [smem:$0x7EF]  }
0x10b: {  	[sflag:s7] =	ssyncset.done $0x0  }
0x10c: {  	s1 =	sld [smem:$0x7F0];
	[sflag:s7] =	ssyncadd.s32 $0xFFFFF000  }
0x10d: {  	[tilespmem:s2], [sflag:$0x1] =	stream.linear.gather [hbm4b:s0+s2], $0x1000, $0x38;
	[tilespmem:$0x15BA8] =	vst v63  }
0x10e: {  	_ = 	snop  }
0x10f: {  	[hbm4b:s1+s2] =	stream.linear.scatter [tilespmem:s5], [sflag:$0x5], $0x1000, $0x38;
	[tilespmem:$0x15BA8] =	vst v63  }
0x110: {  	_ =	swait.ge [sflag:s11], $0x1000  }
0x111: {  	[sflag:s11] =	ssyncset.done $0x0  }
0x112: {  	[sflag:s11] =	ssyncadd.s32 $0xFFFFF000  }
0x113: {  	_ =	swait.ge [sflag:s15], $0x1000  }
0x114: {  	[sflag:s15] =	ssyncset.done $0x0  }
0x115: {  	[sflag:s15] =	ssyncadd.s32 $0xFFFFF000  }
0x116: {  	[tilespmem:s14], [sflag:$0x4] =	stream.indirect.gather [spmem:s3], $0x1, s6, s6, $0xb8;
	[tilespmem:$0x15BA8] =	vst v63  }
0x117: {  	_ =	swait.ge [sflag:s16], $0x1000  }
0x118: {  	s0 =	sld [smem:$0x7F1]  }
0x119: {  	[sflag:s16] =	ssyncset.done $0x0  }
0x11a: {  	s1 =	sld [smem:$0x7F2];
	[sflag:s16] =	ssyncadd.s32 $0xFFFFF000  }
0x11b: {  	[tilespmem:s6], [sflag:$0x2] =	stream.linear.gather [hbm4b:s0+s2], $0x1000, $0x38;
	[tilespmem:$0x15BA8] =	vst v63  }
0x11c: {  	_ = 	snop  }
0x11d: {  	[hbm4b:s1+s2] =	stream.linear.scatter [tilespmem:s14], [sflag:$0x6], $0x1000, $0x38;
	[tilespmem:$0x15BA8] =	vst v63  }
0x11e: {  	_ =	swait.ge [sflag:s8], $0x1000  }
0x11f: {  	[sflag:s8] =	ssyncset.done $0x0  }
0x120: {  	[sflag:s8] =	ssyncadd.s32 $0xFFFFF000  }
0x121: {  	_ =	swait.ge [sflag:s10], $0x1000  }
0x122: {  	[sflag:s10] =	ssyncset.done $0x0  }
0x123: {  	[sflag:s10] =	ssyncadd.s32 $0xFFFFF000  }
0x124: {  	[tilespmem:s5], [sflag:$0x3] =	stream.indirect.gather [spmem:s3], $0x1, s2, s6, $0xb8;
	[tilespmem:$0x15BA8] =	vst v63  }
0x125: {  	_ =	swait.ge [sflag:s7], $0x1000  }
0x126: {  	s0 =	sld [smem:$0x7F3]  }
0x127: {  	[sflag:s7] =	ssyncset.done $0x0  }
0x128: {  	s1 =	sld [smem:$0x7F4];
	[sflag:s7] =	ssyncadd.s32 $0xFFFFF000  }
0x129: {  	[tilespmem:s2], [sflag:$0x1] =	stream.linear.gather [hbm4b:s0+s2], $0x1000, $0x38;
	[tilespmem:$0x15BA8] =	vst v63  }
0x12a: {  	_ = 	snop  }
0x12b: {  	[hbm4b:s1+s2] =	stream.linear.scatter [tilespmem:s5], [sflag:$0x5], $0x1000, $0x38;
	[tilespmem:$0x15BA8] =	vst v63  }
0x12c: {  	_ =	swait.ge [sflag:s11], $0x1000  }
0x12d: {  	[sflag:s11] =	ssyncset.done $0x0  }
0x12e: {  	[sflag:s11] =	ssyncadd.s32 $0xFFFFF000  }
0x12f: {  	_ =	swait.ge [sflag:s15], $0x1000  }
0x130: {  	[sflag:s15] =	ssyncset.done $0x0  }
0x131: {  	[sflag:s15] =	ssyncadd.s32 $0xFFFFF000  }
0x132: {  	[tilespmem:s14], [sflag:$0x4] =	stream.indirect.gather [spmem:s3], $0x1, s6, s6, $0xb8;
	[tilespmem:$0x15BA8] =	vst v63  }
0x133: {  	_ =	swait.ge [sflag:s16], $0x1000  }
0x134: {  	s0 =	sld [smem:$0x7F5]  }
0x135: {  	[sflag:s16] =	ssyncset.done $0x0  }
0x136: {  	s1 =	sld [smem:$0x7F6];
	[sflag:s16] =	ssyncadd.s32 $0xFFFFF000  }
0x137: {  	[tilespmem:s6], [sflag:$0x2] =	stream.linear.gather [hbm4b:s0+s2], $0x1000, $0x38;
	[tilespmem:$0x15BA8] =	vst v63  }
0x138: {  	_ = 	snop  }
0x139: {  	[hbm4b:s1+s2] =	stream.linear.scatter [tilespmem:s14], [sflag:$0x6], $0x1000, $0x38;
	[tilespmem:$0x15BA8] =	vst v63  }
0x13a: {  	_ =	swait.ge [sflag:s8], $0x1000  }
0x13b: {  	[sflag:s8] =	ssyncset.done $0x0  }
0x13c: {  	[sflag:s8] =	ssyncadd.s32 $0xFFFFF000  }
0x13d: {  	_ =	swait.ge [sflag:s10], $0x1000  }
0x13e: {  	[sflag:s10] =	ssyncset.done $0x0  }
0x13f: {  	[sflag:s10] =	ssyncadd.s32 $0xFFFFF000  }
0x140: {  	[tilespmem:s5], [sflag:$0x3] =	stream.indirect.gather [spmem:s3], $0x1, s2, s6, $0xb8;
	[tilespmem:$0x15BA8] =	vst v63  }
0x141: {  	_ =	swait.ge [sflag:s7], $0x1000  }
0x142: {  	s0 =	sld [smem:$0x7F7]  }
0x143: {  	[sflag:s7] =	ssyncset.done $0x0  }
0x144: {  	s1 =	sld [smem:$0x7F8];
	[sflag:s7] =	ssyncadd.s32 $0xFFFFF000  }
0x145: {  	[tilespmem:s2], [sflag:$0x1] =	stream.linear.gather [hbm4b:s0+s2], $0x1000, $0x38;
	[tilespmem:$0x15BA8] =	vst v63  }
0x146: {  	_ = 	snop  }
0x147: {  	[hbm4b:s1+s2] =	stream.linear.scatter [tilespmem:s5], [sflag:$0x5], $0x1000, $0x38;
	[tilespmem:$0x15BA8] =	vst v63  }
0x148: {  	_ =	swait.ge [sflag:s11], $0x1000  }
0x149: {  	[sflag:s11] =	ssyncset.done $0x0  }
0x14a: {  	[sflag:s11] =	ssyncadd.s32 $0xFFFFF000  }
0x14b: {  	_ =	swait.ge [sflag:s15], $0x1000  }
0x14c: {  	[sflag:s15] =	ssyncset.done $0x0  }
0x14d: {  	[sflag:s15] =	ssyncadd.s32 $0xFFFFF000  }
0x14e: {  	[tilespmem:s14], [sflag:$0x4] =	stream.indirect.gather [spmem:s3], $0x1, s6, s6, $0xb8;
	[tilespmem:$0x15BA8] =	vst v63  }
0x14f: {  	_ =	swait.ge [sflag:s16], $0x1000  }
0x150: {  	s0 =	sld [smem:$0x7F9]  }
0x151: {  	[sflag:s16] =	ssyncset.done $0x0  }
0x152: {  	s1 =	sld [smem:$0x7FA];
	[sflag:s16] =	ssyncadd.s32 $0xFFFFF000  }
0x153: {  	[tilespmem:s6], [sflag:$0x2] =	stream.linear.gather [hbm4b:s0+s2], $0x1000, $0x38;
	[tilespmem:$0x15BA8] =	vst v63  }
0x154: {  	_ = 	snop  }
0x155: {  	[hbm4b:s1+s2] =	stream.linear.scatter [tilespmem:s14], [sflag:$0x6], $0x1000, $0x38;
	[tilespmem:$0x15BA8] =	vst v63  }
0x156: {  	_ =	swait.ge [sflag:s8], $0x1000  }
0x157: {  	[sflag:s8] =	ssyncset.done $0x0  }
0x158: {  	[sflag:s8] =	ssyncadd.s32 $0xFFFFF000  }
0x159: {  	_ =	swait.ge [sflag:s10], $0x1000  }
0x15a: {  	[sflag:s10] =	ssyncset.done $0x0  }
0x15b: {  	[sflag:s10] =	ssyncadd.s32 $0xFFFFF000  }
0x15c: {  	[tilespmem:s5], [sflag:$0x3] =	stream.indirect.gather [spmem:s3], $0x1, s2, s6, $0xb8;
	[tilespmem:$0x15BA8] =	vst v63  }
0x15d: {  	_ =	swait.ge [sflag:s7], $0x1000  }
0x15e: {  	s0 =	sld [smem:$0x7FB]  }
0x15f: {  	[sflag:s7] =	ssyncset.done $0x0  }
0x160: {  	s1 =	sld [smem:$0x7FC];
	[sflag:s7] =	ssyncadd.s32 $0xFFFFF000  }
0x161: {  	[tilespmem:s2], [sflag:$0x1] =	stream.linear.gather [hbm4b:s0+s2], $0x1000, $0x38;
	[tilespmem:$0x15BA8] =	vst v63  }
0x162: {  	_ = 	snop  }
0x163: {  	[hbm4b:s1+s2] =	stream.linear.scatter [tilespmem:s5], [sflag:$0x5], $0x1000, $0x38;
	[tilespmem:$0x15BA8] =	vst v63  }
0x164: {  	_ =	swait.ge [sflag:s11], $0x1000  }
0x165: {  	[sflag:s11] =	ssyncset.done $0x0  }
0x166: {  	[sflag:s11] =	ssyncadd.s32 $0xFFFFF000  }
0x167: {  	_ =	swait.ge [sflag:s15], $0x1000  }
0x168: {  	[sflag:s15] =	ssyncset.done $0x0  }
0x169: {  	[sflag:s15] =	ssyncadd.s32 $0xFFFFF000  }
0x16a: {  	[tilespmem:s14], [sflag:$0x4] =	stream.indirect.gather [spmem:s3], $0x1, s6, s6, $0xb8;
	[tilespmem:$0x15BA8] =	vst v63  }
0x16b: {  	_ =	swait.ge [sflag:s16], $0x1000  }
0x16c: {  	s1 =	sld [smem:$0x7FD]  }
0x16d: {  	[sflag:s16] =	ssyncset.done $0x0  }
0x16e: {  	[sflag:s16] =	ssyncadd.s32 $0xFFFFF000  }
0x16f: {  	[tilespmem:s6], [sflag:$0x2] =	stream.linear.gather [hbm4b:s1+s2], $0x1000, $0x38;
	[tilespmem:$0x15BA8] =	vst v63  }
0x170: {  	_ = 	snop  }
0x171: {  	[hbm4b:s25+s2] =	stream.linear.scatter [tilespmem:s14], [sflag:$0x6], $0x1000, $0x38;
	[tilespmem:$0x15BA8] =	vst v63  }
0x172: {  	_ =	swait.ge [sflag:s8], $0x1000  }
0x173: {  	[sflag:s8] =	ssyncset.done $0x0  }
0x174: {  	[sflag:s8] =	ssyncadd.s32 $0xFFFFF000  }
0x175: {  	_ =	swait.ge [sflag:s10], $0x1000  }
0x176: {  	[sflag:s10] =	ssyncset.done $0x0  }
0x177: {  	[sflag:s10] =	ssyncadd.s32 $0xFFFFF000  }
0x178: {  	[tilespmem:s5], [sflag:$0x3] =	stream.indirect.gather [spmem:s3], $0x1, s2, s6, $0xb8;
	[tilespmem:$0x15BA8] =	vst v63  }
0x179: {  	_ =	swait.ge [sflag:s7], $0x1000  }
0x17a: {  	[sflag:s7] =	ssyncset.done $0x0  }
0x17b: {  	[sflag:s7] =	ssyncadd.s32 $0xFFFFF000  }
0x17c: {  	[tilespmem:s2], [sflag:$0x1] =	stream.linear.gather [hbm4b:s23+s2], $0x1000, $0x38;
	[tilespmem:$0x15BA8] =	vst v63  }
0x17d: {  	_ = 	snop  }
0x17e: {  	[hbm4b:s24+s2] =	stream.linear.scatter [tilespmem:s5], [sflag:$0x5], $0x1000, $0x38;
	[tilespmem:$0x15BA8] =	vst v63  }
0x17f: {  	_ =	swait.ge [sflag:s11], $0x1000  }
0x180: {  	[sflag:s11] =	ssyncset.done $0x0  }
0x181: {  	[sflag:s11] =	ssyncadd.s32 $0xFFFFF000  }
0x182: {  	_ =	swait.ge [sflag:s15], $0x1000  }
0x183: {  	[sflag:s15] =	ssyncset.done $0x0  }
0x184: {  	[sflag:s15] =	ssyncadd.s32 $0xFFFFF000  }
0x185: {  	[tilespmem:s14], [sflag:$0x4] =	stream.indirect.gather [spmem:s3], $0x1, s6, s6, $0xb8;
	[tilespmem:$0x15BA8] =	vst v63  }
0x186: {  	_ =	swait.ge [sflag:s16], $0x1000  }
0x187: {  	[sflag:s16] =	ssyncset.done $0x0  }
0x188: {  	[sflag:s16] =	ssyncadd.s32 $0xFFFFF000  }
0x189: {  	[tilespmem:s6], [sflag:$0x2] =	stream.linear.gather [hbm4b:s21+s2], $0x1000, $0x38;
	[tilespmem:$0x15BA8] =	vst v63  }
0x18a: {  	_ = 	snop  }
0x18b: {  	[hbm4b:s22+s2] =	stream.linear.scatter [tilespmem:s14], [sflag:$0x6], $0x1000, $0x38;
	[tilespmem:$0x15BA8] =	vst v63  }
0x18c: {  	_ =	swait.ge [sflag:s8], $0x1000  }
0x18d: {  	[sflag:s8] =	ssyncset.done $0x0  }
0x18e: {  	[sflag:s8] =	ssyncadd.s32 $0xFFFFF000  }
0x18f: {  	_ =	swait.ge [sflag:s10], $0x1000  }
0x190: {  	[sflag:s10] =	ssyncset.done $0x0  }
0x191: {  	[sflag:s10] =	ssyncadd.s32 $0xFFFFF000  }
0x192: {  	[tilespmem:s5], [sflag:$0x3] =	stream.indirect.gather [spmem:s3], $0x1, s2, s6, $0xb8;
	[tilespmem:$0x15BA8] =	vst v63  }
0x193: {  	_ =	swait.ge [sflag:s7], $0x1000  }
0x194: {  	[sflag:s7] =	ssyncset.done $0x0  }
0x195: {  	[sflag:s7] =	ssyncadd.s32 $0xFFFFF000  }
0x196: {  	[tilespmem:s2], [sflag:$0x1] =	stream.linear.gather [hbm4b:s19+s2], $0x1000, $0x38;
	[tilespmem:$0x15BA8] =	vst v63  }
0x197: {  	_ = 	snop  }
0x198: {  	[hbm4b:s20+s2] =	stream.linear.scatter [tilespmem:s5], [sflag:$0x5], $0x1000, $0x38;
	[tilespmem:$0x15BA8] =	vst v63  }
0x199: {  	_ =	swait.ge [sflag:s11], $0x1000  }
0x19a: {  	[sflag:s11] =	ssyncset.done $0x0  }
0x19b: {  	[sflag:s11] =	ssyncadd.s32 $0xFFFFF000  }
0x19c: {  	_ =	swait.ge [sflag:s15], $0x1000  }
0x19d: {  	[sflag:s15] =	ssyncset.done $0x0  }
0x19e: {  	[sflag:s15] =	ssyncadd.s32 $0xFFFFF000  }
0x19f: {  	[tilespmem:s14], [sflag:$0x4] =	stream.indirect.gather [spmem:s3], $0x1, s6, s6, $0xb8;
	[tilespmem:$0x15BA8] =	vst v63  }
0x1a0: {  	_ =	swait.ge [sflag:s16], $0x1000  }
0x1a1: {  	[sflag:s16] =	ssyncset.done $0x0  }
0x1a2: {  	[sflag:s16] =	ssyncadd.s32 $0xFFFFF000  }
0x1a3: {  	[tilespmem:s6], [sflag:$0x2] =	stream.linear.gather [hbm4b:s17+s2], $0x1000, $0x38;
	[tilespmem:$0x15BA8] =	vst v63  }
0x1a4: {  	_ = 	snop  }
0x1a5: {  	[hbm4b:s18+s2] =	stream.linear.scatter [tilespmem:s14], [sflag:$0x6], $0x1000, $0x38;
	[tilespmem:$0x15BA8] =	vst v63  }
0x1a6: {  	_ =	swait.ge [sflag:s8], $0x1000  }
0x1a7: {  	[sflag:s8] =	ssyncset.done $0x0  }
0x1a8: {  	[sflag:s8] =	ssyncadd.s32 $0xFFFFF000  }
0x1a9: {  	_ =	swait.ge [sflag:s10], $0x1000  }
0x1aa: {  	[sflag:s10] =	ssyncset.done $0x0  }
0x1ab: {  	[sflag:s10] =	ssyncadd.s32 $0xFFFFF000  }
0x1ac: {  	[tilespmem:s5], [sflag:$0x3] =	stream.indirect.gather [spmem:s3], $0x1, s2, s6, $0xb8;
	[tilespmem:$0x15BA8] =	vst v63  }
0x1ad: {  	_ =	swait.ge [sflag:s7], $0x1000  }
0x1ae: {  	[sflag:s7] =	ssyncset.done $0x0  }
0x1af: {  	[sflag:s7] =	ssyncadd.s32 $0xFFFFF000  }
0x1b0: {  	[tilespmem:s2], [sflag:$0x1] =	stream.linear.gather [hbm4b:s12+s2], $0x1000, $0x38;
	[tilespmem:$0x15BA8] =	vst v63  }
0x1b1: {  	_ = 	snop  }
0x1b2: {  	[hbm4b:s13+s2] =	stream.linear.scatter [tilespmem:s5], [sflag:$0x5], $0x1000, $0x38;
	[tilespmem:$0x15BA8] =	vst v63  }
0x1b3: {  	_ =	swait.ge [sflag:s11], $0x1000  }
0x1b4: {  	[sflag:s11] =	ssyncset.done $0x0  }
0x1b5: {  	[sflag:s11] =	ssyncadd.s32 $0xFFFFF000  }
0x1b6: {  	_ =	swait.ge [sflag:s15], $0x1000  }
0x1b7: {  	[sflag:s15] =	ssyncset.done $0x0  }
0x1b8: {  	[sflag:s15] =	ssyncadd.s32 $0xFFFFF000  }
0x1b9: {  	[tilespmem:s14], [sflag:$0x4] =	stream.indirect.gather [spmem:s3], $0x1, s6, s6, $0xb8;
	[tilespmem:$0x15BA8] =	vst v63  }
0x1ba: {  	_ =	swait.ge [sflag:s16], $0x1000  }
0x1bb: {  	[sflag:s16] =	ssyncset.done $0x0  }
0x1bc: {  	[sflag:s16] =	ssyncadd.s32 $0xFFFFF000  }
0x1bd: {  	[hbm4b:s9+s2] =	stream.linear.scatter [tilespmem:s14], [sflag:$0x6], $0x1000, $0x38;
	[tilespmem:$0x15BA8] =	vst v63  }
0x1be: {  	_ =	swait.ge [sflag:s8], $0x1000  }
0x1bf: {  	[sflag:s8] =	ssyncset.done $0x0  }
0x1c0: {  	[sflag:s8] =	ssyncadd.s32 $0xFFFFF000  }
0x1c1: {  	_ =	swait.ge [sflag:s10], $0x1000  }
0x1c2: {  	[sflag:s10] =	ssyncset.done $0x0  }
0x1c3: {  	[sflag:s10] =	ssyncadd.s32 $0xFFFFF000  }
0x1c4: {  	[tilespmem:s5], [sflag:$0x3] =	stream.indirect.gather [spmem:s3], $0x1, s2, s6, $0xb8;
	[tilespmem:$0x15BA8] =	vst v63  }
0x1c5: {  	_ =	swait.ge [sflag:s7], $0x1000  }
0x1c6: {  	s0 =	sadd.s32 $0xFFFFFFFF, s30;
	[sflag:s7] =	ssyncset.done $0x0  }
0x1c7: {  	p2 =	sne.s32 s0, $0x0;
	[sflag:s7] =	ssyncadd.s32 $0xFFFFF000  }
0x1c8: {  	[hbm4b:s4+s2] =	stream.linear.scatter [tilespmem:s5], [sflag:$0x5], $0x1000, $0x38;
	[tilespmem:$0x15BA8] =	vst v63  }
.Ltmp1:
0x1c9: {  	_ =	swait.ge [sflag:s11], $0x1000;
	(pc) =	sbr.rel @!p2 .LBB2_2-.Ltmp1, $4  }
0x1ca: {  	[sflag:s11] =	ssyncset.done $0x0  }
0x1cb: {  	[sflag:s11] =	ssyncadd.s32 $0xFFFFF000  }
0x1cc: {  	_ =	swait.ge [sflag:s8], $0x1000  }
0x1cd: {  	p1 =	por $0x1, $0x1;
	s1 =	rddreg [dreg:$0x5];
	[sflag:s8] =	ssyncset.done $0x0  }
.LBB2_3:
0x1ce: {  	[sflag:s8] =	ssyncadd.s32 $0xFFFFF000  }
0x1cf: {  	[tilespmem:s28], [sflag:$0x7] =	stream.linear.gather [hbm4b:s1+s2], $0x2710, $0x38;
	[tilespmem:$0x15BA8] =	vst v63  }
0x1d0: {  	_ =	swait.ge [sflag:s26], $0x2710  }
0x1d1: {  	[sflag:s26] =	ssyncset.done $0x0  }
0x1d2: {  	s30 =	rddreg [dreg:$0x6];
	[sflag:s26] =	ssyncadd.s32 $0xFFFFD8F0  }
0x1d3: {  	[spmem:s30] =	stream.linear.scatter [tilespmem:s28], [sflag:$0x7], $0x2710, $0x38;
	[tilespmem:$0x15BA8] =	vst v63  }
0x1d4: {  	_ =	swait.ge [sflag:s26], $0x2710  }
0x1d5: {  	[sflag:s26] =	ssyncset.done $0x0  }
0x1d6: {  	s30 =	rddreg [dreg:$0x7];
	[sflag:s26] =	ssyncadd.s32 $0xFFFFD8F0  }
0x1d7: {  	[tilespmem:s28], [sflag:$0x7] =	stream.linear.gather [hbm4b:s30+s2], $0x2710, $0x38;
	[tilespmem:$0x15BA8] =	vst v63  }
0x1d8: {  	_ =	swait.ge [sflag:s26], $0x2710  }
0x1d9: {  	[sflag:s26] =	ssyncset.done $0x0  }
0x1da: {  	s30 =	rddreg [dreg:$0x8];
	[sflag:s26] =	ssyncadd.s32 $0xFFFFD8F0  }
0x1db: {  	[spmem:s30] =	stream.linear.scatter [tilespmem:s28], [sflag:$0x7], $0x2710, $0x38;
	[tilespmem:$0x15BA8] =	vst v63  }
0x1dc: {  	_ =	swait.ge [sflag:s26], $0x2710  }
0x1dd: {  	[sflag:s26] =	ssyncset.done $0x0  }
0x1de: {  	s30 =	rddreg [dreg:$0x9];
	[sflag:s26] =	ssyncadd.s32 $0xFFFFD8F0  }
0x1df: {  	[tilespmem:s28], [sflag:$0x7] =	stream.linear.gather [hbm4b:s30+s2], $0x2710, $0x38;
	[tilespmem:$0x15BA8] =	vst v63  }
0x1e0: {  	_ =	swait.ge [sflag:s26], $0x2710  }
0x1e1: {  	[sflag:s26] =	ssyncset.done $0x0  }
0x1e2: {  	s30 =	rddreg [dreg:$0xa];
	[sflag:s26] =	ssyncadd.s32 $0xFFFFD8F0  }
0x1e3: {  	[spmem:s30] =	stream.linear.scatter [tilespmem:s28], [sflag:$0x7], $0x2710, $0x38;
	[tilespmem:$0x15BA8] =	vst v63  }
0x1e4: {  	_ =	swait.ge [sflag:s26], $0x2710  }
0x1e5: {  	[sflag:s26] =	ssyncset.done $0x0  }
0x1e6: {  	s30 =	rddreg [dreg:$0xb];
	[sflag:s26] =	ssyncadd.s32 $0xFFFFD8F0  }
0x1e7: {  	[tilespmem:s28], [sflag:$0x7] =	stream.linear.gather [hbm4b:s30+s2], $0x2710, $0x38;
	[tilespmem:$0x15BA8] =	vst v63  }
0x1e8: {  	_ =	swait.ge [sflag:s26], $0x2710  }
0x1e9: {  	[sflag:s26] =	ssyncset.done $0x0  }
0x1ea: {  	s30 =	rddreg [dreg:$0xc];
	[sflag:s26] =	ssyncadd.s32 $0xFFFFD8F0  }
0x1eb: {  	[spmem:s30] =	stream.linear.scatter [tilespmem:s28], [sflag:$0x7], $0x2710, $0x38;
	[tilespmem:$0x15BA8] =	vst v63  }
0x1ec: {  	_ =	swait.ge [sflag:s26], $0x2710  }
0x1ed: {  	[sflag:s26] =	ssyncset.done $0x0  }
0x1ee: {  	s30 =	rddreg [dreg:$0xd];
	[sflag:s26] =	ssyncadd.s32 $0xFFFFD8F0  }
0x1ef: {  	[tilespmem:s28], [sflag:$0x7] =	stream.linear.gather [hbm4b:s30+s2], $0x2710, $0x38;
	[tilespmem:$0x15BA8] =	vst v63  }
0x1f0: {  	_ =	swait.ge [sflag:s26], $0x2710  }
0x1f1: {  	[sflag:s26] =	ssyncset.done $0x0  }
0x1f2: {  	s30 =	rddreg [dreg:$0xe];
	[sflag:s26] =	ssyncadd.s32 $0xFFFFD8F0  }
0x1f3: {  	[spmem:s30] =	stream.linear.scatter [tilespmem:s28], [sflag:$0x7], $0x2710, $0x38;
	[tilespmem:$0x15BA8] =	vst v63  }
0x1f4: {  	_ =	swait.ge [sflag:s26], $0x2710  }
0x1f5: {  	[sflag:s26] =	ssyncset.done $0x0  }
0x1f6: {  	s30 =	rddreg [dreg:$0xf];
	[sflag:s26] =	ssyncadd.s32 $0xFFFFD8F0  }
0x1f7: {  	[tilespmem:s28], [sflag:$0x7] =	stream.linear.gather [hbm4b:s30+s2], $0x2710, $0x38;
	[tilespmem:$0x15BA8] =	vst v63  }
0x1f8: {  	_ =	swait.ge [sflag:s26], $0x2710  }
0x1f9: {  	[sflag:s26] =	ssyncset.done $0x0  }
0x1fa: {  	s30 =	rddreg [dreg:$0x10];
	[sflag:s26] =	ssyncadd.s32 $0xFFFFD8F0  }
0x1fb: {  	[spmem:s30] =	stream.linear.scatter [tilespmem:s28], [sflag:$0x7], $0x2710, $0x38;
	[tilespmem:$0x15BA8] =	vst v63  }
0x1fc: {  	_ =	swait.ge [sflag:s26], $0x2710  }
0x1fd: {  	[sflag:s26] =	ssyncset.done $0x0  }
0x1fe: {  	s30 =	simm.s32 @!p0 $0x0;
	s1 =	rddreg [dreg:$0x11];
	[sflag:s26] =	ssyncadd.s32 $0xFFFFD8F0  }
0x1ff: {  	[tilespmem:s31], [sflag:$0x7] =	stream.linear.gather @!p0 [hbm4b:s1+s30], $0x2710, $0x38;
	[tilespmem:$0x15BA8] =	vst v63  }
0x200: {  	_ =	swait.ge @!p0 [sflag:s29], $0x2710  }
0x201: {  	[sflag:s29] =	ssyncset.done @!p0 $0x0  }
0x202: {  	s1 =	rddreg [dreg:$0x12];
	[sflag:s29] =	ssyncadd.s32 @!p0 $0xFFFFD8F0  }
0x203: {  	[spmem:s1] =	stream.linear.scatter @!p0 [tilespmem:s31], [sflag:$0x7], $0x2710, $0x38;
	[tilespmem:$0x15BA8] =	vst v63  }
0x204: {  	_ =	swait.ge @!p0 [sflag:s29], $0x2710  }
0x205: {  	[sflag:s29] =	ssyncset.done @!p0 $0x0  }
0x206: {  	[sflag:s29] =	ssyncadd.s32 @!p0 $0xFFFFD8F0  }
0x207: {  	[bflag:$0x0] =	sbarrier.arrive $0xFFFF  }
0x208: {  	s1 =	rddreg [dreg:$0x13]  }
0x209: {  	[tilespmem:s2], [sflag:$0x1] =	stream.linear.gather [hbm4b:s1+s2], $0x1000, $0x38;
	[tilespmem:$0x15BA8] =	vst v63  }
0x20a: {  	s30 =	rddreg [dreg:$0x14]  }
0x20b: {  	[tilespmem:s6], [sflag:$0x2] =	stream.linear.gather [hbm4b:s30+s2], $0x1000, $0x38;
	[tilespmem:$0x15BA8] =	vst v63  }
0x20c: {  	_ =	swait.ge [sflag:s10], $0x1000  }
0x20d: {  	[sflag:s10] =	ssyncset.done $0x0  }
0x20e: {  	[sflag:s10] =	ssyncadd.s32 $0xFFFFF000  }
0x20f: {  	[tilespmem:s5], [sflag:$0x3] =	stream.indirect.gather [spmem:s3], $0x1, s2, s6, $0xb8;
	[tilespmem:$0x15BA8] =	vst v63  }
0x210: {  	_ =	swait.ge [sflag:s7], $0x1000  }
0x211: {  	[sflag:s7] =	ssyncset.done $0x0  }
0x212: {  	s1 =	rddreg [dreg:$0x15];
	[sflag:s7] =	ssyncadd.s32 $0xFFFFF000  }
0x213: {  	[tilespmem:s2], [sflag:$0x1] =	stream.linear.gather [hbm4b:s1+s2], $0x1000, $0x38;
	[tilespmem:$0x15BA8] =	vst v63  }
0x214: {  	s30 =	rddreg [dreg:$0x16]  }
0x215: {  	[hbm4b:s30+s2] =	stream.linear.scatter [tilespmem:s5], [sflag:$0x5], $0x1000, $0x38;
	[tilespmem:$0x15BA8] =	vst v63  }
0x216: {  	_ =	swait.ge [sflag:s15], $0x1000  }
0x217: {  	[sflag:s15] =	ssyncset.done $0x0  }
0x218: {  	[sflag:s15] =	ssyncadd.s32 $0xFFFFF000  }
0x219: {  	[tilespmem:s14], [sflag:$0x4] =	stream.indirect.gather [spmem:s3], $0x1, s6, s6, $0xb8;
	[tilespmem:$0x15BA8] =	vst v63  }
0x21a: {  	_ =	swait.ge [sflag:s16], $0x1000  }
0x21b: {  	[sflag:s16] =	ssyncset.done $0x0  }
0x21c: {  	s1 =	rddreg [dreg:$0x17];
	[sflag:s16] =	ssyncadd.s32 $0xFFFFF000  }
0x21d: {  	[tilespmem:s6], [sflag:$0x2] =	stream.linear.gather [hbm4b:s1+s2], $0x1000, $0x38;
	[tilespmem:$0x15BA8] =	vst v63  }
0x21e: {  	s30 =	rddreg [dreg:$0x18]  }
0x21f: {  	[hbm4b:s30+s2] =	stream.linear.scatter [tilespmem:s14], [sflag:$0x6], $0x1000, $0x38;
	[tilespmem:$0x15BA8] =	vst v63  }
0x220: {  	_ =	swait.ge [sflag:s8], $0x1000  }
0x221: {  	[sflag:s8] =	ssyncset.done $0x0  }
0x222: {  	[sflag:s8] =	ssyncadd.s32 $0xFFFFF000  }
0x223: {  	_ =	swait.ge [sflag:s10], $0x1000  }
0x224: {  	[sflag:s10] =	ssyncset.done $0x0  }
0x225: {  	[sflag:s10] =	ssyncadd.s32 $0xFFFFF000  }
0x226: {  	[tilespmem:s5], [sflag:$0x3] =	stream.indirect.gather [spmem:s3], $0x1, s2, s6, $0xb8;
	[tilespmem:$0x15BA8] =	vst v63  }
0x227: {  	_ =	swait.ge [sflag:s7], $0x1000  }
0x228: {  	[sflag:s7] =	ssyncset.done $0x0  }
0x229: {  	s1 =	rddreg [dreg:$0x19];
	[sflag:s7] =	ssyncadd.s32 $0xFFFFF000  }
0x22a: {  	[tilespmem:s2], [sflag:$0x1] =	stream.linear.gather [hbm4b:s1+s2], $0x1000, $0x38;
	[tilespmem:$0x15BA8] =	vst v63  }
0x22b: {  	s30 =	rddreg [dreg:$0x1a]  }
0x22c: {  	[hbm4b:s30+s2] =	stream.linear.scatter [tilespmem:s5], [sflag:$0x5], $0x1000, $0x38;
	[tilespmem:$0x15BA8] =	vst v63  }
0x22d: {  	_ =	swait.ge [sflag:s11], $0x1000  }
0x22e: {  	[sflag:s11] =	ssyncset.done $0x0  }
0x22f: {  	[sflag:s11] =	ssyncadd.s32 $0xFFFFF000  }
0x230: {  	_ =	swait.ge [sflag:s15], $0x1000  }
0x231: {  	[sflag:s15] =	ssyncset.done $0x0  }
0x232: {  	[sflag:s15] =	ssyncadd.s32 $0xFFFFF000  }
0x233: {  	[tilespmem:s14], [sflag:$0x4] =	stream.indirect.gather [spmem:s3], $0x1, s6, s6, $0xb8;
	[tilespmem:$0x15BA8] =	vst v63  }
0x234: {  	_ =	swait.ge [sflag:s16], $0x1000  }
0x235: {  	[sflag:s16] =	ssyncset.done $0x0  }
0x236: {  	s1 =	rddreg [dreg:$0x1b];
	[sflag:s16] =	ssyncadd.s32 $0xFFFFF000  }
0x237: {  	[tilespmem:s6], [sflag:$0x2] =	stream.linear.gather [hbm4b:s1+s2], $0x1000, $0x38;
	[tilespmem:$0x15BA8] =	vst v63  }
0x238: {  	s30 =	rddreg [dreg:$0x1c]  }
0x239: {  	[hbm4b:s30+s2] =	stream.linear.scatter [tilespmem:s14], [sflag:$0x6], $0x1000, $0x38;
	[tilespmem:$0x15BA8] =	vst v63  }
0x23a: {  	_ =	swait.ge [sflag:s8], $0x1000  }
0x23b: {  	[sflag:s8] =	ssyncset.done $0x0  }
0x23c: {  	[sflag:s8] =	ssyncadd.s32 $0xFFFFF000  }
0x23d: {  	_ =	swait.ge [sflag:s10], $0x1000  }
0x23e: {  	[sflag:s10] =	ssyncset.done $0x0  }
0x23f: {  	[sflag:s10] =	ssyncadd.s32 $0xFFFFF000  }
0x240: {  	[tilespmem:s5], [sflag:$0x3] =	stream.indirect.gather [spmem:s3], $0x1, s2, s6, $0xb8;
	[tilespmem:$0x15BA8] =	vst v63  }
0x241: {  	_ =	swait.ge [sflag:s7], $0x1000  }
0x242: {  	[sflag:s7] =	ssyncset.done $0x0  }
0x243: {  	s1 =	rddreg [dreg:$0x1d];
	[sflag:s7] =	ssyncadd.s32 $0xFFFFF000  }
0x244: {  	[tilespmem:s2], [sflag:$0x1] =	stream.linear.gather [hbm4b:s1+s2], $0x1000, $0x38;
	[tilespmem:$0x15BA8] =	vst v63  }
0x245: {  	s30 =	rddreg [dreg:$0x1e]  }
0x246: {  	[hbm4b:s30+s2] =	stream.linear.scatter [tilespmem:s5], [sflag:$0x5], $0x1000, $0x38;
	[tilespmem:$0x15BA8] =	vst v63  }
0x247: {  	_ =	swait.ge [sflag:s11], $0x1000  }
0x248: {  	[sflag:s11] =	ssyncset.done $0x0  }
0x249: {  	[sflag:s11] =	ssyncadd.s32 $0xFFFFF000  }
0x24a: {  	_ =	swait.ge [sflag:s15], $0x1000  }
0x24b: {  	[sflag:s15] =	ssyncset.done $0x0  }
0x24c: {  	[sflag:s15] =	ssyncadd.s32 $0xFFFFF000  }
0x24d: {  	[tilespmem:s14], [sflag:$0x4] =	stream.indirect.gather [spmem:s3], $0x1, s6, s6, $0xb8;
	[tilespmem:$0x15BA8] =	vst v63  }
0x24e: {  	_ =	swait.ge [sflag:s16], $0x1000  }
0x24f: {  	s1 =	rddreg [dreg:$0x1f];
	[sflag:s16] =	ssyncset.done $0x0  }
0x250: {  	s30 =	sld [smem:$0x7E6];
	[sflag:s16] =	ssyncadd.s32 $0xFFFFF000  }
0x251: {  	[tilespmem:s6], [sflag:$0x2] =	stream.linear.gather [hbm4b:s1+s2], $0x1000, $0x38;
	[tilespmem:$0x15BA8] =	vst v63  }
0x252: {  	_ = 	snop  }
0x253: {  	[hbm4b:s30+s2] =	stream.linear.scatter [tilespmem:s14], [sflag:$0x6], $0x1000, $0x38;
	[tilespmem:$0x15BA8] =	vst v63  }
0x254: {  	_ =	swait.ge [sflag:s8], $0x1000  }
0x255: {  	[sflag:s8] =	ssyncset.done $0x0  }
0x256: {  	[sflag:s8] =	ssyncadd.s32 $0xFFFFF000  }
0x257: {  	_ =	swait.ge [sflag:s10], $0x1000  }
0x258: {  	[sflag:s10] =	ssyncset.done $0x0  }
0x259: {  	[sflag:s10] =	ssyncadd.s32 $0xFFFFF000  }
0x25a: {  	[tilespmem:s5], [sflag:$0x3] =	stream.indirect.gather [spmem:s3], $0x1, s2, s6, $0xb8;
	[tilespmem:$0x15BA8] =	vst v63  }
0x25b: {  	_ =	swait.ge [sflag:s7], $0x1000  }
0x25c: {  	s1 =	sld [smem:$0x7E7]  }
0x25d: {  	[sflag:s7] =	ssyncset.done $0x0  }
0x25e: {  	s30 =	sld [smem:$0x7E8];
	[sflag:s7] =	ssyncadd.s32 $0xFFFFF000  }
0x25f: {  	[tilespmem:s2], [sflag:$0x1] =	stream.linear.gather [hbm4b:s1+s2], $0x1000, $0x38;
	[tilespmem:$0x15BA8] =	vst v63  }
0x260: {  	_ = 	snop  }
0x261: {  	[hbm4b:s30+s2] =	stream.linear.scatter [tilespmem:s5], [sflag:$0x5], $0x1000, $0x38;
	[tilespmem:$0x15BA8] =	vst v63  }
0x262: {  	_ =	swait.ge [sflag:s11], $0x1000  }
0x263: {  	[sflag:s11] =	ssyncset.done $0x0  }
0x264: {  	[sflag:s11] =	ssyncadd.s32 $0xFFFFF000  }
0x265: {  	_ =	swait.ge [sflag:s15], $0x1000  }
0x266: {  	[sflag:s15] =	ssyncset.done $0x0  }
0x267: {  	[sflag:s15] =	ssyncadd.s32 $0xFFFFF000  }
0x268: {  	[tilespmem:s14], [sflag:$0x4] =	stream.indirect.gather [spmem:s3], $0x1, s6, s6, $0xb8;
	[tilespmem:$0x15BA8] =	vst v63  }
0x269: {  	_ =	swait.ge [sflag:s16], $0x1000  }
0x26a: {  	s1 =	sld [smem:$0x7E9]  }
0x26b: {  	[sflag:s16] =	ssyncset.done $0x0  }
0x26c: {  	s30 =	sld [smem:$0x7EA];
	[sflag:s16] =	ssyncadd.s32 $0xFFFFF000  }
0x26d: {  	[tilespmem:s6], [sflag:$0x2] =	stream.linear.gather [hbm4b:s1+s2], $0x1000, $0x38;
	[tilespmem:$0x15BA8] =	vst v63  }
0x26e: {  	_ = 	snop  }
0x26f: {  	[hbm4b:s30+s2] =	stream.linear.scatter [tilespmem:s14], [sflag:$0x6], $0x1000, $0x38;
	[tilespmem:$0x15BA8] =	vst v63  }
0x270: {  	_ =	swait.ge [sflag:s8], $0x1000  }
0x271: {  	[sflag:s8] =	ssyncset.done $0x0  }
0x272: {  	[sflag:s8] =	ssyncadd.s32 $0xFFFFF000  }
0x273: {  	_ =	swait.ge [sflag:s10], $0x1000  }
0x274: {  	[sflag:s10] =	ssyncset.done $0x0  }
0x275: {  	[sflag:s10] =	ssyncadd.s32 $0xFFFFF000  }
0x276: {  	[tilespmem:s5], [sflag:$0x3] =	stream.indirect.gather [spmem:s3], $0x1, s2, s6, $0xb8;
	[tilespmem:$0x15BA8] =	vst v63  }
0x277: {  	_ =	swait.ge [sflag:s7], $0x1000  }
0x278: {  	s1 =	sld [smem:$0x7EB]  }
0x279: {  	[sflag:s7] =	ssyncset.done $0x0  }
0x27a: {  	s30 =	sld [smem:$0x7EC];
	[sflag:s7] =	ssyncadd.s32 $0xFFFFF000  }
0x27b: {  	[tilespmem:s2], [sflag:$0x1] =	stream.linear.gather [hbm4b:s1+s2], $0x1000, $0x38;
	[tilespmem:$0x15BA8] =	vst v63  }
0x27c: {  	_ = 	snop  }
0x27d: {  	[hbm4b:s30+s2] =	stream.linear.scatter [tilespmem:s5], [sflag:$0x5], $0x1000, $0x38;
	[tilespmem:$0x15BA8] =	vst v63  }
0x27e: {  	_ =	swait.ge [sflag:s11], $0x1000  }
0x27f: {  	[sflag:s11] =	ssyncset.done $0x0  }
0x280: {  	[sflag:s11] =	ssyncadd.s32 $0xFFFFF000  }
0x281: {  	_ =	swait.ge [sflag:s15], $0x1000  }
0x282: {  	[sflag:s15] =	ssyncset.done $0x0  }
0x283: {  	[sflag:s15] =	ssyncadd.s32 $0xFFFFF000  }
0x284: {  	[tilespmem:s14], [sflag:$0x4] =	stream.indirect.gather [spmem:s3], $0x1, s6, s6, $0xb8;
	[tilespmem:$0x15BA8] =	vst v63  }
0x285: {  	_ =	swait.ge [sflag:s16], $0x1000  }
0x286: {  	s1 =	sld [smem:$0x7ED]  }
0x287: {  	[sflag:s16] =	ssyncset.done $0x0  }
0x288: {  	s30 =	sld [smem:$0x7EE];
	[sflag:s16] =	ssyncadd.s32 $0xFFFFF000  }
0x289: {  	[tilespmem:s6], [sflag:$0x2] =	stream.linear.gather [hbm4b:s1+s2], $0x1000, $0x38;
	[tilespmem:$0x15BA8] =	vst v63  }
0x28a: {  	_ = 	snop  }
0x28b: {  	[hbm4b:s30+s2] =	stream.linear.scatter [tilespmem:s14], [sflag:$0x6], $0x1000, $0x38;
	[tilespmem:$0x15BA8] =	vst v63  }
0x28c: {  	_ =	swait.ge [sflag:s8], $0x1000  }
0x28d: {  	[sflag:s8] =	ssyncset.done $0x0  }
0x28e: {  	[sflag:s8] =	ssyncadd.s32 $0xFFFFF000  }
0x28f: {  	_ =	swait.ge [sflag:s10], $0x1000  }
0x290: {  	[sflag:s10] =	ssyncset.done $0x0  }
0x291: {  	[sflag:s10] =	ssyncadd.s32 $0xFFFFF000  }
0x292: {  	[tilespmem:s5], [sflag:$0x3] =	stream.indirect.gather [spmem:s3], $0x1, s2, s6, $0xb8;
	[tilespmem:$0x15BA8] =	vst v63  }
0x293: {  	_ =	swait.ge [sflag:s7], $0x1000  }
0x294: {  	s1 =	sld [smem:$0x7EF]  }
0x295: {  	[sflag:s7] =	ssyncset.done $0x0  }
0x296: {  	s30 =	sld [smem:$0x7F0];
	[sflag:s7] =	ssyncadd.s32 $0xFFFFF000  }
0x297: {  	[tilespmem:s2], [sflag:$0x1] =	stream.linear.gather [hbm4b:s1+s2], $0x1000, $0x38;
	[tilespmem:$0x15BA8] =	vst v63  }
0x298: {  	_ = 	snop  }
0x299: {  	[hbm4b:s30+s2] =	stream.linear.scatter [tilespmem:s5], [sflag:$0x5], $0x1000, $0x38;
	[tilespmem:$0x15BA8] =	vst v63  }
0x29a: {  	_ =	swait.ge [sflag:s11], $0x1000  }
0x29b: {  	[sflag:s11] =	ssyncset.done $0x0  }
0x29c: {  	[sflag:s11] =	ssyncadd.s32 $0xFFFFF000  }
0x29d: {  	_ =	swait.ge [sflag:s15], $0x1000  }
0x29e: {  	[sflag:s15] =	ssyncset.done $0x0  }
0x29f: {  	[sflag:s15] =	ssyncadd.s32 $0xFFFFF000  }
0x2a0: {  	[tilespmem:s14], [sflag:$0x4] =	stream.indirect.gather [spmem:s3], $0x1, s6, s6, $0xb8;
	[tilespmem:$0x15BA8] =	vst v63  }
0x2a1: {  	_ =	swait.ge [sflag:s16], $0x1000  }
0x2a2: {  	s1 =	sld [smem:$0x7F1]  }
0x2a3: {  	[sflag:s16] =	ssyncset.done $0x0  }
0x2a4: {  	s30 =	sld [smem:$0x7F2];
	[sflag:s16] =	ssyncadd.s32 $0xFFFFF000  }
0x2a5: {  	[tilespmem:s6], [sflag:$0x2] =	stream.linear.gather [hbm4b:s1+s2], $0x1000, $0x38;
	[tilespmem:$0x15BA8] =	vst v63  }
0x2a6: {  	_ = 	snop  }
0x2a7: {  	[hbm4b:s30+s2] =	stream.linear.scatter [tilespmem:s14], [sflag:$0x6], $0x1000, $0x38;
	[tilespmem:$0x15BA8] =	vst v63  }
0x2a8: {  	_ =	swait.ge [sflag:s8], $0x1000  }
0x2a9: {  	[sflag:s8] =	ssyncset.done $0x0  }
0x2aa: {  	[sflag:s8] =	ssyncadd.s32 $0xFFFFF000  }
0x2ab: {  	_ =	swait.ge [sflag:s10], $0x1000  }
0x2ac: {  	[sflag:s10] =	ssyncset.done $0x0  }
0x2ad: {  	[sflag:s10] =	ssyncadd.s32 $0xFFFFF000  }
0x2ae: {  	[tilespmem:s5], [sflag:$0x3] =	stream.indirect.gather [spmem:s3], $0x1, s2, s6, $0xb8;
	[tilespmem:$0x15BA8] =	vst v63  }
0x2af: {  	_ =	swait.ge [sflag:s7], $0x1000  }
0x2b0: {  	s1 =	sld [smem:$0x7F3]  }
0x2b1: {  	[sflag:s7] =	ssyncset.done $0x0  }
0x2b2: {  	s30 =	sld [smem:$0x7F4];
	[sflag:s7] =	ssyncadd.s32 $0xFFFFF000  }
0x2b3: {  	[tilespmem:s2], [sflag:$0x1] =	stream.linear.gather [hbm4b:s1+s2], $0x1000, $0x38;
	[tilespmem:$0x15BA8] =	vst v63  }
0x2b4: {  	_ = 	snop  }
0x2b5: {  	[hbm4b:s30+s2] =	stream.linear.scatter [tilespmem:s5], [sflag:$0x5], $0x1000, $0x38;
	[tilespmem:$0x15BA8] =	vst v63  }
0x2b6: {  	_ =	swait.ge [sflag:s11], $0x1000  }
0x2b7: {  	[sflag:s11] =	ssyncset.done $0x0  }
0x2b8: {  	[sflag:s11] =	ssyncadd.s32 $0xFFFFF000  }
0x2b9: {  	_ =	swait.ge [sflag:s15], $0x1000  }
0x2ba: {  	[sflag:s15] =	ssyncset.done $0x0  }
0x2bb: {  	[sflag:s15] =	ssyncadd.s32 $0xFFFFF000  }
0x2bc: {  	[tilespmem:s14], [sflag:$0x4] =	stream.indirect.gather [spmem:s3], $0x1, s6, s6, $0xb8;
	[tilespmem:$0x15BA8] =	vst v63  }
0x2bd: {  	_ =	swait.ge [sflag:s16], $0x1000  }
0x2be: {  	s1 =	sld [smem:$0x7F5]  }
0x2bf: {  	[sflag:s16] =	ssyncset.done $0x0  }
0x2c0: {  	s30 =	sld [smem:$0x7F6];
	[sflag:s16] =	ssyncadd.s32 $0xFFFFF000  }
0x2c1: {  	[tilespmem:s6], [sflag:$0x2] =	stream.linear.gather [hbm4b:s1+s2], $0x1000, $0x38;
	[tilespmem:$0x15BA8] =	vst v63  }
0x2c2: {  	_ = 	snop  }
0x2c3: {  	[hbm4b:s30+s2] =	stream.linear.scatter [tilespmem:s14], [sflag:$0x6], $0x1000, $0x38;
	[tilespmem:$0x15BA8] =	vst v63  }
0x2c4: {  	_ =	swait.ge [sflag:s8], $0x1000  }
0x2c5: {  	[sflag:s8] =	ssyncset.done $0x0  }
0x2c6: {  	[sflag:s8] =	ssyncadd.s32 $0xFFFFF000  }
0x2c7: {  	_ =	swait.ge [sflag:s10], $0x1000  }
0x2c8: {  	[sflag:s10] =	ssyncset.done $0x0  }
0x2c9: {  	[sflag:s10] =	ssyncadd.s32 $0xFFFFF000  }
0x2ca: {  	[tilespmem:s5], [sflag:$0x3] =	stream.indirect.gather [spmem:s3], $0x1, s2, s6, $0xb8;
	[tilespmem:$0x15BA8] =	vst v63  }
0x2cb: {  	_ =	swait.ge [sflag:s7], $0x1000  }
0x2cc: {  	s1 =	sld [smem:$0x7F7]  }
0x2cd: {  	[sflag:s7] =	ssyncset.done $0x0  }
0x2ce: {  	s30 =	sld [smem:$0x7F8];
	[sflag:s7] =	ssyncadd.s32 $0xFFFFF000  }
0x2cf: {  	[tilespmem:s2], [sflag:$0x1] =	stream.linear.gather [hbm4b:s1+s2], $0x1000, $0x38;
	[tilespmem:$0x15BA8] =	vst v63  }
0x2d0: {  	_ = 	snop  }
0x2d1: {  	[hbm4b:s30+s2] =	stream.linear.scatter [tilespmem:s5], [sflag:$0x5], $0x1000, $0x38;
	[tilespmem:$0x15BA8] =	vst v63  }
0x2d2: {  	_ =	swait.ge [sflag:s11], $0x1000  }
0x2d3: {  	[sflag:s11] =	ssyncset.done $0x0  }
0x2d4: {  	[sflag:s11] =	ssyncadd.s32 $0xFFFFF000  }
0x2d5: {  	_ =	swait.ge [sflag:s15], $0x1000  }
0x2d6: {  	[sflag:s15] =	ssyncset.done $0x0  }
0x2d7: {  	[sflag:s15] =	ssyncadd.s32 $0xFFFFF000  }
0x2d8: {  	[tilespmem:s14], [sflag:$0x4] =	stream.indirect.gather [spmem:s3], $0x1, s6, s6, $0xb8;
	[tilespmem:$0x15BA8] =	vst v63  }
0x2d9: {  	_ =	swait.ge [sflag:s16], $0x1000  }
0x2da: {  	s1 =	sld [smem:$0x7F9]  }
0x2db: {  	[sflag:s16] =	ssyncset.done $0x0  }
0x2dc: {  	s30 =	sld [smem:$0x7FA];
	[sflag:s16] =	ssyncadd.s32 $0xFFFFF000  }
0x2dd: {  	[tilespmem:s6], [sflag:$0x2] =	stream.linear.gather [hbm4b:s1+s2], $0x1000, $0x38;
	[tilespmem:$0x15BA8] =	vst v63  }
0x2de: {  	_ = 	snop  }
0x2df: {  	[hbm4b:s30+s2] =	stream.linear.scatter [tilespmem:s14], [sflag:$0x6], $0x1000, $0x38;
	[tilespmem:$0x15BA8] =	vst v63  }
0x2e0: {  	_ =	swait.ge [sflag:s8], $0x1000  }
0x2e1: {  	[sflag:s8] =	ssyncset.done $0x0  }
0x2e2: {  	[sflag:s8] =	ssyncadd.s32 $0xFFFFF000  }
0x2e3: {  	_ =	swait.ge [sflag:s10], $0x1000  }
0x2e4: {  	[sflag:s10] =	ssyncset.done $0x0  }
0x2e5: {  	[sflag:s10] =	ssyncadd.s32 $0xFFFFF000  }
0x2e6: {  	[tilespmem:s5], [sflag:$0x3] =	stream.indirect.gather [spmem:s3], $0x1, s2, s6, $0xb8;
	[tilespmem:$0x15BA8] =	vst v63  }
0x2e7: {  	_ =	swait.ge [sflag:s7], $0x1000  }
0x2e8: {  	s1 =	sld [smem:$0x7FB]  }
0x2e9: {  	[sflag:s7] =	ssyncset.done $0x0  }
0x2ea: {  	s30 =	sld [smem:$0x7FC];
	[sflag:s7] =	ssyncadd.s32 $0xFFFFF000  }
0x2eb: {  	[tilespmem:s2], [sflag:$0x1] =	stream.linear.gather [hbm4b:s1+s2], $0x1000, $0x38;
	[tilespmem:$0x15BA8] =	vst v63  }
0x2ec: {  	_ = 	snop  }
0x2ed: {  	[hbm4b:s30+s2] =	stream.linear.scatter [tilespmem:s5], [sflag:$0x5], $0x1000, $0x38;
	[tilespmem:$0x15BA8] =	vst v63  }
0x2ee: {  	_ =	swait.ge [sflag:s11], $0x1000  }
0x2ef: {  	[sflag:s11] =	ssyncset.done $0x0  }
0x2f0: {  	[sflag:s11] =	ssyncadd.s32 $0xFFFFF000  }
0x2f1: {  	_ =	swait.ge [sflag:s15], $0x1000  }
0x2f2: {  	[sflag:s15] =	ssyncset.done $0x0  }
0x2f3: {  	[sflag:s15] =	ssyncadd.s32 $0xFFFFF000  }
0x2f4: {  	[tilespmem:s14], [sflag:$0x4] =	stream.indirect.gather [spmem:s3], $0x1, s6, s6, $0xb8;
	[tilespmem:$0x15BA8] =	vst v63  }
0x2f5: {  	_ =	swait.ge [sflag:s16], $0x1000  }
0x2f6: {  	s30 =	sld [smem:$0x7FD]  }
0x2f7: {  	[sflag:s16] =	ssyncset.done $0x0  }
0x2f8: {  	[sflag:s16] =	ssyncadd.s32 $0xFFFFF000  }
0x2f9: {  	[tilespmem:s6], [sflag:$0x2] =	stream.linear.gather [hbm4b:s30+s2], $0x1000, $0x38;
	[tilespmem:$0x15BA8] =	vst v63  }
0x2fa: {  	_ = 	snop  }
0x2fb: {  	[hbm4b:s25+s2] =	stream.linear.scatter [tilespmem:s14], [sflag:$0x6], $0x1000, $0x38;
	[tilespmem:$0x15BA8] =	vst v63  }
0x2fc: {  	_ =	swait.ge [sflag:s8], $0x1000  }
0x2fd: {  	[sflag:s8] =	ssyncset.done $0x0  }
0x2fe: {  	[sflag:s8] =	ssyncadd.s32 $0xFFFFF000  }
0x2ff: {  	_ =	swait.ge [sflag:s10], $0x1000  }
0x300: {  	[sflag:s10] =	ssyncset.done $0x0  }
0x301: {  	[sflag:s10] =	ssyncadd.s32 $0xFFFFF000  }
0x302: {  	[tilespmem:s5], [sflag:$0x3] =	stream.indirect.gather [spmem:s3], $0x1, s2, s6, $0xb8;
	[tilespmem:$0x15BA8] =	vst v63  }
0x303: {  	_ =	swait.ge [sflag:s7], $0x1000  }
0x304: {  	[sflag:s7] =	ssyncset.done $0x0  }
0x305: {  	[sflag:s7] =	ssyncadd.s32 $0xFFFFF000  }
0x306: {  	[tilespmem:s2], [sflag:$0x1] =	stream.linear.gather [hbm4b:s23+s2], $0x1000, $0x38;
	[tilespmem:$0x15BA8] =	vst v63  }
0x307: {  	_ = 	snop  }
0x308: {  	[hbm4b:s24+s2] =	stream.linear.scatter [tilespmem:s5], [sflag:$0x5], $0x1000, $0x38;
	[tilespmem:$0x15BA8] =	vst v63  }
0x309: {  	_ =	swait.ge [sflag:s11], $0x1000  }
0x30a: {  	[sflag:s11] =	ssyncset.done $0x0  }
0x30b: {  	[sflag:s11] =	ssyncadd.s32 $0xFFFFF000  }
0x30c: {  	_ =	swait.ge [sflag:s15], $0x1000  }
0x30d: {  	[sflag:s15] =	ssyncset.done $0x0  }
0x30e: {  	[sflag:s15] =	ssyncadd.s32 $0xFFFFF000  }
0x30f: {  	[tilespmem:s14], [sflag:$0x4] =	stream.indirect.gather [spmem:s3], $0x1, s6, s6, $0xb8;
	[tilespmem:$0x15BA8] =	vst v63  }
0x310: {  	_ =	swait.ge [sflag:s16], $0x1000  }
0x311: {  	[sflag:s16] =	ssyncset.done $0x0  }
0x312: {  	[sflag:s16] =	ssyncadd.s32 $0xFFFFF000  }
0x313: {  	[tilespmem:s6], [sflag:$0x2] =	stream.linear.gather [hbm4b:s21+s2], $0x1000, $0x38;
	[tilespmem:$0x15BA8] =	vst v63  }
0x314: {  	_ = 	snop  }
0x315: {  	[hbm4b:s22+s2] =	stream.linear.scatter [tilespmem:s14], [sflag:$0x6], $0x1000, $0x38;
	[tilespmem:$0x15BA8] =	vst v63  }
0x316: {  	_ =	swait.ge [sflag:s8], $0x1000  }
0x317: {  	[sflag:s8] =	ssyncset.done $0x0  }
0x318: {  	[sflag:s8] =	ssyncadd.s32 $0xFFFFF000  }
0x319: {  	_ =	swait.ge [sflag:s10], $0x1000  }
0x31a: {  	[sflag:s10] =	ssyncset.done $0x0  }
0x31b: {  	[sflag:s10] =	ssyncadd.s32 $0xFFFFF000  }
0x31c: {  	[tilespmem:s5], [sflag:$0x3] =	stream.indirect.gather [spmem:s3], $0x1, s2, s6, $0xb8;
	[tilespmem:$0x15BA8] =	vst v63  }
0x31d: {  	_ =	swait.ge [sflag:s7], $0x1000  }
0x31e: {  	[sflag:s7] =	ssyncset.done $0x0  }
0x31f: {  	[sflag:s7] =	ssyncadd.s32 $0xFFFFF000  }
0x320: {  	[tilespmem:s2], [sflag:$0x1] =	stream.linear.gather [hbm4b:s19+s2], $0x1000, $0x38;
	[tilespmem:$0x15BA8] =	vst v63  }
0x321: {  	_ = 	snop  }
0x322: {  	[hbm4b:s20+s2] =	stream.linear.scatter [tilespmem:s5], [sflag:$0x5], $0x1000, $0x38;
	[tilespmem:$0x15BA8] =	vst v63  }
0x323: {  	_ =	swait.ge [sflag:s11], $0x1000  }
0x324: {  	[sflag:s11] =	ssyncset.done $0x0  }
0x325: {  	[sflag:s11] =	ssyncadd.s32 $0xFFFFF000  }
0x326: {  	_ =	swait.ge [sflag:s15], $0x1000  }
0x327: {  	[sflag:s15] =	ssyncset.done $0x0  }
0x328: {  	[sflag:s15] =	ssyncadd.s32 $0xFFFFF000  }
0x329: {  	[tilespmem:s14], [sflag:$0x4] =	stream.indirect.gather [spmem:s3], $0x1, s6, s6, $0xb8;
	[tilespmem:$0x15BA8] =	vst v63  }
0x32a: {  	_ =	swait.ge [sflag:s16], $0x1000  }
0x32b: {  	[sflag:s16] =	ssyncset.done $0x0  }
0x32c: {  	[sflag:s16] =	ssyncadd.s32 $0xFFFFF000  }
0x32d: {  	[tilespmem:s6], [sflag:$0x2] =	stream.linear.gather [hbm4b:s17+s2], $0x1000, $0x38;
	[tilespmem:$0x15BA8] =	vst v63  }
0x32e: {  	_ = 	snop  }
0x32f: {  	[hbm4b:s18+s2] =	stream.linear.scatter [tilespmem:s14], [sflag:$0x6], $0x1000, $0x38;
	[tilespmem:$0x15BA8] =	vst v63  }
0x330: {  	_ =	swait.ge [sflag:s8], $0x1000  }
0x331: {  	[sflag:s8] =	ssyncset.done $0x0  }
0x332: {  	[sflag:s8] =	ssyncadd.s32 $0xFFFFF000  }
0x333: {  	_ =	swait.ge [sflag:s10], $0x1000  }
0x334: {  	[sflag:s10] =	ssyncset.done $0x0  }
0x335: {  	[sflag:s10] =	ssyncadd.s32 $0xFFFFF000  }
0x336: {  	[tilespmem:s5], [sflag:$0x3] =	stream.indirect.gather [spmem:s3], $0x1, s2, s6, $0xb8;
	[tilespmem:$0x15BA8] =	vst v63  }
0x337: {  	_ =	swait.ge [sflag:s7], $0x1000  }
0x338: {  	[sflag:s7] =	ssyncset.done $0x0  }
0x339: {  	[sflag:s7] =	ssyncadd.s32 $0xFFFFF000  }
0x33a: {  	[tilespmem:s2], [sflag:$0x1] =	stream.linear.gather [hbm4b:s12+s2], $0x1000, $0x38;
	[tilespmem:$0x15BA8] =	vst v63  }
0x33b: {  	_ = 	snop  }
0x33c: {  	[hbm4b:s13+s2] =	stream.linear.scatter [tilespmem:s5], [sflag:$0x5], $0x1000, $0x38;
	[tilespmem:$0x15BA8] =	vst v63  }
0x33d: {  	_ =	swait.ge [sflag:s11], $0x1000  }
0x33e: {  	[sflag:s11] =	ssyncset.done $0x0  }
0x33f: {  	[sflag:s11] =	ssyncadd.s32 $0xFFFFF000  }
0x340: {  	_ =	swait.ge [sflag:s15], $0x1000  }
0x341: {  	[sflag:s15] =	ssyncset.done $0x0  }
0x342: {  	[sflag:s15] =	ssyncadd.s32 $0xFFFFF000  }
0x343: {  	[tilespmem:s14], [sflag:$0x4] =	stream.indirect.gather [spmem:s3], $0x1, s6, s6, $0xb8;
	[tilespmem:$0x15BA8] =	vst v63  }
0x344: {  	_ =	swait.ge [sflag:s16], $0x1000  }
0x345: {  	[sflag:s16] =	ssyncset.done $0x0  }
0x346: {  	[sflag:s16] =	ssyncadd.s32 $0xFFFFF000  }
0x347: {  	[hbm4b:s9+s2] =	stream.linear.scatter [tilespmem:s14], [sflag:$0x6], $0x1000, $0x38;
	[tilespmem:$0x15BA8] =	vst v63  }
0x348: {  	_ =	swait.ge [sflag:s8], $0x1000  }
0x349: {  	[sflag:s8] =	ssyncset.done $0x0  }
0x34a: {  	[sflag:s8] =	ssyncadd.s32 $0xFFFFF000  }
0x34b: {  	_ =	swait.ge [sflag:s10], $0x1000  }
0x34c: {  	[sflag:s10] =	ssyncset.done $0x0  }
0x34d: {  	[sflag:s10] =	ssyncadd.s32 $0xFFFFF000  }
0x34e: {  	[tilespmem:s5], [sflag:$0x3] =	stream.indirect.gather [spmem:s3], $0x1, s2, s6, $0xb8;
	[tilespmem:$0x15BA8] =	vst v63  }
0x34f: {  	_ =	swait.ge [sflag:s7], $0x1000  }
0x350: {  	s0 =	sadd.s32 $0xFFFFFFFF, s0;
	[sflag:s7] =	ssyncset.done $0x0  }
0x351: {  	p2 =	sne.s32 s0, $0x0;
	[sflag:s7] =	ssyncadd.s32 $0xFFFFF000  }
0x352: {  	[hbm4b:s4+s2] =	stream.linear.scatter [tilespmem:s5], [sflag:$0x5], $0x1000, $0x38;
	[tilespmem:$0x15BA8] =	vst v63  }
.Ltmp2:
0x353: {  	_ =	swait.ge [sflag:s11], $0x1000;
	(pc) =	sbr.rel @p2 .LBB2_3-.Ltmp2, $4  }
0x354: {  	[sflag:s11] =	ssyncset.done $0x0  }
0x355: {  	[sflag:s11] =	ssyncadd.s32 $0xFFFFF000  }
0x356: {  	_ =	swait.ge [sflag:s8], $0x1000  }
0x357: {  	s1 =	rddreg [dreg:$0x5];
	[sflag:s8] =	ssyncset.done $0x0  }
0x358: {  	s29 =	rddreg [dreg:$0x4];
	s30 =	stileid.u32  }
.LBB2_5:
0x359: {  	[sflag:s8] =	ssyncadd.s32 @p1 $0xFFFFF000  }
0x35a: {  	[tilespmem:s28], [sflag:$0x7] =	stream.linear.gather [hbm4b:s1+s2], $0x2710, $0x38;
	[tilespmem:$0x15BA8] =	vst v63  }
0x35b: {  	_ =	swait.ge [sflag:s26], $0x2710  }
0x35c: {  	[sflag:s26] =	ssyncset.done $0x0  }
0x35d: {  	s0 =	rddreg [dreg:$0x6];
	[sflag:s26] =	ssyncadd.s32 $0xFFFFD8F0  }
0x35e: {  	[spmem:s0] =	stream.linear.scatter [tilespmem:s28], [sflag:$0x7], $0x2710, $0x38;
	[tilespmem:$0x15BA8] =	vst v63  }
0x35f: {  	_ =	swait.ge [sflag:s26], $0x2710  }
0x360: {  	[sflag:s26] =	ssyncset.done $0x0  }
0x361: {  	s31 =	rddreg [dreg:$0x7];
	[sflag:s26] =	ssyncadd.s32 $0xFFFFD8F0  }
0x362: {  	[tilespmem:s28], [sflag:$0x7] =	stream.linear.gather [hbm4b:s31+s2], $0x2710, $0x38;
	[tilespmem:$0x15BA8] =	vst v63  }
0x363: {  	_ =	swait.ge [sflag:s26], $0x2710  }
0x364: {  	[sflag:s26] =	ssyncset.done $0x0  }
0x365: {  	s1 =	rddreg [dreg:$0x8];
	[sflag:s26] =	ssyncadd.s32 $0xFFFFD8F0  }
0x366: {  	[spmem:s1] =	stream.linear.scatter [tilespmem:s28], [sflag:$0x7], $0x2710, $0x38;
	[tilespmem:$0x15BA8] =	vst v63  }
0x367: {  	_ =	swait.ge [sflag:s26], $0x2710  }
0x368: {  	[sflag:s26] =	ssyncset.done $0x0  }
0x369: {  	s31 =	rddreg [dreg:$0x9];
	[sflag:s26] =	ssyncadd.s32 $0xFFFFD8F0  }
0x36a: {  	[tilespmem:s28], [sflag:$0x7] =	stream.linear.gather [hbm4b:s31+s2], $0x2710, $0x38;
	[tilespmem:$0x15BA8] =	vst v63  }
0x36b: {  	_ =	swait.ge [sflag:s26], $0x2710  }
0x36c: {  	[sflag:s26] =	ssyncset.done $0x0  }
0x36d: {  	s1 =	rddreg [dreg:$0xa];
	[sflag:s26] =	ssyncadd.s32 $0xFFFFD8F0  }
0x36e: {  	[spmem:s1] =	stream.linear.scatter [tilespmem:s28], [sflag:$0x7], $0x2710, $0x38;
	[tilespmem:$0x15BA8] =	vst v63  }
0x36f: {  	_ =	swait.ge [sflag:s26], $0x2710  }
0x370: {  	[sflag:s26] =	ssyncset.done $0x0  }
0x371: {  	s31 =	rddreg [dreg:$0xb];
	[sflag:s26] =	ssyncadd.s32 $0xFFFFD8F0  }
0x372: {  	[tilespmem:s28], [sflag:$0x7] =	stream.linear.gather [hbm4b:s31+s2], $0x2710, $0x38;
	[tilespmem:$0x15BA8] =	vst v63  }
0x373: {  	_ =	swait.ge [sflag:s26], $0x2710  }
0x374: {  	[sflag:s26] =	ssyncset.done $0x0  }
0x375: {  	s1 =	rddreg [dreg:$0xc];
	[sflag:s26] =	ssyncadd.s32 $0xFFFFD8F0  }
0x376: {  	[spmem:s1] =	stream.linear.scatter [tilespmem:s28], [sflag:$0x7], $0x2710, $0x38;
	[tilespmem:$0x15BA8] =	vst v63  }
0x377: {  	_ =	swait.ge [sflag:s26], $0x2710  }
0x378: {  	[sflag:s26] =	ssyncset.done $0x0  }
0x379: {  	s31 =	rddreg [dreg:$0xd];
	[sflag:s26] =	ssyncadd.s32 $0xFFFFD8F0  }
0x37a: {  	[tilespmem:s28], [sflag:$0x7] =	stream.linear.gather [hbm4b:s31+s2], $0x2710, $0x38;
	[tilespmem:$0x15BA8] =	vst v63  }
0x37b: {  	_ =	swait.ge [sflag:s26], $0x2710  }
0x37c: {  	[sflag:s26] =	ssyncset.done $0x0  }
0x37d: {  	s1 =	rddreg [dreg:$0xe];
	[sflag:s26] =	ssyncadd.s32 $0xFFFFD8F0  }
0x37e: {  	[spmem:s1] =	stream.linear.scatter [tilespmem:s28], [sflag:$0x7], $0x2710, $0x38;
	[tilespmem:$0x15BA8] =	vst v63  }
0x37f: {  	_ =	swait.ge [sflag:s26], $0x2710  }
0x380: {  	[sflag:s26] =	ssyncset.done $0x0  }
0x381: {  	s31 =	rddreg [dreg:$0xf];
	[sflag:s26] =	ssyncadd.s32 $0xFFFFD8F0  }
0x382: {  	[tilespmem:s28], [sflag:$0x7] =	stream.linear.gather [hbm4b:s31+s2], $0x2710, $0x38;
	[tilespmem:$0x15BA8] =	vst v63  }
0x383: {  	_ =	swait.ge [sflag:s26], $0x2710  }
0x384: {  	[sflag:s26] =	ssyncset.done $0x0  }
0x385: {  	s1 =	rddreg [dreg:$0x10];
	[sflag:s26] =	ssyncadd.s32 $0xFFFFD8F0  }
0x386: {  	[spmem:s1] =	stream.linear.scatter [tilespmem:s28], [sflag:$0x7], $0x2710, $0x38;
	[tilespmem:$0x15BA8] =	vst v63  }
0x387: {  	_ =	swait.ge [sflag:s26], $0x2710  }
0x388: {  	s1 =	simm.s32 @!p0 $0x0;
	[sflag:s26] =	ssyncset.done $0x0  }
0x389: {  	s0 =	rddreg [dreg:$0x11];
	[sflag:s26] =	ssyncadd.s32 $0xFFFFD8F0;
	s26 =	simm.s32 @!p0 $0x4000  }
0x38a: {  	[tilespmem:s26], [sflag:$0x7] =	stream.linear.gather @!p0 [hbm4b:s0+s1], $0x2710, $0x38;
	[tilespmem:$0x15BA8] =	vst v63  }
0x38b: {  	s0 =	simm.s32 @!p0 $0x7  }
0x38c: {  	_ =	swait.ge @!p0 [sflag:s0], $0x2710  }
0x38d: {  	[sflag:s0] =	ssyncset.done @!p0 $0x0  }
0x38e: {  	s1 =	rddreg [dreg:$0x12];
	[sflag:s0] =	ssyncadd.s32 @!p0 $0xFFFFD8F0  }
0x38f: {  	[spmem:s1] =	stream.linear.scatter @!p0 [tilespmem:s26], [sflag:$0x7], $0x2710, $0x38;
	[tilespmem:$0x15BA8] =	vst v63  }
0x390: {  	_ =	swait.ge @!p0 [sflag:s0], $0x2710  }
0x391: {  	[sflag:s0] =	ssyncset.done @!p0 $0x0  }
0x392: {  	[sflag:s0] =	ssyncadd.s32 @!p0 $0xFFFFD8F0  }
0x393: {  	[bflag:$0x0] =	sbarrier.arrive $0xFFFF  }
0x394: {  	s28 =	rddreg [dreg:$0x13]  }
0x395: {  	[tilespmem:s2], [sflag:$0x1] =	stream.linear.gather [hbm4b:s28+s2], $0x1000, $0x38;
	[tilespmem:$0x15BA8] =	vst v63  }
0x396: {  	s31 =	rddreg [dreg:$0x14]  }
0x397: {  	[tilespmem:s6], [sflag:$0x2] =	stream.linear.gather [hbm4b:s31+s2], $0x1000, $0x38;
	[tilespmem:$0x15BA8] =	vst v63  }
0x398: {  	_ =	swait.ge [sflag:s10], $0x1000  }
0x399: {  	[sflag:s10] =	ssyncset.done $0x0  }
0x39a: {  	[sflag:s10] =	ssyncadd.s32 $0xFFFFF000  }
0x39b: {  	[tilespmem:s5], [sflag:$0x3] =	stream.indirect.gather [spmem:s3], $0x1, s2, s6, $0xb8;
	[tilespmem:$0x15BA8] =	vst v63  }
0x39c: {  	_ =	swait.ge [sflag:s7], $0x1000  }
0x39d: {  	[sflag:s7] =	ssyncset.done $0x0  }
0x39e: {  	s1 =	rddreg [dreg:$0x15];
	[sflag:s7] =	ssyncadd.s32 $0xFFFFF000  }
0x39f: {  	[tilespmem:s2], [sflag:$0x1] =	stream.linear.gather [hbm4b:s1+s2], $0x1000, $0x38;
	[tilespmem:$0x15BA8] =	vst v63  }
0x3a0: {  	s26 =	rddreg [dreg:$0x16]  }
0x3a1: {  	[hbm4b:s26+s2] =	stream.linear.scatter [tilespmem:s5], [sflag:$0x5], $0x1000, $0x38;
	[tilespmem:$0x15BA8] =	vst v63  }
0x3a2: {  	_ =	swait.ge [sflag:s15], $0x1000  }
0x3a3: {  	[sflag:s15] =	ssyncset.done $0x0  }
0x3a4: {  	[sflag:s15] =	ssyncadd.s32 $0xFFFFF000  }
0x3a5: {  	[tilespmem:s14], [sflag:$0x4] =	stream.indirect.gather [spmem:s3], $0x1, s6, s6, $0xb8;
	[tilespmem:$0x15BA8] =	vst v63  }
0x3a6: {  	_ =	swait.ge [sflag:s16], $0x1000  }
0x3a7: {  	[sflag:s16] =	ssyncset.done $0x0  }
0x3a8: {  	s28 =	rddreg [dreg:$0x17];
	[sflag:s16] =	ssyncadd.s32 $0xFFFFF000  }
0x3a9: {  	[tilespmem:s6], [sflag:$0x2] =	stream.linear.gather [hbm4b:s28+s2], $0x1000, $0x38;
	[tilespmem:$0x15BA8] =	vst v63  }
0x3aa: {  	s31 =	rddreg [dreg:$0x18]  }
0x3ab: {  	[hbm4b:s31+s2] =	stream.linear.scatter [tilespmem:s14], [sflag:$0x6], $0x1000, $0x38;
	[tilespmem:$0x15BA8] =	vst v63  }
0x3ac: {  	_ =	swait.ge [sflag:s8], $0x1000  }
0x3ad: {  	[sflag:s8] =	ssyncset.done $0x0  }
0x3ae: {  	[sflag:s8] =	ssyncadd.s32 $0xFFFFF000  }
0x3af: {  	_ =	swait.ge [sflag:s10], $0x1000  }
0x3b0: {  	[sflag:s10] =	ssyncset.done $0x0  }
0x3b1: {  	[sflag:s10] =	ssyncadd.s32 $0xFFFFF000  }
0x3b2: {  	[tilespmem:s5], [sflag:$0x3] =	stream.indirect.gather [spmem:s3], $0x1, s2, s6, $0xb8;
	[tilespmem:$0x15BA8] =	vst v63  }
0x3b3: {  	_ =	swait.ge [sflag:s7], $0x1000  }
0x3b4: {  	[sflag:s7] =	ssyncset.done $0x0  }
0x3b5: {  	s1 =	rddreg [dreg:$0x19];
	[sflag:s7] =	ssyncadd.s32 $0xFFFFF000  }
0x3b6: {  	[tilespmem:s2], [sflag:$0x1] =	stream.linear.gather [hbm4b:s1+s2], $0x1000, $0x38;
	[tilespmem:$0x15BA8] =	vst v63  }
0x3b7: {  	s26 =	rddreg [dreg:$0x1a]  }
0x3b8: {  	[hbm4b:s26+s2] =	stream.linear.scatter [tilespmem:s5], [sflag:$0x5], $0x1000, $0x38;
	[tilespmem:$0x15BA8] =	vst v63  }
0x3b9: {  	_ =	swait.ge [sflag:s11], $0x1000  }
0x3ba: {  	[sflag:s11] =	ssyncset.done $0x0  }
0x3bb: {  	[sflag:s11] =	ssyncadd.s32 $0xFFFFF000  }
0x3bc: {  	_ =	swait.ge [sflag:s15], $0x1000  }
0x3bd: {  	[sflag:s15] =	ssyncset.done $0x0  }
0x3be: {  	[sflag:s15] =	ssyncadd.s32 $0xFFFFF000  }
0x3bf: {  	[tilespmem:s14], [sflag:$0x4] =	stream.indirect.gather [spmem:s3], $0x1, s6, s6, $0xb8;
	[tilespmem:$0x15BA8] =	vst v63  }
0x3c0: {  	_ =	swait.ge [sflag:s16], $0x1000  }
0x3c1: {  	[sflag:s16] =	ssyncset.done $0x0  }
0x3c2: {  	s28 =	rddreg [dreg:$0x1b];
	[sflag:s16] =	ssyncadd.s32 $0xFFFFF000  }
0x3c3: {  	[tilespmem:s6], [sflag:$0x2] =	stream.linear.gather [hbm4b:s28+s2], $0x1000, $0x38;
	[tilespmem:$0x15BA8] =	vst v63  }
0x3c4: {  	s31 =	rddreg [dreg:$0x1c]  }
0x3c5: {  	[hbm4b:s31+s2] =	stream.linear.scatter [tilespmem:s14], [sflag:$0x6], $0x1000, $0x38;
	[tilespmem:$0x15BA8] =	vst v63  }
0x3c6: {  	_ =	swait.ge [sflag:s8], $0x1000  }
0x3c7: {  	[sflag:s8] =	ssyncset.done $0x0  }
0x3c8: {  	[sflag:s8] =	ssyncadd.s32 $0xFFFFF000  }
0x3c9: {  	_ =	swait.ge [sflag:s10], $0x1000  }
0x3ca: {  	[sflag:s10] =	ssyncset.done $0x0  }
0x3cb: {  	[sflag:s10] =	ssyncadd.s32 $0xFFFFF000  }
0x3cc: {  	[tilespmem:s5], [sflag:$0x3] =	stream.indirect.gather [spmem:s3], $0x1, s2, s6, $0xb8;
	[tilespmem:$0x15BA8] =	vst v63  }
0x3cd: {  	_ =	swait.ge [sflag:s7], $0x1000  }
0x3ce: {  	[sflag:s7] =	ssyncset.done $0x0  }
0x3cf: {  	s1 =	rddreg [dreg:$0x1d];
	[sflag:s7] =	ssyncadd.s32 $0xFFFFF000  }
0x3d0: {  	[tilespmem:s2], [sflag:$0x1] =	stream.linear.gather [hbm4b:s1+s2], $0x1000, $0x38;
	[tilespmem:$0x15BA8] =	vst v63  }
0x3d1: {  	s26 =	rddreg [dreg:$0x1e]  }
0x3d2: {  	[hbm4b:s26+s2] =	stream.linear.scatter [tilespmem:s5], [sflag:$0x5], $0x1000, $0x38;
	[tilespmem:$0x15BA8] =	vst v63  }
0x3d3: {  	_ =	swait.ge [sflag:s11], $0x1000  }
0x3d4: {  	[sflag:s11] =	ssyncset.done $0x0  }
0x3d5: {  	[sflag:s11] =	ssyncadd.s32 $0xFFFFF000  }
0x3d6: {  	_ =	swait.ge [sflag:s15], $0x1000  }
0x3d7: {  	[sflag:s15] =	ssyncset.done $0x0  }
0x3d8: {  	[sflag:s15] =	ssyncadd.s32 $0xFFFFF000  }
0x3d9: {  	[tilespmem:s14], [sflag:$0x4] =	stream.indirect.gather [spmem:s3], $0x1, s6, s6, $0xb8;
	[tilespmem:$0x15BA8] =	vst v63  }
0x3da: {  	_ =	swait.ge [sflag:s16], $0x1000  }
0x3db: {  	s28 =	rddreg [dreg:$0x1f];
	[sflag:s16] =	ssyncset.done $0x0  }
0x3dc: {  	s31 =	sld [smem:$0x7E6];
	[sflag:s16] =	ssyncadd.s32 $0xFFFFF000  }
0x3dd: {  	[tilespmem:s6], [sflag:$0x2] =	stream.linear.gather [hbm4b:s28+s2], $0x1000, $0x38;
	[tilespmem:$0x15BA8] =	vst v63  }
0x3de: {  	_ = 	snop  }
0x3df: {  	[hbm4b:s31+s2] =	stream.linear.scatter [tilespmem:s14], [sflag:$0x6], $0x1000, $0x38;
	[tilespmem:$0x15BA8] =	vst v63  }
0x3e0: {  	_ =	swait.ge [sflag:s8], $0x1000  }
0x3e1: {  	[sflag:s8] =	ssyncset.done $0x0  }
0x3e2: {  	[sflag:s8] =	ssyncadd.s32 $0xFFFFF000  }
0x3e3: {  	_ =	swait.ge [sflag:s10], $0x1000  }
0x3e4: {  	[sflag:s10] =	ssyncset.done $0x0  }
0x3e5: {  	[sflag:s10] =	ssyncadd.s32 $0xFFFFF000  }
0x3e6: {  	[tilespmem:s5], [sflag:$0x3] =	stream.indirect.gather [spmem:s3], $0x1, s2, s6, $0xb8;
	[tilespmem:$0x15BA8] =	vst v63  }
0x3e7: {  	_ =	swait.ge [sflag:s7], $0x1000  }
0x3e8: {  	s1 =	sld [smem:$0x7E7]  }
0x3e9: {  	[sflag:s7] =	ssyncset.done $0x0  }
0x3ea: {  	s26 =	sld [smem:$0x7E8];
	[sflag:s7] =	ssyncadd.s32 $0xFFFFF000  }
0x3eb: {  	[tilespmem:s2], [sflag:$0x1] =	stream.linear.gather [hbm4b:s1+s2], $0x1000, $0x38;
	[tilespmem:$0x15BA8] =	vst v63  }
0x3ec: {  	_ = 	snop  }
0x3ed: {  	[hbm4b:s26+s2] =	stream.linear.scatter [tilespmem:s5], [sflag:$0x5], $0x1000, $0x38;
	[tilespmem:$0x15BA8] =	vst v63  }
0x3ee: {  	_ =	swait.ge [sflag:s11], $0x1000  }
0x3ef: {  	[sflag:s11] =	ssyncset.done $0x0  }
0x3f0: {  	[sflag:s11] =	ssyncadd.s32 $0xFFFFF000  }
0x3f1: {  	_ =	swait.ge [sflag:s15], $0x1000  }
0x3f2: {  	[sflag:s15] =	ssyncset.done $0x0  }
0x3f3: {  	[sflag:s15] =	ssyncadd.s32 $0xFFFFF000  }
0x3f4: {  	[tilespmem:s14], [sflag:$0x4] =	stream.indirect.gather [spmem:s3], $0x1, s6, s6, $0xb8;
	[tilespmem:$0x15BA8] =	vst v63  }
0x3f5: {  	_ =	swait.ge [sflag:s16], $0x1000  }
0x3f6: {  	s28 =	sld [smem:$0x7E9]  }
0x3f7: {  	[sflag:s16] =	ssyncset.done $0x0  }
0x3f8: {  	s31 =	sld [smem:$0x7EA];
	[sflag:s16] =	ssyncadd.s32 $0xFFFFF000  }
0x3f9: {  	[tilespmem:s6], [sflag:$0x2] =	stream.linear.gather [hbm4b:s28+s2], $0x1000, $0x38;
	[tilespmem:$0x15BA8] =	vst v63  }
0x3fa: {  	_ = 	snop  }
0x3fb: {  	[hbm4b:s31+s2] =	stream.linear.scatter [tilespmem:s14], [sflag:$0x6], $0x1000, $0x38;
	[tilespmem:$0x15BA8] =	vst v63  }
0x3fc: {  	_ =	swait.ge [sflag:s8], $0x1000  }
0x3fd: {  	[sflag:s8] =	ssyncset.done $0x0  }
0x3fe: {  	[sflag:s8] =	ssyncadd.s32 $0xFFFFF000  }
0x3ff: {  	_ =	swait.ge [sflag:s10], $0x1000  }
0x400: {  	[sflag:s10] =	ssyncset.done $0x0  }
0x401: {  	[sflag:s10] =	ssyncadd.s32 $0xFFFFF000  }
0x402: {  	[tilespmem:s5], [sflag:$0x3] =	stream.indirect.gather [spmem:s3], $0x1, s2, s6, $0xb8;
	[tilespmem:$0x15BA8] =	vst v63  }
0x403: {  	_ =	swait.ge [sflag:s7], $0x1000  }
0x404: {  	s1 =	sld [smem:$0x7EB]  }
0x405: {  	[sflag:s7] =	ssyncset.done $0x0  }
0x406: {  	s26 =	sld [smem:$0x7EC];
	[sflag:s7] =	ssyncadd.s32 $0xFFFFF000  }
0x407: {  	[tilespmem:s2], [sflag:$0x1] =	stream.linear.gather [hbm4b:s1+s2], $0x1000, $0x38;
	[tilespmem:$0x15BA8] =	vst v63  }
0x408: {  	_ = 	snop  }
0x409: {  	[hbm4b:s26+s2] =	stream.linear.scatter [tilespmem:s5], [sflag:$0x5], $0x1000, $0x38;
	[tilespmem:$0x15BA8] =	vst v63  }
0x40a: {  	_ =	swait.ge [sflag:s11], $0x1000  }
0x40b: {  	[sflag:s11] =	ssyncset.done $0x0  }
0x40c: {  	[sflag:s11] =	ssyncadd.s32 $0xFFFFF000  }
0x40d: {  	_ =	swait.ge [sflag:s15], $0x1000  }
0x40e: {  	[sflag:s15] =	ssyncset.done $0x0  }
0x40f: {  	[sflag:s15] =	ssyncadd.s32 $0xFFFFF000  }
0x410: {  	[tilespmem:s14], [sflag:$0x4] =	stream.indirect.gather [spmem:s3], $0x1, s6, s6, $0xb8;
	[tilespmem:$0x15BA8] =	vst v63  }
0x411: {  	_ =	swait.ge [sflag:s16], $0x1000  }
0x412: {  	s28 =	sld [smem:$0x7ED]  }
0x413: {  	[sflag:s16] =	ssyncset.done $0x0  }
0x414: {  	s31 =	sld [smem:$0x7EE];
	[sflag:s16] =	ssyncadd.s32 $0xFFFFF000  }
0x415: {  	[tilespmem:s6], [sflag:$0x2] =	stream.linear.gather [hbm4b:s28+s2], $0x1000, $0x38;
	[tilespmem:$0x15BA8] =	vst v63  }
0x416: {  	_ = 	snop  }
0x417: {  	[hbm4b:s31+s2] =	stream.linear.scatter [tilespmem:s14], [sflag:$0x6], $0x1000, $0x38;
	[tilespmem:$0x15BA8] =	vst v63  }
0x418: {  	_ =	swait.ge [sflag:s8], $0x1000  }
0x419: {  	[sflag:s8] =	ssyncset.done $0x0  }
0x41a: {  	[sflag:s8] =	ssyncadd.s32 $0xFFFFF000  }
0x41b: {  	_ =	swait.ge [sflag:s10], $0x1000  }
0x41c: {  	[sflag:s10] =	ssyncset.done $0x0  }
0x41d: {  	[sflag:s10] =	ssyncadd.s32 $0xFFFFF000  }
0x41e: {  	[tilespmem:s5], [sflag:$0x3] =	stream.indirect.gather [spmem:s3], $0x1, s2, s6, $0xb8;
	[tilespmem:$0x15BA8] =	vst v63  }
0x41f: {  	_ =	swait.ge [sflag:s7], $0x1000  }
0x420: {  	s1 =	sld [smem:$0x7EF]  }
0x421: {  	[sflag:s7] =	ssyncset.done $0x0  }
0x422: {  	s26 =	sld [smem:$0x7F0];
	[sflag:s7] =	ssyncadd.s32 $0xFFFFF000  }
0x423: {  	[tilespmem:s2], [sflag:$0x1] =	stream.linear.gather [hbm4b:s1+s2], $0x1000, $0x38;
	[tilespmem:$0x15BA8] =	vst v63  }
0x424: {  	_ = 	snop  }
0x425: {  	[hbm4b:s26+s2] =	stream.linear.scatter [tilespmem:s5], [sflag:$0x5], $0x1000, $0x38;
	[tilespmem:$0x15BA8] =	vst v63  }
0x426: {  	_ =	swait.ge [sflag:s11], $0x1000  }
0x427: {  	[sflag:s11] =	ssyncset.done $0x0  }
0x428: {  	[sflag:s11] =	ssyncadd.s32 $0xFFFFF000  }
0x429: {  	_ =	swait.ge [sflag:s15], $0x1000  }
0x42a: {  	[sflag:s15] =	ssyncset.done $0x0  }
0x42b: {  	[sflag:s15] =	ssyncadd.s32 $0xFFFFF000  }
0x42c: {  	[tilespmem:s14], [sflag:$0x4] =	stream.indirect.gather [spmem:s3], $0x1, s6, s6, $0xb8;
	[tilespmem:$0x15BA8] =	vst v63  }
0x42d: {  	_ =	swait.ge [sflag:s16], $0x1000  }
0x42e: {  	s28 =	sld [smem:$0x7F1]  }
0x42f: {  	[sflag:s16] =	ssyncset.done $0x0  }
0x430: {  	s31 =	sld [smem:$0x7F2];
	[sflag:s16] =	ssyncadd.s32 $0xFFFFF000  }
0x431: {  	[tilespmem:s6], [sflag:$0x2] =	stream.linear.gather [hbm4b:s28+s2], $0x1000, $0x38;
	[tilespmem:$0x15BA8] =	vst v63  }
0x432: {  	_ = 	snop  }
0x433: {  	[hbm4b:s31+s2] =	stream.linear.scatter [tilespmem:s14], [sflag:$0x6], $0x1000, $0x38;
	[tilespmem:$0x15BA8] =	vst v63  }
0x434: {  	_ =	swait.ge [sflag:s8], $0x1000  }
0x435: {  	[sflag:s8] =	ssyncset.done $0x0  }
0x436: {  	[sflag:s8] =	ssyncadd.s32 $0xFFFFF000  }
0x437: {  	_ =	swait.ge [sflag:s10], $0x1000  }
0x438: {  	[sflag:s10] =	ssyncset.done $0x0  }
0x439: {  	[sflag:s10] =	ssyncadd.s32 $0xFFFFF000  }
0x43a: {  	[tilespmem:s5], [sflag:$0x3] =	stream.indirect.gather [spmem:s3], $0x1, s2, s6, $0xb8;
	[tilespmem:$0x15BA8] =	vst v63  }
0x43b: {  	_ =	swait.ge [sflag:s7], $0x1000  }
0x43c: {  	s1 =	sld [smem:$0x7F3]  }
0x43d: {  	[sflag:s7] =	ssyncset.done $0x0  }
0x43e: {  	s26 =	sld [smem:$0x7F4];
	[sflag:s7] =	ssyncadd.s32 $0xFFFFF000  }
0x43f: {  	[tilespmem:s2], [sflag:$0x1] =	stream.linear.gather [hbm4b:s1+s2], $0x1000, $0x38;
	[tilespmem:$0x15BA8] =	vst v63  }
0x440: {  	_ = 	snop  }
0x441: {  	[hbm4b:s26+s2] =	stream.linear.scatter [tilespmem:s5], [sflag:$0x5], $0x1000, $0x38;
	[tilespmem:$0x15BA8] =	vst v63  }
0x442: {  	_ =	swait.ge [sflag:s11], $0x1000  }
0x443: {  	[sflag:s11] =	ssyncset.done $0x0  }
0x444: {  	[sflag:s11] =	ssyncadd.s32 $0xFFFFF000  }
0x445: {  	_ =	swait.ge [sflag:s15], $0x1000  }
0x446: {  	[sflag:s15] =	ssyncset.done $0x0  }
0x447: {  	[sflag:s15] =	ssyncadd.s32 $0xFFFFF000  }
0x448: {  	[tilespmem:s14], [sflag:$0x4] =	stream.indirect.gather [spmem:s3], $0x1, s6, s6, $0xb8;
	[tilespmem:$0x15BA8] =	vst v63  }
0x449: {  	_ =	swait.ge [sflag:s16], $0x1000  }
0x44a: {  	s28 =	sld [smem:$0x7F5]  }
0x44b: {  	[sflag:s16] =	ssyncset.done $0x0  }
0x44c: {  	s31 =	sld [smem:$0x7F6];
	[sflag:s16] =	ssyncadd.s32 $0xFFFFF000  }
0x44d: {  	[tilespmem:s6], [sflag:$0x2] =	stream.linear.gather [hbm4b:s28+s2], $0x1000, $0x38;
	[tilespmem:$0x15BA8] =	vst v63  }
0x44e: {  	_ = 	snop  }
0x44f: {  	[hbm4b:s31+s2] =	stream.linear.scatter [tilespmem:s14], [sflag:$0x6], $0x1000, $0x38;
	[tilespmem:$0x15BA8] =	vst v63  }
0x450: {  	_ =	swait.ge [sflag:s8], $0x1000  }
0x451: {  	[sflag:s8] =	ssyncset.done $0x0  }
0x452: {  	[sflag:s8] =	ssyncadd.s32 $0xFFFFF000  }
0x453: {  	_ =	swait.ge [sflag:s10], $0x1000  }
0x454: {  	[sflag:s10] =	ssyncset.done $0x0  }
0x455: {  	[sflag:s10] =	ssyncadd.s32 $0xFFFFF000  }
0x456: {  	[tilespmem:s5], [sflag:$0x3] =	stream.indirect.gather [spmem:s3], $0x1, s2, s6, $0xb8;
	[tilespmem:$0x15BA8] =	vst v63  }
0x457: {  	_ =	swait.ge [sflag:s7], $0x1000  }
0x458: {  	s1 =	sld [smem:$0x7F7]  }
0x459: {  	[sflag:s7] =	ssyncset.done $0x0  }
0x45a: {  	s26 =	sld [smem:$0x7F8];
	[sflag:s7] =	ssyncadd.s32 $0xFFFFF000  }
0x45b: {  	[tilespmem:s2], [sflag:$0x1] =	stream.linear.gather [hbm4b:s1+s2], $0x1000, $0x38;
	[tilespmem:$0x15BA8] =	vst v63  }
0x45c: {  	_ = 	snop  }
0x45d: {  	[hbm4b:s26+s2] =	stream.linear.scatter [tilespmem:s5], [sflag:$0x5], $0x1000, $0x38;
	[tilespmem:$0x15BA8] =	vst v63  }
0x45e: {  	_ =	swait.ge [sflag:s11], $0x1000  }
0x45f: {  	[sflag:s11] =	ssyncset.done $0x0  }
0x460: {  	[sflag:s11] =	ssyncadd.s32 $0xFFFFF000  }
0x461: {  	_ =	swait.ge [sflag:s15], $0x1000  }
0x462: {  	[sflag:s15] =	ssyncset.done $0x0  }
0x463: {  	[sflag:s15] =	ssyncadd.s32 $0xFFFFF000  }
0x464: {  	[tilespmem:s14], [sflag:$0x4] =	stream.indirect.gather [spmem:s3], $0x1, s6, s6, $0xb8;
	[tilespmem:$0x15BA8] =	vst v63  }
0x465: {  	_ =	swait.ge [sflag:s16], $0x1000  }
0x466: {  	s28 =	sld [smem:$0x7F9]  }
0x467: {  	[sflag:s16] =	ssyncset.done $0x0  }
0x468: {  	s31 =	sld [smem:$0x7FA];
	[sflag:s16] =	ssyncadd.s32 $0xFFFFF000  }
0x469: {  	[tilespmem:s6], [sflag:$0x2] =	stream.linear.gather [hbm4b:s28+s2], $0x1000, $0x38;
	[tilespmem:$0x15BA8] =	vst v63  }
0x46a: {  	_ = 	snop  }
0x46b: {  	[hbm4b:s31+s2] =	stream.linear.scatter [tilespmem:s14], [sflag:$0x6], $0x1000, $0x38;
	[tilespmem:$0x15BA8] =	vst v63  }
0x46c: {  	_ =	swait.ge [sflag:s8], $0x1000  }
0x46d: {  	[sflag:s8] =	ssyncset.done $0x0  }
0x46e: {  	[sflag:s8] =	ssyncadd.s32 $0xFFFFF000  }
0x46f: {  	_ =	swait.ge [sflag:s10], $0x1000  }
0x470: {  	[sflag:s10] =	ssyncset.done $0x0  }
0x471: {  	[sflag:s10] =	ssyncadd.s32 $0xFFFFF000  }
0x472: {  	[tilespmem:s5], [sflag:$0x3] =	stream.indirect.gather [spmem:s3], $0x1, s2, s6, $0xb8;
	[tilespmem:$0x15BA8] =	vst v63  }
0x473: {  	_ =	swait.ge [sflag:s7], $0x1000  }
0x474: {  	s26 =	sld [smem:$0x7FB]  }
0x475: {  	[sflag:s7] =	ssyncset.done $0x0  }
0x476: {  	s28 =	sld [smem:$0x7FC];
	[sflag:s7] =	ssyncadd.s32 $0xFFFFF000  }
0x477: {  	[tilespmem:s2], [sflag:$0x1] =	stream.linear.gather [hbm4b:s26+s2], $0x1000, $0x38;
	[tilespmem:$0x15BA8] =	vst v63  }
0x478: {  	_ = 	snop  }
0x479: {  	[hbm4b:s28+s2] =	stream.linear.scatter [tilespmem:s5], [sflag:$0x5], $0x1000, $0x38;
	[tilespmem:$0x15BA8] =	vst v63  }
0x47a: {  	_ =	swait.ge [sflag:s11], $0x1000  }
0x47b: {  	[sflag:s11] =	ssyncset.done $0x0  }
0x47c: {  	[sflag:s11] =	ssyncadd.s32 $0xFFFFF000  }
0x47d: {  	_ =	swait.ge [sflag:s15], $0x1000  }
0x47e: {  	[sflag:s15] =	ssyncset.done $0x0  }
0x47f: {  	[sflag:s15] =	ssyncadd.s32 $0xFFFFF000  }
0x480: {  	[tilespmem:s14], [sflag:$0x4] =	stream.indirect.gather [spmem:s3], $0x1, s6, s6, $0xb8;
	[tilespmem:$0x15BA8] =	vst v63  }
0x481: {  	_ =	swait.ge [sflag:s16], $0x1000  }
0x482: {  	s31 =	sld [smem:$0x7FD]  }
0x483: {  	[sflag:s16] =	ssyncset.done $0x0  }
0x484: {  	[sflag:s16] =	ssyncadd.s32 $0xFFFFF000  }
0x485: {  	[tilespmem:s6], [sflag:$0x2] =	stream.linear.gather [hbm4b:s31+s2], $0x1000, $0x38;
	[tilespmem:$0x15BA8] =	vst v63  }
0x486: {  	_ = 	snop  }
0x487: {  	[hbm4b:s25+s2] =	stream.linear.scatter [tilespmem:s14], [sflag:$0x6], $0x1000, $0x38;
	[tilespmem:$0x15BA8] =	vst v63  }
0x488: {  	_ =	swait.ge [sflag:s8], $0x1000  }
0x489: {  	[sflag:s8] =	ssyncset.done $0x0  }
0x48a: {  	[sflag:s8] =	ssyncadd.s32 $0xFFFFF000  }
0x48b: {  	_ =	swait.ge [sflag:s10], $0x1000  }
0x48c: {  	[sflag:s10] =	ssyncset.done $0x0  }
0x48d: {  	[sflag:s10] =	ssyncadd.s32 $0xFFFFF000  }
0x48e: {  	[tilespmem:s5], [sflag:$0x3] =	stream.indirect.gather [spmem:s3], $0x1, s2, s6, $0xb8;
	[tilespmem:$0x15BA8] =	vst v63  }
0x48f: {  	_ =	swait.ge [sflag:s7], $0x1000  }
0x490: {  	[sflag:s7] =	ssyncset.done $0x0  }
0x491: {  	[sflag:s7] =	ssyncadd.s32 $0xFFFFF000  }
0x492: {  	[tilespmem:s2], [sflag:$0x1] =	stream.linear.gather [hbm4b:s23+s2], $0x1000, $0x38;
	[tilespmem:$0x15BA8] =	vst v63  }
0x493: {  	_ = 	snop  }
0x494: {  	[hbm4b:s24+s2] =	stream.linear.scatter [tilespmem:s5], [sflag:$0x5], $0x1000, $0x38;
	[tilespmem:$0x15BA8] =	vst v63  }
0x495: {  	_ =	swait.ge [sflag:s11], $0x1000  }
0x496: {  	[sflag:s11] =	ssyncset.done $0x0  }
0x497: {  	[sflag:s11] =	ssyncadd.s32 $0xFFFFF000  }
0x498: {  	_ =	swait.ge [sflag:s15], $0x1000  }
0x499: {  	[sflag:s15] =	ssyncset.done $0x0  }
0x49a: {  	[sflag:s15] =	ssyncadd.s32 $0xFFFFF000  }
0x49b: {  	[tilespmem:s14], [sflag:$0x4] =	stream.indirect.gather [spmem:s3], $0x1, s6, s6, $0xb8;
	[tilespmem:$0x15BA8] =	vst v63  }
0x49c: {  	_ =	swait.ge [sflag:s16], $0x1000  }
0x49d: {  	[sflag:s16] =	ssyncset.done $0x0  }
0x49e: {  	[sflag:s16] =	ssyncadd.s32 $0xFFFFF000  }
0x49f: {  	[tilespmem:s6], [sflag:$0x2] =	stream.linear.gather [hbm4b:s21+s2], $0x1000, $0x38;
	[tilespmem:$0x15BA8] =	vst v63  }
0x4a0: {  	_ = 	snop  }
0x4a1: {  	[hbm4b:s22+s2] =	stream.linear.scatter [tilespmem:s14], [sflag:$0x6], $0x1000, $0x38;
	[tilespmem:$0x15BA8] =	vst v63  }
0x4a2: {  	_ =	swait.ge [sflag:s8], $0x1000  }
0x4a3: {  	[sflag:s8] =	ssyncset.done $0x0  }
0x4a4: {  	[sflag:s8] =	ssyncadd.s32 $0xFFFFF000  }
0x4a5: {  	_ =	swait.ge [sflag:s10], $0x1000  }
0x4a6: {  	[sflag:s10] =	ssyncset.done $0x0  }
0x4a7: {  	[sflag:s10] =	ssyncadd.s32 $0xFFFFF000  }
0x4a8: {  	[tilespmem:s5], [sflag:$0x3] =	stream.indirect.gather [spmem:s3], $0x1, s2, s6, $0xb8;
	[tilespmem:$0x15BA8] =	vst v63  }
0x4a9: {  	_ =	swait.ge [sflag:s7], $0x1000  }
0x4aa: {  	[sflag:s7] =	ssyncset.done $0x0  }
0x4ab: {  	[sflag:s7] =	ssyncadd.s32 $0xFFFFF000  }
0x4ac: {  	[tilespmem:s2], [sflag:$0x1] =	stream.linear.gather [hbm4b:s19+s2], $0x1000, $0x38;
	[tilespmem:$0x15BA8] =	vst v63  }
0x4ad: {  	_ = 	snop  }
0x4ae: {  	[hbm4b:s20+s2] =	stream.linear.scatter [tilespmem:s5], [sflag:$0x5], $0x1000, $0x38;
	[tilespmem:$0x15BA8] =	vst v63  }
0x4af: {  	_ =	swait.ge [sflag:s11], $0x1000  }
0x4b0: {  	[sflag:s11] =	ssyncset.done $0x0  }
0x4b1: {  	[sflag:s11] =	ssyncadd.s32 $0xFFFFF000  }
0x4b2: {  	_ =	swait.ge [sflag:s15], $0x1000  }
0x4b3: {  	[sflag:s15] =	ssyncset.done $0x0  }
0x4b4: {  	[sflag:s15] =	ssyncadd.s32 $0xFFFFF000  }
0x4b5: {  	[tilespmem:s14], [sflag:$0x4] =	stream.indirect.gather [spmem:s3], $0x1, s6, s6, $0xb8;
	[tilespmem:$0x15BA8] =	vst v63  }
0x4b6: {  	_ =	swait.ge [sflag:s16], $0x1000  }
0x4b7: {  	[sflag:s16] =	ssyncset.done $0x0  }
0x4b8: {  	[sflag:s16] =	ssyncadd.s32 $0xFFFFF000  }
0x4b9: {  	[tilespmem:s6], [sflag:$0x2] =	stream.linear.gather [hbm4b:s17+s2], $0x1000, $0x38;
	[tilespmem:$0x15BA8] =	vst v63  }
0x4ba: {  	_ = 	snop  }
0x4bb: {  	[hbm4b:s18+s2] =	stream.linear.scatter [tilespmem:s14], [sflag:$0x6], $0x1000, $0x38;
	[tilespmem:$0x15BA8] =	vst v63  }
0x4bc: {  	_ =	swait.ge [sflag:s8], $0x1000  }
0x4bd: {  	[sflag:s8] =	ssyncset.done $0x0  }
0x4be: {  	[sflag:s8] =	ssyncadd.s32 $0xFFFFF000  }
0x4bf: {  	_ =	swait.ge [sflag:s10], $0x1000  }
0x4c0: {  	[sflag:s10] =	ssyncset.done $0x0  }
0x4c1: {  	[sflag:s10] =	ssyncadd.s32 $0xFFFFF000  }
0x4c2: {  	[tilespmem:s5], [sflag:$0x3] =	stream.indirect.gather [spmem:s3], $0x1, s2, s6, $0xb8;
	[tilespmem:$0x15BA8] =	vst v63  }
0x4c3: {  	_ =	swait.ge [sflag:s7], $0x1000  }
0x4c4: {  	[sflag:s7] =	ssyncset.done $0x0  }
0x4c5: {  	[sflag:s7] =	ssyncadd.s32 $0xFFFFF000  }
0x4c6: {  	[tilespmem:s2], [sflag:$0x1] =	stream.linear.gather [hbm4b:s12+s2], $0x1000, $0x38;
	[tilespmem:$0x15BA8] =	vst v63  }
0x4c7: {  	_ = 	snop  }
0x4c8: {  	[hbm4b:s13+s2] =	stream.linear.scatter [tilespmem:s5], [sflag:$0x5], $0x1000, $0x38;
	[tilespmem:$0x15BA8] =	vst v63  }
0x4c9: {  	_ =	swait.ge [sflag:s11], $0x1000  }
0x4ca: {  	[sflag:s11] =	ssyncset.done $0x0  }
0x4cb: {  	[sflag:s11] =	ssyncadd.s32 $0xFFFFF000  }
0x4cc: {  	_ =	swait.ge [sflag:s15], $0x1000  }
0x4cd: {  	[sflag:s15] =	ssyncset.done $0x0  }
0x4ce: {  	[sflag:s15] =	ssyncadd.s32 $0xFFFFF000  }
0x4cf: {  	[tilespmem:s14], [sflag:$0x4] =	stream.indirect.gather [spmem:s3], $0x1, s6, s6, $0xb8;
	[tilespmem:$0x15BA8] =	vst v63  }
0x4d0: {  	_ =	swait.ge [sflag:s16], $0x1000  }
0x4d1: {  	[sflag:s16] =	ssyncset.done $0x0  }
0x4d2: {  	[sflag:s16] =	ssyncadd.s32 $0xFFFFF000  }
0x4d3: {  	[hbm4b:s9+s2] =	stream.linear.scatter [tilespmem:s14], [sflag:$0x6], $0x1000, $0x38;
	[tilespmem:$0x15BA8] =	vst v63  }
0x4d4: {  	_ =	swait.ge [sflag:s8], $0x1000  }
0x4d5: {  	[sflag:s8] =	ssyncset.done $0x0  }
0x4d6: {  	[sflag:s8] =	ssyncadd.s32 $0xFFFFF000  }
0x4d7: {  	_ =	swait.ge [sflag:s10], $0x1000  }
0x4d8: {  	[sflag:s10] =	ssyncset.done $0x0  }
0x4d9: {  	[sflag:s10] =	ssyncadd.s32 $0xFFFFF000  }
0x4da: {  	[tilespmem:s5], [sflag:$0x3] =	stream.indirect.gather [spmem:s3], $0x1, s2, s6, $0xb8;
	[tilespmem:$0x15BA8] =	vst v63  }
0x4db: {  	_ =	swait.ge [sflag:s7], $0x1000  }
0x4dc: {  	[sflag:s7] =	ssyncset.done $0x0  }
0x4dd: {  	[sflag:s7] =	ssyncadd.s32 $0xFFFFF000  }
0x4de: {  	[hbm4b:s4+s2] =	stream.linear.scatter [tilespmem:s5], [sflag:$0x5], $0x1000, $0x38;
	[tilespmem:$0x15BA8] =	vst v63  }
0x4df: {  	_ =	swait.ge [sflag:s11], $0x1000  }
0x4e0: {  	[sflag:s11] =	ssyncset.done $0x0  }
0x4e1: {  	[sflag:s11] =	ssyncadd.s32 $0xFFFFF000  }
0x4e2: {  	_ =	swait.ge [sflag:s8], $0x1000  }
0x4e3: {  	[sflag:s8] =	ssyncset.done $0x0  }
0x4e4: {  	[sflag:s8] =	ssyncadd.s32 $0xFFFFF000  }
0x4e5: {  	_ =	sfence.sel $0x180000  }
0x4e6: {  	[bflag:$0x0] =	sbarrier.arrive $0xFFFF  }
0x4e7: {  	p0 =	sne.s32 s30, $0x0;
	_ =	strace $0x90000047  }
0x4e8: {  	s0 =	sadd.s32 @!p0 $0x100000, s29;
	[bflag:$0x2] =	sbarrier.arrive $0xFFFF  }
0x4e9: {  	[sflag:s0] =	ssyncadd.tile.s32 @!p0 $0x1;
	_ =	shalt  }
.LBB2_2:
.Ltmp3:
0x4ea: {  	(pc) =	sbr.rel .LBB2_5-.Ltmp3, $2  }
0x4eb: {  	_ =	sdelay $0x2  }
0x4ec: {  	s29 =	rddreg [dreg:$0x4];
	s30 =	stileid.u32  }
.Lfunc_end2:
_tile_overlayer_lowered:
.L_overlay_start_2:
0x4ed: {  	(tag) =	ssettag $0x2  }
0x4ee: {  	s0 =	rddreg [dreg:$0x0];
	s2 =	stileid.u32  }
0x4ef: {  	s1 =	rddreg [dreg:$0x1];
	p0 =	sne.s32 s2, $0x0  }
0x4f0: {  	s3 =	rddreg [dreg:$0x2];
	[bflag:$0x3] =	sbarrier.arrive $0xFFFF;
	s2 =	simm.s32 @!p0 $0x1C07  }
0x4f1: {  	[timem:s3], [sflag:s2] =	dma.local @!p0 [hbm:s0], s1  }
0x4f2: {  	s0 =	simm.s32 @!p0 $0x7  }
0x4f3: {  	_ =	swait.ge @!p0 [sflag:s0], s1  }
0x4f4: {  	s1 =	ssub.s32 @!p0 $0x0, s1;
	[sflag:s0] =	ssyncset.done @!p0 $0x0  }
0x4f5: {  	[sflag:s0] =	ssyncadd.s32 @!p0 s1  }
0x4f6: {  	[bflag:$0x3] =	sbarrier.arrive $0xFFFF  }
0x4f7: {  	_ =	shalt  }

</sc_bundles>
